<compile_context>
chip_gen: v7x
topology: tpu7x:2x2x1
jax: 0.10.2.dev20260603
libtpu: 0.0.44.dev20260713+nightly
codegen_flags: <defaults>
</compile_context>

<pallas_src>
import functools

import jax
import jax.numpy as jnp
from jax import lax
from jax.experimental import pallas as pl
from jax.experimental.pallas import tpu as pltpu
from jax.experimental.pallas import tpu_sc as plsc

F32 = jnp.float32

NC = 2
NS = 16
NW = NC * NS
CH = 128


def _round_up(a, m):
    return (a + m - 1) // m * m


def _tables_body(x_ref, wa_ref, wb_ref, b1_ref, ta_ref, tb_ref):
    xb = x_ref[...]
    ta_ref[...] = jnp.dot(xb, wa_ref[...], preferred_element_type=F32)
    tb_ref[...] = jnp.dot(xb, wb_ref[...],
                          preferred_element_type=F32) + b1_ref[...]


def _build_tables(x, waT, wbT, b1):
    n, d = x.shape
    bn = 1000
    grid = n // bn
    return pl.pallas_call(
        _tables_body,
        grid=(grid,),
        in_specs=[
            pl.BlockSpec((bn, d), lambda i: (i, 0)),
            pl.BlockSpec((d, d), lambda i: (0, 0)),
            pl.BlockSpec((d, d), lambda i: (0, 0)),
            pl.BlockSpec((1, d), lambda i: (0, 0)),
        ],
        out_specs=[
            pl.BlockSpec((bn, d), lambda i: (i, 0)),
            pl.BlockSpec((bn, d), lambda i: (i, 0)),
        ],
        out_shape=[
            jax.ShapeDtypeStruct((n, d), F32),
            jax.ShapeDtypeStruct((n, d), F32),
        ],
    )(x, waT, wbT, b1)


def _gather_kernel(e_pad, dw, tiled, p0, p1):
    assert NS * (p0 + p1) * 2 * CH == e_pad
    nslice = dw // 16
    mesh = plsc.VectorSubcoreMesh(
        core_axis_name="c", subcore_axis_name="s",
        num_cores=NC, num_subcores=NS)
    params = None if tiled else pltpu.CompilerParams(use_tc_tiling_on_sc=False)

    @functools.partial(
        pl.kernel,
        out_type=jax.ShapeDtypeStruct((e_pad, dw), F32),
        mesh=mesh,
        compiler_params=params,
        scratch_types=[
            pltpu.VMEM((CH,), jnp.int32),
            pltpu.VMEM((CH,), jnp.int32),
            pltpu.VMEM((CH, dw), F32),
            pltpu.VMEM((CH, dw), F32),
            pltpu.VMEM((CH,), jnp.int32),
            pltpu.VMEM((CH,), jnp.int32),
            pltpu.VMEM((CH, dw), F32),
            pltpu.VMEM((CH, dw), F32),
            pltpu.SemaphoreType.DMA,
            pltpu.SemaphoreType.DMA,
            pltpu.SemaphoreType.DMA,
            pltpu.SemaphoreType.DMA,
        ],
    )
    def k(ta_hbm, tb_hbm, send_hbm, rec_hbm, h_hbm,
          sidx0, ridx0, bs0, br0, sidx1, ridx1, bs1, br1, g0, g1, s0, s1):
        cid = lax.axis_index("c")
        sid = lax.axis_index("s")
        npair = jnp.where(cid == 0, p0, p1)
        base = jnp.where(cid == 0, sid * p0, NS * p0 + sid * p1) * 2 * CH

        def addstore(bs, br, off, sem):
            def addrow(r, c2):
                for j in range(nslice):
                    sl = pl.ds(j * 16, 16)
                    bs[r, sl] = bs[r, sl] + br[r, sl]
                return c2

            lax.fori_loop(0, CH, addrow, 0)
            pltpu.async_copy(bs, h_hbm.at[pl.ds(off, CH)], sem)

        def pair(j, carry):
            off0 = base + (2 * j) * CH
            off1 = off0 + CH

            @pl.when(j > 0)
            def _drain():
                pltpu.make_async_copy(
                    bs0, h_hbm.at[pl.ds(base, CH)], s0).wait()
                pltpu.make_async_copy(
                    bs1, h_hbm.at[pl.ds(base, CH)], s1).wait()

            pltpu.sync_copy(send_hbm.at[pl.ds(off0, CH)], sidx0)
            pltpu.sync_copy(rec_hbm.at[pl.ds(off0, CH)], ridx0)
            pltpu.async_copy(ta_hbm.at[sidx0], bs0, g0)
            pltpu.async_copy(tb_hbm.at[ridx0], br0, g0)
            pltpu.sync_copy(send_hbm.at[pl.ds(off1, CH)], sidx1)
            pltpu.sync_copy(rec_hbm.at[pl.ds(off1, CH)], ridx1)
            pltpu.async_copy(ta_hbm.at[sidx1], bs1, g1)
            pltpu.async_copy(tb_hbm.at[ridx1], br1, g1)

            pltpu.make_async_copy(ta_hbm.at[sidx0], bs0, g0).wait()
            pltpu.make_async_copy(tb_hbm.at[ridx0], br0, g0).wait()
            addstore(bs0, br0, off0, s0)
            pltpu.make_async_copy(ta_hbm.at[sidx1], bs1, g1).wait()
            pltpu.make_async_copy(tb_hbm.at[ridx1], br1, g1).wait()
            addstore(bs1, br1, off1, s1)
            return carry

        lax.fori_loop(0, npair, pair, 0)
        pltpu.make_async_copy(bs0, h_hbm.at[pl.ds(base, CH)], s0).wait()
        pltpu.make_async_copy(bs1, h_hbm.at[pl.ds(base, CH)], s1).wait()

    return k


def _gather2_kernel(e_half, d):
    dw = d + 16
    bch = 64
    epw = e_half // NW
    npair = epw // (2 * bch)
    mesh = plsc.VectorSubcoreMesh(
        core_axis_name="c", subcore_axis_name="s",
        num_cores=NC, num_subcores=NS)

    @functools.partial(
        pl.kernel,
        out_type=[jax.ShapeDtypeStruct((e_half, d), F32),
                  jax.ShapeDtypeStruct((e_half, 16), F32)],
        mesh=mesh,
        compiler_params=pltpu.CompilerParams(use_tc_tiling_on_sc=False),
        scratch_types=[
            pltpu.VMEM((bch,), jnp.int32),
            pltpu.VMEM((bch,), jnp.int32),
            pltpu.VMEM((bch, dw), F32),
            pltpu.VMEM((bch, dw), F32),
            pltpu.VMEM((bch, d), F32),
            pltpu.VMEM((bch, 16), F32),
            pltpu.VMEM((bch,), jnp.int32),
            pltpu.VMEM((bch,), jnp.int32),
            pltpu.VMEM((bch, dw), F32),
            pltpu.VMEM((bch, dw), F32),
            pltpu.VMEM((bch, d), F32),
            pltpu.VMEM((bch, 16), F32),
            pltpu.SemaphoreType.DMA,
            pltpu.SemaphoreType.DMA,
            pltpu.SemaphoreType.DMA,
            pltpu.SemaphoreType.DMA,
        ],
    )
    def k(gs_hbm, gr_hbm, send_hbm, rec_hbm, h_hbm, pd_hbm,
          si0, ri0, ga0, gb0, ho0, po0, si1, ri1, ga1, gb1, ho1, po1,
          g0, g1, s0, s1):
        cid = lax.axis_index("c")
        sid = lax.axis_index("s")
        wid = sid * NC + cid
        base = wid * epw

        def addstore(ga, gb, ho, po, off, sem):
            def addrow(r, c2):
                for j in range(dw // 16):
                    sl = pl.ds(j * 16, 16)
                    v = ga[r, sl] + gb[r, sl]
                    if j < d // 16:
                        ho[r, sl] = v
                    else:
                        po[r, pl.ds(0, 16)] = v
                return c2

            lax.fori_loop(0, bch, addrow, 0)
            pltpu.async_copy(ho, h_hbm.at[pl.ds(off, bch)], sem)
            pltpu.async_copy(po, pd_hbm.at[pl.ds(off, bch)], sem)

        def pair(j, carry):
            off0 = base + (2 * j) * bch
            off1 = off0 + bch

            @pl.when(j > 0)
            def _drain():
                pltpu.make_async_copy(
                    ho0, h_hbm.at[pl.ds(base, bch)], s0).wait()
                pltpu.make_async_copy(
                    po0, pd_hbm.at[pl.ds(base, bch)], s0).wait()
                pltpu.make_async_copy(
                    ho1, h_hbm.at[pl.ds(base, bch)], s1).wait()
                pltpu.make_async_copy(
                    po1, pd_hbm.at[pl.ds(base, bch)], s1).wait()

            pltpu.sync_copy(send_hbm.at[pl.ds(off0, bch)], si0)
            pltpu.sync_copy(rec_hbm.at[pl.ds(off0, bch)], ri0)
            pltpu.async_copy(gs_hbm.at[si0], ga0, g0)
            pltpu.async_copy(gr_hbm.at[ri0], gb0, g0)
            pltpu.sync_copy(send_hbm.at[pl.ds(off1, bch)], si1)
            pltpu.sync_copy(rec_hbm.at[pl.ds(off1, bch)], ri1)
            pltpu.async_copy(gs_hbm.at[si1], ga1, g1)
            pltpu.async_copy(gr_hbm.at[ri1], gb1, g1)

            pltpu.make_async_copy(gs_hbm.at[si0], ga0, g0).wait()
            pltpu.make_async_copy(gr_hbm.at[ri0], gb0, g0).wait()
            addstore(ga0, gb0, ho0, po0, off0, s0)
            pltpu.make_async_copy(gs_hbm.at[si1], ga1, g1).wait()
            pltpu.make_async_copy(gr_hbm.at[ri1], gb1, g1).wait()
            addstore(ga1, gb1, ho1, po1, off1, s1)
            return carry

        lax.fori_loop(0, npair, pair, 0)
        pltpu.make_async_copy(ho0, h_hbm.at[pl.ds(base, bch)], s0).wait()
        pltpu.make_async_copy(po0, pd_hbm.at[pl.ds(base, bch)], s0).wait()
        pltpu.make_async_copy(ho1, h_hbm.at[pl.ds(base, bch)], s1).wait()
        pltpu.make_async_copy(po1, pd_hbm.at[pl.ds(base, bch)], s1).wait()

    return k


def _edge_body(h_ref, pd_ref, w1c_ref, w2_ref, b2_ref, m_ref):
    d = w2_ref.shape[0]
    be = h_ref.shape[0]
    h1 = h_ref[...]
    pd = pd_ref[...]
    dz = pd.reshape(be // 8, 8, 16)
    d2 = jnp.sum(dz * dz, axis=2)
    dist = jnp.sqrt(d2 + 1e-12).reshape(be, 1)
    h = jax.nn.silu(h1 + dist * w1c_ref[...])
    t = jnp.dot(h, w2_ref[...], preferred_element_type=F32) + b2_ref[...]
    m_ref[...] = jax.nn.silu(t)


def _edge_mlp(h, pd2, w1c, w2T, b2):
    e_pad, d = h.shape
    be = 2048
    grid = e_pad // be
    return pl.pallas_call(
        _edge_body,
        grid=(grid,),
        in_specs=[
            pl.BlockSpec((be, d), lambda i: (i, 0)),
            pl.BlockSpec((be // 8, d), lambda i: (i, 0)),
            pl.BlockSpec((1, d), lambda i: (0, 0)),
            pl.BlockSpec((d, d), lambda i: (0, 0)),
            pl.BlockSpec((1, d), lambda i: (0, 0)),
        ],
        out_specs=pl.BlockSpec((be, d), lambda i: (i, 0)),
        out_shape=jax.ShapeDtypeStruct((e_pad, d), F32),
    )(h, pd2, w1c, w2T, b2)


def _agg_kernel(e_pad, n_sh, d):
    epw = e_pad // NW
    nchunk = epw // CH
    rows_per_tile = n_sh // NS
    ozchunk = rows_per_tile // CH
    mesh = plsc.VectorSubcoreMesh(
        core_axis_name="c", subcore_axis_name="s",
        num_cores=NC, num_subcores=NS)

    npair = nchunk // 2

    @functools.partial(
        pl.kernel,
        out_type=jax.ShapeDtypeStruct((NC, n_sh, d), F32),
        mesh=mesh,
        scratch_types=[
            pltpu.VMEM((CH,), jnp.int32),
            pltpu.VMEM((CH, d), F32),
            pltpu.VMEM((CH,), jnp.int32),
            pltpu.VMEM((CH, d), F32),
            pltpu.VMEM_SHARED((n_sh, d), F32),
            pltpu.SemaphoreType.DMA,
            pltpu.SemaphoreType.DMA,
            pltpu.SemaphoreType.DMA,
            pltpu.SemaphoreType.DMA,
        ],
    )
    def k(rec_hbm, m_hbm, out_hbm, ridx0, mb0, ridx1, mb1, shared,
          g0, g1, s0, s1):
        cid = lax.axis_index("c")
        sid = lax.axis_index("s")
        wid = sid * NC + cid
        tbase = sid * rows_per_tile

        def zrow(r, c2):
            for j in range(d // 16):
                mb0[r, pl.ds(j * 16, 16)] = jnp.zeros((16,), F32)
            return c2

        lax.fori_loop(0, CH, zrow, 0)

        def zchunk(i, c2):
            pltpu.sync_copy(mb0, shared.at[pl.ds(tbase + i * CH, CH)])
            return c2

        lax.fori_loop(0, ozchunk, zchunk, 0)
        plsc.subcore_barrier()

        base = wid * epw

        def pair(j, c2):
            off0 = base + (2 * j) * CH
            off1 = off0 + CH

            @pl.when(j > 0)
            def _drain():
                pltpu.make_async_copy(mb0, shared.at[ridx0], s0).wait()
                pltpu.make_async_copy(mb1, shared.at[ridx1], s1).wait()

            pltpu.sync_copy(rec_hbm.at[pl.ds(off0, CH)], ridx0)
            pltpu.async_copy(m_hbm.at[pl.ds(off0, CH)], mb0, g0)
            pltpu.sync_copy(rec_hbm.at[pl.ds(off1, CH)], ridx1)
            pltpu.async_copy(m_hbm.at[pl.ds(off1, CH)], mb1, g1)
            pltpu.make_async_copy(m_hbm.at[pl.ds(off0, CH)], mb0, g0).wait()
            pltpu.async_copy(mb0, shared.at[ridx0], s0, add=True)
            pltpu.make_async_copy(m_hbm.at[pl.ds(off1, CH)], mb1, g1).wait()
            pltpu.async_copy(mb1, shared.at[ridx1], s1, add=True)
            return c2

        lax.fori_loop(0, npair, pair, 0)
        pltpu.make_async_copy(mb0, shared.at[ridx0], s0).wait()
        pltpu.make_async_copy(mb1, shared.at[ridx1], s1).wait()
        plsc.subcore_barrier()

        def ochunk(i, c2):
            sl = pl.ds(tbase + i * CH, CH)
            pltpu.sync_copy(shared.at[sl], out_hbm.at[cid, sl])
            return c2

        lax.fori_loop(0, ozchunk, ochunk, 0)

    return k


def _node_body(x_ref, p0_ref, p1_ref, p2_ref, p3_ref,
               w3a_ref, w3b_ref, b3_ref, w4_ref, b4_ref, out_ref):
    xb = x_ref[...]
    aggr = (p0_ref[...] + p1_ref[...]) + (p2_ref[...] + p3_ref[...])
    u = jax.nn.silu(
        jnp.dot(xb, w3a_ref[...], preferred_element_type=F32)
        + jnp.dot(aggr, w3b_ref[...], preferred_element_type=F32)
        + b3_ref[...])
    out_ref[...] = jnp.dot(u, w4_ref[...], preferred_element_type=F32) \
        + b4_ref[...]


def _node_mlp(x, ps, w3aT, w3bT, b3, w4T, b4):
    n, d = x.shape
    bn = 1000
    grid = n // bn
    return pl.pallas_call(
        _node_body,
        grid=(grid,),
        in_specs=[pl.BlockSpec((bn, d), lambda i: (i, 0))] * 5 + [
            pl.BlockSpec((d, d), lambda i: (0, 0)),
            pl.BlockSpec((d, d), lambda i: (0, 0)),
            pl.BlockSpec((1, d), lambda i: (0, 0)),
            pl.BlockSpec((d, d), lambda i: (0, 0)),
            pl.BlockSpec((1, d), lambda i: (0, 0)),
        ],
        out_specs=pl.BlockSpec((bn, d), lambda i: (i, 0)),
        out_shape=jax.ShapeDtypeStruct((n, d), F32),
    )(x, *ps, w3aT, w3bT, b3, w4T, b4)


def kernel(x, pos, edge_index, W1, b1, W2, b2, W3, b3, W4, b4):
    n, d = x.shape
    e = edge_index.shape[1]
    nhalf = 2
    e_pad = _round_up(e, NW * CH * 2 * nhalf)
    e_half = e_pad // nhalf
    n_sh = _round_up(n + 1, NS * CH)

    waT = W1[:, :d].T
    wbT = W1[:, d:2 * d].T
    w1c = W1[:, 2 * d].reshape(1, d)
    b1r = b1.reshape(1, d)
    w2T = W2.T
    b2r = b2.reshape(1, d)
    w3aT = W3[:, :d].T
    w3bT = W3[:, d:].T
    b3r = b3.reshape(1, d)
    w4T = W4.T
    b4r = b4.reshape(1, d)

    send = edge_index[0]
    rec = edge_index[1]
    pad = e_pad - e
    spread = (jnp.arange(pad, dtype=jnp.int32) * 37) % n
    send_p = jnp.concatenate([send, spread])
    rec_p = jnp.concatenate([rec, spread])
    rec_agg = jnp.concatenate([rec, jnp.full((pad,), n, jnp.int32)])

    pp = jnp.concatenate([pos, jnp.zeros((n, 13), F32)], axis=1)

    ta, tb = _build_tables(x, waT, wbT, b1r)
    gs = jnp.concatenate([ta, pp], axis=1)
    gr = jnp.concatenate([tb, -pp], axis=1)
    g2 = _gather2_kernel(e_half, d)
    ak = _agg_kernel(e_half, n_sh, d)

    parts = []
    for k in range(nhalf):
        sl = slice(k * e_half, (k + 1) * e_half)
        h1, pd = g2(gs, gr, send_p[sl], rec_p[sl])
        msgs = _edge_mlp(h1, pd.reshape(e_half // 8, d), w1c, w2T, b2r)
        parts.append(ak(rec_agg[sl], msgs))

    ps = [parts[k][c, :n] for k in range(nhalf) for c in range(NC)]
    update = _node_mlp(x, ps, w3aT, w3bT, b3r, w4T, b4r)
    return update

# --- scband reference (transcript-rebuilt; emitter-appended) ---
"""Pipeline reference for scband-egnnlayer-36335423324795 (READ-ONLY COPY).

The authoritative reference and input builder live on the scoring server;
editing this copy changes nothing except your own understanding.
"""

import jax, jax.numpy as jnp
import numpy as np

N = 10000
E = 320000
D = 128

def _linear_params(key, fan_in, fan_out):
    bound = 1.0 / np.sqrt(fan_in)
    kw, kb = jax.random.split(key)
    W = jax.random.uniform(kw, (fan_out, fan_in), minval=-bound, maxval=bound, dtype=jnp.float32)
    b = jax.random.uniform(kb, (fan_out,), minval=-bound, maxval=bound, dtype=jnp.float32)
    return W, b

def setup_inputs(seed: int = 0) -> dict:
    key = jax.random.key(seed)
    ks = jax.random.split(key, 8)
    x = jax.random.normal(ks[0], (N, D), dtype=jnp.float32)
    pos = jax.random.normal(ks[1], (N, 3), dtype=jnp.float32)
    edge_index = jax.random.randint(ks[2], (2, E), 0, N, dtype=jnp.int32)
    # message_mlp: Linear(2*D+1, D) -> SiLU -> Linear(D, D) -> SiLU
    W1, b1 = _linear_params(ks[3], 2 * D + 1, D)
    W2, b2 = _linear_params(ks[4], D, D)
    # update_mlp: Linear(2*D, D) -> SiLU -> Linear(D, D)
    W3, b3 = _linear_params(ks[5], 2 * D, D)
    W4, b4 = _linear_params(ks[6], D, D)
    return {"x": x, "pos": pos, "edge_index": edge_index,
            "W1": W1, "b1": b1, "W2": W2, "b2": b2,
            "W3": W3, "b3": b3, "W4": W4, "b4": b4}

def reference(x, pos, edge_index, W1, b1, W2, b2, W3, b3, W4, b4):
    send = edge_index[0]
    rec = edge_index[1]
    diff = pos[send] - pos[rec]
    dist = jnp.sqrt(jnp.sum(diff * diff, axis=1) + 1e-12)
    state = jnp.concatenate([x[send], x[rec], dist[:, None]], axis=1)
    h = jax.nn.silu(state @ W1.T + b1)
    message = jax.nn.silu(h @ W2.T + b2)
    aggr = jax.ops.segment_sum(message, rec, num_segments=x.shape[0])
    u = jax.nn.silu(jnp.concatenate([x, aggr], axis=1) @ W3.T + b3)
    update = u @ W4.T + b4
    return update

if __name__ == "__main__":
    import jax
    _d = setup_inputs()
    print(jax.jit(kernel)(*tuple(_d.values())))

</pallas_src>

<mosaic_0001>
#map = affine_map<(d0, d1) -> (0)>
#map1 = affine_map<(d0, d1) -> (0, 0)>
#map2 = affine_map<(d0, d1) -> (0, 0, 0)>
module attributes {stable_mosaic.version = 14 : i64} {
  func.func @k(%arg0: i32, %arg1: i32, %arg2: memref<163840xi32, #tpu.memory_space<hbm>>, %arg3: memref<163840x128xf32, #tpu.memory_space<hbm>>, %arg4: memref<2x10240x128xf32, #tpu.memory_space<hbm>>, %arg5: memref<128xi32, #tpu.memory_space<vmem>>, %arg6: memref<128x128xf32, #tpu.memory_space<vmem>>, %arg7: memref<128xi32, #tpu.memory_space<vmem>>, %arg8: memref<128x128xf32, #tpu.memory_space<vmem>>, %arg9: memref<10240x128xf32, #tpu.memory_space<vmem_shared>>, %arg10: memref<!tpu.dma_semaphore, #tpu.memory_space<semaphore_mem>>, %arg11: memref<!tpu.dma_semaphore, #tpu.memory_space<semaphore_mem>>, %arg12: memref<!tpu.dma_semaphore, #tpu.memory_space<semaphore_mem>>, %arg13: memref<!tpu.dma_semaphore, #tpu.memory_space<semaphore_mem>>) attributes {dimension_semantics = [#tpu.dimension_semantics<core_parallel>, #tpu.dimension_semantics<subcore_parallel>], iteration_bounds = array<i64: 2, 16>, scalar_prefetch = 0 : i64, scratch_operands = 9 : i64, tpu.core_type = #tpu.core_type<sc_vector_subcore>, window_params = [{transform_indices = #map}, {transform_indices = #map1}, {transform_indices = #map2}]} {
    %mul3A = arith.constant 2 : i32
    %mul3A_0 = arith.muli %arg1, %mul3A : i32
    %add3A = arith.addi %mul3A_0, %arg0 : i32
    %mul3A_1 = arith.constant 640 : i32
    %mul3A_2 = arith.muli %arg1, %mul3A_1 : i32
    %scan3A = arith.constant 0 : i32
    %scan3A_3 = arith.constant 0 : i32
    %scan3A_4 = arith.constant 128 : i32
    %scan3A_5 = arith.addi %scan3A_3, %scan3A_4 : i32
    %scan3A_6 = arith.constant 1 : i32
    scf.for %scan3A_34 = %scan3A_3 to %scan3A_5 step %scan3A_6  : i32 {
      %broadcast_in_dim3A = arith.constant 0.000000e+00 : f32
      %broadcast_in_dim3A_35 = vector.broadcast %broadcast_in_dim3A : f32 to vector<16xf32>
      %swap3A = arith.index_cast %scan3A_34 : i32 to index
      %swap3A_36 = arith.constant 0 : index
      %swap3A_37 = tpu.vector_load %arg6[%swap3A, %swap3A_36] {strides = array<i32>} : memref<128x128xf32, #tpu.memory_space<vmem>>, vector<1x16xf32>,
      %swap3A_38 = vector.shape_cast %swap3A_37 : vector<1x16xf32> to vector<16xf32>
      %swap3A_39 = vector.shape_cast %broadcast_in_dim3A_35 : vector<16xf32> to vector<1x16xf32>
      tpu.vector_store %arg6[%swap3A, %swap3A_36], %swap3A_39 {strides = array<i32>} : memref<128x128xf32, #tpu.memory_space<vmem>>, vector<1x16xf32>,
      %broadcast_in_dim3A_40 = arith.constant 0.000000e+00 : f32
      %broadcast_in_dim3A_41 = vector.broadcast %broadcast_in_dim3A_40 : f32 to vector<16xf32>
      %swap3A_42 = arith.index_cast %scan3A_34 : i32 to index
      %swap3A_43 = arith.constant 16 : index
      %swap3A_44 = tpu.vector_load %arg6[%swap3A_42, %swap3A_43] {strides = array<i32>} : memref<128x128xf32, #tpu.memory_space<vmem>>, vector<1x16xf32>,
      %swap3A_45 = vector.shape_cast %swap3A_44 : vector<1x16xf32> to vector<16xf32>
      %swap3A_46 = vector.shape_cast %broadcast_in_dim3A_41 : vector<16xf32> to vector<1x16xf32>
      tpu.vector_store %arg6[%swap3A_42, %swap3A_43], %swap3A_46 {strides = array<i32>} : memref<128x128xf32, #tpu.memory_space<vmem>>, vector<1x16xf32>,
      %broadcast_in_dim3A_47 = arith.constant 0.000000e+00 : f32
      %broadcast_in_dim3A_48 = vector.broadcast %broadcast_in_dim3A_47 : f32 to vector<16xf32>
      %swap3A_49 = arith.index_cast %scan3A_34 : i32 to index
      %swap3A_50 = arith.constant 32 : index
      %swap3A_51 = tpu.vector_load %arg6[%swap3A_49, %swap3A_50] {strides = array<i32>} : memref<128x128xf32, #tpu.memory_space<vmem>>, vector<1x16xf32>,
      %swap3A_52 = vector.shape_cast %swap3A_51 : vector<1x16xf32> to vector<16xf32>
      %swap3A_53 = vector.shape_cast %broadcast_in_dim3A_48 : vector<16xf32> to vector<1x16xf32>
      tpu.vector_store %arg6[%swap3A_49, %swap3A_50], %swap3A_53 {strides = array<i32>} : memref<128x128xf32, #tpu.memory_space<vmem>>, vector<1x16xf32>,
      %broadcast_in_dim3A_54 = arith.constant 0.000000e+00 : f32
      %broadcast_in_dim3A_55 = vector.broadcast %broadcast_in_dim3A_54 : f32 to vector<16xf32>
      %swap3A_56 = arith.index_cast %scan3A_34 : i32 to index
      %swap3A_57 = arith.constant 48 : index
      %swap3A_58 = tpu.vector_load %arg6[%swap3A_56, %swap3A_57] {strides = array<i32>} : memref<128x128xf32, #tpu.memory_space<vmem>>, vector<1x16xf32>,
      %swap3A_59 = vector.shape_cast %swap3A_58 : vector<1x16xf32> to vector<16xf32>
      %swap3A_60 = vector.shape_cast %broadcast_in_dim3A_55 : vector<16xf32> to vector<1x16xf32>
      tpu.vector_store %arg6[%swap3A_56, %swap3A_57], %swap3A_60 {strides = array<i32>} : memref<128x128xf32, #tpu.memory_space<vmem>>, vector<1x16xf32>,
      %broadcast_in_dim3A_61 = arith.constant 0.000000e+00 : f32
      %broadcast_in_dim3A_62 = vector.broadcast %broadcast_in_dim3A_61 : f32 to vector<16xf32>
      %swap3A_63 = arith.index_cast %scan3A_34 : i32 to index
      %swap3A_64 = arith.constant 64 : index
      %swap3A_65 = tpu.vector_load %arg6[%swap3A_63, %swap3A_64] {strides = array<i32>} : memref<128x128xf32, #tpu.memory_space<vmem>>, vector<1x16xf32>,
      %swap3A_66 = vector.shape_cast %swap3A_65 : vector<1x16xf32> to vector<16xf32>
      %swap3A_67 = vector.shape_cast %broadcast_in_dim3A_62 : vector<16xf32> to vector<1x16xf32>
      tpu.vector_store %arg6[%swap3A_63, %swap3A_64], %swap3A_67 {strides = array<i32>} : memref<128x128xf32, #tpu.memory_space<vmem>>, vector<1x16xf32>,
      %broadcast_in_dim3A_68 = arith.constant 0.000000e+00 : f32
      %broadcast_in_dim3A_69 = vector.broadcast %broadcast_in_dim3A_68 : f32 to vector<16xf32>
      %swap3A_70 = arith.index_cast %scan3A_34 : i32 to index
      %swap3A_71 = arith.constant 80 : index
      %swap3A_72 = tpu.vector_load %arg6[%swap3A_70, %swap3A_71] {strides = array<i32>} : memref<128x128xf32, #tpu.memory_space<vmem>>, vector<1x16xf32>,
      %swap3A_73 = vector.shape_cast %swap3A_72 : vector<1x16xf32> to vector<16xf32>
      %swap3A_74 = vector.shape_cast %broadcast_in_dim3A_69 : vector<16xf32> to vector<1x16xf32>
      tpu.vector_store %arg6[%swap3A_70, %swap3A_71], %swap3A_74 {strides = array<i32>} : memref<128x128xf32, #tpu.memory_space<vmem>>, vector<1x16xf32>,
      %broadcast_in_dim3A_75 = arith.constant 0.000000e+00 : f32
      %broadcast_in_dim3A_76 = vector.broadcast %broadcast_in_dim3A_75 : f32 to vector<16xf32>
      %swap3A_77 = arith.index_cast %scan3A_34 : i32 to index
      %swap3A_78 = arith.constant 96 : index
      %swap3A_79 = tpu.vector_load %arg6[%swap3A_77, %swap3A_78] {strides = array<i32>} : memref<128x128xf32, #tpu.memory_space<vmem>>, vector<1x16xf32>,
      %swap3A_80 = vector.shape_cast %swap3A_79 : vector<1x16xf32> to vector<16xf32>
      %swap3A_81 = vector.shape_cast %broadcast_in_dim3A_76 : vector<16xf32> to vector<1x16xf32>
      tpu.vector_store %arg6[%swap3A_77, %swap3A_78], %swap3A_81 {strides = array<i32>} : memref<128x128xf32, #tpu.memory_space<vmem>>, vector<1x16xf32>,
      %broadcast_in_dim3A_82 = arith.constant 0.000000e+00 : f32
      %broadcast_in_dim3A_83 = vector.broadcast %broadcast_in_dim3A_82 : f32 to vector<16xf32>
      %swap3A_84 = arith.index_cast %scan3A_34 : i32 to index
      %swap3A_85 = arith.constant 112 : index
      %swap3A_86 = tpu.vector_load %arg6[%swap3A_84, %swap3A_85] {strides = array<i32>} : memref<128x128xf32, #tpu.memory_space<vmem>>, vector<1x16xf32>,
      %swap3A_87 = vector.shape_cast %swap3A_86 : vector<1x16xf32> to vector<16xf32>
      %swap3A_88 = vector.shape_cast %broadcast_in_dim3A_83 : vector<16xf32> to vector<1x16xf32>
      tpu.vector_store %arg6[%swap3A_84, %swap3A_85], %swap3A_88 {strides = array<i32>} : memref<128x128xf32, #tpu.memory_space<vmem>>, vector<1x16xf32>,
    }
    %scan3A_7 = arith.constant 128 : i32
    %scan3A_8 = arith.constant 0 : i32
    %scan3A_9 = arith.constant 0 : i32
    %scan3A_10 = arith.constant 5 : i32
    %scan3A_11 = arith.addi %scan3A_9, %scan3A_10 : i32
    %scan3A_12 = arith.constant 1 : i32
    scf.for %scan3A_34 = %scan3A_9 to %scan3A_11 step %scan3A_12  : i32 {
      %mul3A_35 = arith.constant 128 : i32
      %mul3A_36 = arith.muli %scan3A_34, %mul3A_35 : i32
      %add3A_37 = arith.addi %mul3A_2, %mul3A_36 : i32
      "tpu.region"() ({
        %run_scoped3A = tpu.sem_alloc : memref<!tpu.dma_semaphore, #tpu.memory_space<semaphore_mem>>
        %dma_start3A = arith.constant 0 : i32
        %dma_start3A_38 = tpu.memref_slice %arg9[%add3A_37, %dma_start3A] : memref<10240x128xf32, #tpu.memory_space<vmem_shared>> -> memref<128x128xf32, #tpu.memory_space<vmem_shared>>
        %dma_start3A_39 = arith.constant 0 : i32
        %dma_start3A_40 = tpu.memref_slice %arg9[%add3A_37, %dma_start3A_39] : memref<10240x128xf32, #tpu.memory_space<vmem_shared>> -> memref<128x128xf32, #tpu.memory_space<vmem_shared>>
        tpu.enqueue_dma source(%arg6 : memref<128x128xf32, #tpu.memory_space<vmem>>) target(%dma_start3A_40 : memref<128x128xf32, #tpu.memory_space<vmem_shared>>) target_semaphore(%run_scoped3A : memref<!tpu.dma_semaphore, #tpu.memory_space<semaphore_mem>>)
        %dma_wait3A_41 = arith.constant 0 : i32
        %dma_wait3A_42 = tpu.memref_slice %arg9[%add3A_37, %dma_wait3A_41] : memref<10240x128xf32, #tpu.memory_space<vmem_shared>> -> memref<128x128xf32, #tpu.memory_space<vmem_shared>>
        %dma_wait3A_43 = arith.constant 0 : i32
        %dma_wait3A_44 = tpu.memref_slice %arg9[%add3A_37, %dma_wait3A_43] : memref<10240x128xf32, #tpu.memory_space<vmem_shared>> -> memref<128x128xf32, #tpu.memory_space<vmem_shared>>
        tpu.wait_dma2 semaphore(%run_scoped3A : memref<!tpu.dma_semaphore, #tpu.memory_space<semaphore_mem>>) src(%arg6 : memref<128x128xf32, #tpu.memory_space<vmem>>) dst(%dma_wait3A_44 : memref<128x128xf32, #tpu.memory_space<vmem_shared>>)
        tpu.yield
      }) : () -> ()
    }
    %scan3A_13 = arith.constant 5 : i32
    %barrier3A = arith.constant 0 : index
    tpu.barrier barrier_id(%barrier3A)
    %mul3A_14 = arith.constant 5120 : i32
    %mul3A_15 = arith.muli %add3A, %mul3A_14 : i32
    %scan3A_16 = arith.constant 0 : i32
    %scan3A_17 = arith.constant 0 : i32
    %scan3A_18 = arith.constant 20 : i32
    %scan3A_19 = arith.addi %scan3A_17, %scan3A_18 : i32
    %scan3A_20 = arith.constant 1 : i32
    scf.for %scan3A_34 = %scan3A_17 to %scan3A_19 step %scan3A_20  : i32 {
      %mul3A_35 = arith.constant 2 : i32
      %mul3A_36 = arith.muli %mul3A_35, %scan3A_34 : i32
      %mul3A_37 = arith.constant 128 : i32
      %mul3A_38 = arith.muli %mul3A_36, %mul3A_37 : i32
      %add3A_39 = arith.addi %mul3A_15, %mul3A_38 : i32
      %add3A_40 = arith.constant 128 : i32
      %add3A_41 = arith.addi %add3A_39, %add3A_40 : i32
      %gt3A = arith.constant 0 : i32
      %gt3A_42 = arith.cmpi sgt, %scan3A_34, %gt3A : i32
      %convert_element_type3A = arith.extui %gt3A_42 : i1 to i32
      %cond3A = arith.constant 0 : i32
      %cond3A_43 = arith.cmpi ne, %convert_element_type3A, %cond3A : i32
      scf.if %cond3A_43 {
        %dma_wait3A_65 = arith.constant 0 : i32
        %dma_wait3A_66 = arith.constant 0 : i32
        %dma_wait3A_67 = tpu.memref_slice %arg9[%dma_wait3A_65, %dma_wait3A_66] : memref<10240x128xf32, #tpu.memory_space<vmem_shared>> -> memref<10240x128xf32, #tpu.memory_space<vmem_shared>>
        tpu.wait_indirect_dma semaphore(%arg12 : memref<!tpu.dma_semaphore, #tpu.memory_space<semaphore_mem>>) src(%arg6 : memref<128x128xf32, #tpu.memory_space<vmem>>) dst(%dma_wait3A_67 : memref<10240x128xf32, #tpu.memory_space<vmem_shared>>)
        %dma_wait3A_68 = arith.constant 0 : i32
        %dma_wait3A_69 = arith.constant 0 : i32
        %dma_wait3A_70 = tpu.memref_slice %arg9[%dma_wait3A_68, %dma_wait3A_69] : memref<10240x128xf32, #tpu.memory_space<vmem_shared>> -> memref<10240x128xf32, #tpu.memory_space<vmem_shared>>
        tpu.wait_indirect_dma semaphore(%arg13 : memref<!tpu.dma_semaphore, #tpu.memory_space<semaphore_mem>>) src(%arg8 : memref<128x128xf32, #tpu.memory_space<vmem>>) dst(%dma_wait3A_70 : memref<10240x128xf32, #tpu.memory_space<vmem_shared>>)
      } else {
      }
      "tpu.region"() ({
        %run_scoped3A = tpu.sem_alloc : memref<!tpu.dma_semaphore, #tpu.memory_space<semaphore_mem>>
        %dma_start3A_65 = tpu.memref_slice %arg2[%add3A_39] : memref<163840xi32, #tpu.memory_space<hbm>> -> memref<128xi32, #tpu.memory_space<hbm>>
        %dma_start3A_66 = tpu.memref_slice %arg2[%add3A_39] : memref<163840xi32, #tpu.memory_space<hbm>> -> memref<128xi32, #tpu.memory_space<hbm>>
        tpu.enqueue_dma source(%dma_start3A_66 : memref<128xi32, #tpu.memory_space<hbm>>) target(%arg5 : memref<128xi32, #tpu.memory_space<vmem>>) target_semaphore(%run_scoped3A : memref<!tpu.dma_semaphore, #tpu.memory_space<semaphore_mem>>)
        %dma_wait3A_67 = tpu.memref_slice %arg2[%add3A_39] : memref<163840xi32, #tpu.memory_space<hbm>> -> memref<128xi32, #tpu.memory_space<hbm>>
        %dma_wait3A_68 = tpu.memref_slice %arg2[%add3A_39] : memref<163840xi32, #tpu.memory_space<hbm>> -> memref<128xi32, #tpu.memory_space<hbm>>
        tpu.wait_dma2 semaphore(%run_scoped3A : memref<!tpu.dma_semaphore, #tpu.memory_space<semaphore_mem>>) src(%dma_wait3A_68 : memref<128xi32, #tpu.memory_space<hbm>>) dst(%arg5 : memref<128xi32, #tpu.memory_space<vmem>>)
        tpu.yield
      }) : () -> ()
      %dma_start3A = arith.constant 0 : i32
      %dma_start3A_44 = tpu.memref_slice %arg3[%add3A_39, %dma_start3A] : memref<163840x128xf32, #tpu.memory_space<hbm>> -> memref<128x128xf32, #tpu.memory_space<hbm>>
      %dma_start3A_45 = arith.constant 0 : i32
      %dma_start3A_46 = tpu.memref_slice %arg3[%add3A_39, %dma_start3A_45] : memref<163840x128xf32, #tpu.memory_space<hbm>> -> memref<128x128xf32, #tpu.memory_space<hbm>>
      tpu.enqueue_dma source(%dma_start3A_46 : memref<128x128xf32, #tpu.memory_space<hbm>>) target(%arg6 : memref<128x128xf32, #tpu.memory_space<vmem>>) target_semaphore(%arg10 : memref<!tpu.dma_semaphore, #tpu.memory_space<semaphore_mem>>)
      "tpu.region"() ({
        %run_scoped3A = tpu.sem_alloc : memref<!tpu.dma_semaphore, #tpu.memory_space<semaphore_mem>>
        %dma_start3A_65 = tpu.memref_slice %arg2[%add3A_41] : memref<163840xi32, #tpu.memory_space<hbm>> -> memref<128xi32, #tpu.memory_space<hbm>>
        %dma_start3A_66 = tpu.memref_slice %arg2[%add3A_41] : memref<163840xi32, #tpu.memory_space<hbm>> -> memref<128xi32, #tpu.memory_space<hbm>>
        tpu.enqueue_dma source(%dma_start3A_66 : memref<128xi32, #tpu.memory_space<hbm>>) target(%arg7 : memref<128xi32, #tpu.memory_space<vmem>>) target_semaphore(%run_scoped3A : memref<!tpu.dma_semaphore, #tpu.memory_space<semaphore_mem>>)
        %dma_wait3A_67 = tpu.memref_slice %arg2[%add3A_41] : memref<163840xi32, #tpu.memory_space<hbm>> -> memref<128xi32, #tpu.memory_space<hbm>>
        %dma_wait3A_68 = tpu.memref_slice %arg2[%add3A_41] : memref<163840xi32, #tpu.memory_space<hbm>> -> memref<128xi32, #tpu.memory_space<hbm>>
        tpu.wait_dma2 semaphore(%run_scoped3A : memref<!tpu.dma_semaphore, #tpu.memory_space<semaphore_mem>>) src(%dma_wait3A_68 : memref<128xi32, #tpu.memory_space<hbm>>) dst(%arg7 : memref<128xi32, #tpu.memory_space<vmem>>)
        tpu.yield
      }) : () -> ()
      %dma_start3A_47 = arith.constant 0 : i32
      %dma_start3A_48 = tpu.memref_slice %arg3[%add3A_41, %dma_start3A_47] : memref<163840x128xf32, #tpu.memory_space<hbm>> -> memref<128x128xf32, #tpu.memory_space<hbm>>
      %dma_start3A_49 = arith.constant 0 : i32
      %dma_start3A_50 = tpu.memref_slice %arg3[%add3A_41, %dma_start3A_49] : memref<163840x128xf32, #tpu.memory_space<hbm>> -> memref<128x128xf32, #tpu.memory_space<hbm>>
      tpu.enqueue_dma source(%dma_start3A_50 : memref<128x128xf32, #tpu.memory_space<hbm>>) target(%arg8 : memref<128x128xf32, #tpu.memory_space<vmem>>) target_semaphore(%arg11 : memref<!tpu.dma_semaphore, #tpu.memory_space<semaphore_mem>>)
      %dma_wait3A_51 = arith.constant 0 : i32
      %dma_wait3A_52 = tpu.memref_slice %arg3[%add3A_39, %dma_wait3A_51] : memref<163840x128xf32, #tpu.memory_space<hbm>> -> memref<128x128xf32, #tpu.memory_space<hbm>>
      %dma_wait3A_53 = arith.constant 0 : i32
      %dma_wait3A_54 = tpu.memref_slice %arg3[%add3A_39, %dma_wait3A_53] : memref<163840x128xf32, #tpu.memory_space<hbm>> -> memref<128x128xf32, #tpu.memory_space<hbm>>
      tpu.wait_dma2 semaphore(%arg10 : memref<!tpu.dma_semaphore, #tpu.memory_space<semaphore_mem>>) src(%dma_wait3A_54 : memref<128x128xf32, #tpu.memory_space<hbm>>) dst(%arg6 : memref<128x128xf32, #tpu.memory_space<vmem>>)
      %dma_start3A_55 = arith.constant 0 : i32
      %dma_start3A_56 = arith.constant 0 : i32
      %dma_start3A_57 = tpu.memref_slice %arg9[%dma_start3A_55, %dma_start3A_56] : memref<10240x128xf32, #tpu.memory_space<vmem_shared>> -> memref<10240x128xf32, #tpu.memory_space<vmem_shared>>
      tpu.enqueue_indirect_dma source(%arg6 : memref<128x128xf32, #tpu.memory_space<vmem>>) target(%dma_start3A_57 : memref<10240x128xf32, #tpu.memory_space<vmem_shared>>) offsets(%arg5 : memref<128xi32, #tpu.memory_space<vmem>>) semaphore(%arg12 : memref<!tpu.dma_semaphore, #tpu.memory_space<semaphore_mem>>) {add = true}
      %dma_wait3A_58 = arith.constant 0 : i32
      %dma_wait3A_59 = tpu.memref_slice %arg3[%add3A_41, %dma_wait3A_58] : memref<163840x128xf32, #tpu.memory_space<hbm>> -> memref<128x128xf32, #tpu.memory_space<hbm>>
      %dma_wait3A_60 = arith.constant 0 : i32
      %dma_wait3A_61 = tpu.memref_slice %arg3[%add3A_41, %dma_wait3A_60] : memref<163840x128xf32, #tpu.memory_space<hbm>> -> memref<128x128xf32, #tpu.memory_space<hbm>>
      tpu.wait_dma2 semaphore(%arg11 : memref<!tpu.dma_semaphore, #tpu.memory_space<semaphore_mem>>) src(%dma_wait3A_61 : memref<128x128xf32, #tpu.memory_space<hbm>>) dst(%arg8 : memref<128x128xf32, #tpu.memory_space<vmem>>)
      %dma_start3A_62 = arith.constant 0 : i32
      %dma_start3A_63 = arith.constant 0 : i32
      %dma_start3A_64 = tpu.memref_slice %arg9[%dma_start3A_62, %dma_start3A_63] : memref<10240x128xf32, #tpu.memory_space<vmem_shared>> -> memref<10240x128xf32, #tpu.memory_space<vmem_shared>>
      tpu.enqueue_indirect_dma source(%arg8 : memref<128x128xf32, #tpu.memory_space<vmem>>) target(%dma_start3A_64 : memref<10240x128xf32, #tpu.memory_space<vmem_shared>>) offsets(%arg7 : memref<128xi32, #tpu.memory_space<vmem>>) semaphore(%arg13 : memref<!tpu.dma_semaphore, #tpu.memory_space<semaphore_mem>>) {add = true}
    }
    %scan3A_21 = arith.constant 20 : i32
    %dma_wait3A = arith.constant 0 : i32
    %dma_wait3A_22 = arith.constant 0 : i32
    %dma_wait3A_23 = tpu.memref_slice %arg9[%dma_wait3A, %dma_wait3A_22] : memref<10240x128xf32, #tpu.memory_space<vmem_shared>> -> memref<10240x128xf32, #tpu.memory_space<vmem_shared>>
    tpu.wait_indirect_dma semaphore(%arg12 : memref<!tpu.dma_semaphore, #tpu.memory_space<semaphore_mem>>) src(%arg6 : memref<128x128xf32, #tpu.memory_space<vmem>>) dst(%dma_wait3A_23 : memref<10240x128xf32, #tpu.memory_space<vmem_shared>>)
    %dma_wait3A_24 = arith.constant 0 : i32
    %dma_wait3A_25 = arith.constant 0 : i32
    %dma_wait3A_26 = tpu.memref_slice %arg9[%dma_wait3A_24, %dma_wait3A_25] : memref<10240x128xf32, #tpu.memory_space<vmem_shared>> -> memref<10240x128xf32, #tpu.memory_space<vmem_shared>>
    tpu.wait_indirect_dma semaphore(%arg13 : memref<!tpu.dma_semaphore, #tpu.memory_space<semaphore_mem>>) src(%arg8 : memref<128x128xf32, #tpu.memory_space<vmem>>) dst(%dma_wait3A_26 : memref<10240x128xf32, #tpu.memory_space<vmem_shared>>)
    %barrier3A_27 = arith.constant 0 : index
    tpu.barrier barrier_id(%barrier3A_27)
    %scan3A_28 = arith.constant 0 : i32
    %scan3A_29 = arith.constant 0 : i32
    %scan3A_30 = arith.constant 5 : i32
    %scan3A_31 = arith.addi %scan3A_29, %scan3A_30 : i32
    %scan3A_32 = arith.constant 1 : i32
    scf.for %scan3A_34 = %scan3A_29 to %scan3A_31 step %scan3A_32  : i32 {
      %mul3A_35 = arith.constant 128 : i32
      %mul3A_36 = arith.muli %scan3A_34, %mul3A_35 : i32
      %add3A_37 = arith.addi %mul3A_2, %mul3A_36 : i32
      "tpu.region"() ({
        %run_scoped3A = tpu.sem_alloc : memref<!tpu.dma_semaphore, #tpu.memory_space<semaphore_mem>>
        %dma_start3A = arith.constant 0 : i32
        %dma_start3A_38 = tpu.memref_slice %arg4[%arg0, %add3A_37, %dma_start3A] : memref<2x10240x128xf32, #tpu.memory_space<hbm>> -> memref<1x128x128xf32, #tpu.memory_space<hbm>>
        %dma_start3A_39 = tpu.memref_squeeze %dma_start3A_38 : memref<1x128x128xf32, #tpu.memory_space<hbm>> -> memref<128x128xf32, #tpu.memory_space<hbm>>
        %dma_start3A_40 = arith.constant 0 : i32
        %dma_start3A_41 = tpu.memref_slice %arg9[%add3A_37, %dma_start3A_40] : memref<10240x128xf32, #tpu.memory_space<vmem_shared>> -> memref<128x128xf32, #tpu.memory_space<vmem_shared>>
        tpu.enqueue_dma source(%dma_start3A_41 : memref<128x128xf32, #tpu.memory_space<vmem_shared>>) target(%dma_start3A_39 : memref<128x128xf32, #tpu.memory_space<hbm>>) target_semaphore(%run_scoped3A : memref<!tpu.dma_semaphore, #tpu.memory_space<semaphore_mem>>)
        %dma_wait3A_42 = arith.constant 0 : i32
        %dma_wait3A_43 = tpu.memref_slice %arg4[%arg0, %add3A_37, %dma_wait3A_42] : memref<2x10240x128xf32, #tpu.memory_space<hbm>> -> memref<1x128x128xf32, #tpu.memory_space<hbm>>
        %dma_wait3A_44 = tpu.memref_squeeze %dma_wait3A_43 : memref<1x128x128xf32, #tpu.memory_space<hbm>> -> memref<128x128xf32, #tpu.memory_space<hbm>>
        %dma_wait3A_45 = arith.constant 0 : i32
        %dma_wait3A_46 = tpu.memref_slice %arg9[%add3A_37, %dma_wait3A_45] : memref<10240x128xf32, #tpu.memory_space<vmem_shared>> -> memref<128x128xf32, #tpu.memory_space<vmem_shared>>
        tpu.wait_dma2 semaphore(%run_scoped3A : memref<!tpu.dma_semaphore, #tpu.memory_space<semaphore_mem>>) src(%dma_wait3A_46 : memref<128x128xf32, #tpu.memory_space<vmem_shared>>) dst(%dma_wait3A_44 : memref<128x128xf32, #tpu.memory_space<hbm>>)
        tpu.yield
      }) : () -> ()
    }
    %scan3A_33 = arith.constant 5 : i32
    return
  }
}

#map = affine_map<(d0, d1) -> (0)>
#map1 = affine_map<(d0, d1) -> (0, 0)>
#map2 = affine_map<(d0, d1) -> (0, 0, 0)>
module attributes {stable_mosaic.version = 14 : i64} {
  func.func @k(%arg0: i32, %arg1: i32, %arg2: memref<163840xi32, #tpu.memory_space<hbm>>, %arg3: memref<163840x128xf32, #tpu.memory_space<hbm>>, %arg4: memref<2x10240x128xf32, #tpu.memory_space<hbm>>, %arg5: memref<128xi32, #tpu.memory_space<vmem>>, %arg6: memref<128x128xf32, #tpu.memory_space<vmem>>, %arg7: memref<128xi32, #tpu.memory_space<vmem>>, %arg8: memref<128x128xf32, #tpu.memory_space<vmem>>, %arg9: memref<10240x128xf32, #tpu.memory_space<vmem_shared>>, %arg10: memref<!tpu.dma_semaphore, #tpu.memory_space<semaphore_mem>>, %arg11: memref<!tpu.dma_semaphore, #tpu.memory_space<semaphore_mem>>, %arg12: memref<!tpu.dma_semaphore, #tpu.memory_space<semaphore_mem>>, %arg13: memref<!tpu.dma_semaphore, #tpu.memory_space<semaphore_mem>>) attributes {dimension_semantics = [#tpu.dimension_semantics<core_parallel>, #tpu.dimension_semantics<subcore_parallel>], iteration_bounds = array<i64: 2, 16>, scalar_prefetch = 0 : i64, scratch_operands = 9 : i64, tpu.core_type = #tpu.core_type<sc_vector_subcore>, window_params = [{transform_indices = #map}, {transform_indices = #map1}, {transform_indices = #map2}]} {
    %mul3A = arith.constant 2 : i32
    %mul3A_0 = arith.muli %arg1, %mul3A : i32
    %add3A = arith.addi %mul3A_0, %arg0 : i32
    %mul3A_1 = arith.constant 640 : i32
    %mul3A_2 = arith.muli %arg1, %mul3A_1 : i32
    %scan3A = arith.constant 0 : i32
    %scan3A_3 = arith.constant 0 : i32
    %scan3A_4 = arith.constant 128 : i32
    %scan3A_5 = arith.addi %scan3A_3, %scan3A_4 : i32
    %scan3A_6 = arith.constant 1 : i32
    scf.for %scan3A_34 = %scan3A_3 to %scan3A_5 step %scan3A_6  : i32 {
      %broadcast_in_dim3A = arith.constant 0.000000e+00 : f32
      %broadcast_in_dim3A_35 = vector.broadcast %broadcast_in_dim3A : f32 to vector<16xf32>
      %swap3A = arith.index_cast %scan3A_34 : i32 to index
      %swap3A_36 = arith.constant 0 : index
      %swap3A_37 = tpu.vector_load %arg6[%swap3A, %swap3A_36] {strides = array<i32>} : memref<128x128xf32, #tpu.memory_space<vmem>>, vector<1x16xf32>,
      %swap3A_38 = vector.shape_cast %swap3A_37 : vector<1x16xf32> to vector<16xf32>
      %swap3A_39 = vector.shape_cast %broadcast_in_dim3A_35 : vector<16xf32> to vector<1x16xf32>
      tpu.vector_store %arg6[%swap3A, %swap3A_36], %swap3A_39 {strides = array<i32>} : memref<128x128xf32, #tpu.memory_space<vmem>>, vector<1x16xf32>,
      %broadcast_in_dim3A_40 = arith.constant 0.000000e+00 : f32
      %broadcast_in_dim3A_41 = vector.broadcast %broadcast_in_dim3A_40 : f32 to vector<16xf32>
      %swap3A_42 = arith.index_cast %scan3A_34 : i32 to index
      %swap3A_43 = arith.constant 16 : index
      %swap3A_44 = tpu.vector_load %arg6[%swap3A_42, %swap3A_43] {strides = array<i32>} : memref<128x128xf32, #tpu.memory_space<vmem>>, vector<1x16xf32>,
      %swap3A_45 = vector.shape_cast %swap3A_44 : vector<1x16xf32> to vector<16xf32>
      %swap3A_46 = vector.shape_cast %broadcast_in_dim3A_41 : vector<16xf32> to vector<1x16xf32>
      tpu.vector_store %arg6[%swap3A_42, %swap3A_43], %swap3A_46 {strides = array<i32>} : memref<128x128xf32, #tpu.memory_space<vmem>>, vector<1x16xf32>,
      %broadcast_in_dim3A_47 = arith.constant 0.000000e+00 : f32
      %broadcast_in_dim3A_48 = vector.broadcast %broadcast_in_dim3A_47 : f32 to vector<16xf32>
      %swap3A_49 = arith.index_cast %scan3A_34 : i32 to index
      %swap3A_50 = arith.constant 32 : index
      %swap3A_51 = tpu.vector_load %arg6[%swap3A_49, %swap3A_50] {strides = array<i32>} : memref<128x128xf32, #tpu.memory_space<vmem>>, vector<1x16xf32>,
      %swap3A_52 = vector.shape_cast %swap3A_51 : vector<1x16xf32> to vector<16xf32>
      %swap3A_53 = vector.shape_cast %broadcast_in_dim3A_48 : vector<16xf32> to vector<1x16xf32>
      tpu.vector_store %arg6[%swap3A_49, %swap3A_50], %swap3A_53 {strides = array<i32>} : memref<128x128xf32, #tpu.memory_space<vmem>>, vector<1x16xf32>,
      %broadcast_in_dim3A_54 = arith.constant 0.000000e+00 : f32
      %broadcast_in_dim3A_55 = vector.broadcast %broadcast_in_dim3A_54 : f32 to vector<16xf32>
      %swap3A_56 = arith.index_cast %scan3A_34 : i32 to index
      %swap3A_57 = arith.constant 48 : index
      %swap3A_58 = tpu.vector_load %arg6[%swap3A_56, %swap3A_57] {strides = array<i32>} : memref<128x128xf32, #tpu.memory_space<vmem>>, vector<1x16xf32>,
      %swap3A_59 = vector.shape_cast %swap3A_58 : vector<1x16xf32> to vector<16xf32>
      %swap3A_60 = vector.shape_cast %broadcast_in_dim3A_55 : vector<16xf32> to vector<1x16xf32>
      tpu.vector_store %arg6[%swap3A_56, %swap3A_57], %swap3A_60 {strides = array<i32>} : memref<128x128xf32, #tpu.memory_space<vmem>>, vector<1x16xf32>,
      %broadcast_in_dim3A_61 = arith.constant 0.000000e+00 : f32
      %broadcast_in_dim3A_62 = vector.broadcast %broadcast_in_dim3A_61 : f32 to vector<16xf32>
      %swap3A_63 = arith.index_cast %scan3A_34 : i32 to index
      %swap3A_64 = arith.constant 64 : index
      %swap3A_65 = tpu.vector_load %arg6[%swap3A_63, %swap3A_64] {strides = array<i32>} : memref<128x128xf32, #tpu.memory_space<vmem>>, vector<1x16xf32>,
      %swap3A_66 = vector.shape_cast %swap3A_65 : vector<1x16xf32> to vector<16xf32>
      %swap3A_67 = vector.shape_cast %broadcast_in_dim3A_62 : vector<16xf32> to vector<1x16xf32>
      tpu.vector_store %arg6[%swap3A_63, %swap3A_64], %swap3A_67 {strides = array<i32>} : memref<128x128xf32, #tpu.memory_space<vmem>>, vector<1x16xf32>,
      %broadcast_in_dim3A_68 = arith.constant 0.000000e+00 : f32
      %broadcast_in_dim3A_69 = vector.broadcast %broadcast_in_dim3A_68 : f32 to vector<16xf32>
      %swap3A_70 = arith.index_cast %scan3A_34 : i32 to index
      %swap3A_71 = arith.constant 80 : index
      %swap3A_72 = tpu.vector_load %arg6[%swap3A_70, %swap3A_71] {strides = array<i32>} : memref<128x128xf32, #tpu.memory_space<vmem>>, vector<1x16xf32>,
      %swap3A_73 = vector.shape_cast %swap3A_72 : vector<1x16xf32> to vector<16xf32>
      %swap3A_74 = vector.shape_cast %broadcast_in_dim3A_69 : vector<16xf32> to vector<1x16xf32>
      tpu.vector_store %arg6[%swap3A_70, %swap3A_71], %swap3A_74 {strides = array<i32>} : memref<128x128xf32, #tpu.memory_space<vmem>>, vector<1x16xf32>,
      %broadcast_in_dim3A_75 = arith.constant 0.000000e+00 : f32
      %broadcast_in_dim3A_76 = vector.broadcast %broadcast_in_dim3A_75 : f32 to vector<16xf32>
      %swap3A_77 = arith.index_cast %scan3A_34 : i32 to index
      %swap3A_78 = arith.constant 96 : index
      %swap3A_79 = tpu.vector_load %arg6[%swap3A_77, %swap3A_78] {strides = array<i32>} : memref<128x128xf32, #tpu.memory_space<vmem>>, vector<1x16xf32>,
      %swap3A_80 = vector.shape_cast %swap3A_79 : vector<1x16xf32> to vector<16xf32>
      %swap3A_81 = vector.shape_cast %broadcast_in_dim3A_76 : vector<16xf32> to vector<1x16xf32>
      tpu.vector_store %arg6[%swap3A_77, %swap3A_78], %swap3A_81 {strides = array<i32>} : memref<128x128xf32, #tpu.memory_space<vmem>>, vector<1x16xf32>,
      %broadcast_in_dim3A_82 = arith.constant 0.000000e+00 : f32
      %broadcast_in_dim3A_83 = vector.broadcast %broadcast_in_dim3A_82 : f32 to vector<16xf32>
      %swap3A_84 = arith.index_cast %scan3A_34 : i32 to index
      %swap3A_85 = arith.constant 112 : index
      %swap3A_86 = tpu.vector_load %arg6[%swap3A_84, %swap3A_85] {strides = array<i32>} : memref<128x128xf32, #tpu.memory_space<vmem>>, vector<1x16xf32>,
      %swap3A_87 = vector.shape_cast %swap3A_86 : vector<1x16xf32> to vector<16xf32>
      %swap3A_88 = vector.shape_cast %broadcast_in_dim3A_83 : vector<16xf32> to vector<1x16xf32>
      tpu.vector_store %arg6[%swap3A_84, %swap3A_85], %swap3A_88 {strides = array<i32>} : memref<128x128xf32, #tpu.memory_space<vmem>>, vector<1x16xf32>,
    }
    %scan3A_7 = arith.constant 128 : i32
    %scan3A_8 = arith.constant 0 : i32
    %scan3A_9 = arith.constant 0 : i32
    %scan3A_10 = arith.constant 5 : i32
    %scan3A_11 = arith.addi %scan3A_9, %scan3A_10 : i32
    %scan3A_12 = arith.constant 1 : i32
    scf.for %scan3A_34 = %scan3A_9 to %scan3A_11 step %scan3A_12  : i32 {
      %mul3A_35 = arith.constant 128 : i32
      %mul3A_36 = arith.muli %scan3A_34, %mul3A_35 : i32
      %add3A_37 = arith.addi %mul3A_2, %mul3A_36 : i32
      "tpu.region"() ({
        %run_scoped3A = tpu.sem_alloc : memref<!tpu.dma_semaphore, #tpu.memory_space<semaphore_mem>>
        %dma_start3A = arith.constant 0 : i32
        %dma_start3A_38 = tpu.memref_slice %arg9[%add3A_37, %dma_start3A] : memref<10240x128xf32, #tpu.memory_space<vmem_shared>> -> memref<128x128xf32, #tpu.memory_space<vmem_shared>>
        %dma_start3A_39 = arith.constant 0 : i32
        %dma_start3A_40 = tpu.memref_slice %arg9[%add3A_37, %dma_start3A_39] : memref<10240x128xf32, #tpu.memory_space<vmem_shared>> -> memref<128x128xf32, #tpu.memory_space<vmem_shared>>
        tpu.enqueue_dma source(%arg6 : memref<128x128xf32, #tpu.memory_space<vmem>>) target(%dma_start3A_40 : memref<128x128xf32, #tpu.memory_space<vmem_shared>>) target_semaphore(%run_scoped3A : memref<!tpu.dma_semaphore, #tpu.memory_space<semaphore_mem>>)
        %dma_wait3A_41 = arith.constant 0 : i32
        %dma_wait3A_42 = tpu.memref_slice %arg9[%add3A_37, %dma_wait3A_41] : memref<10240x128xf32, #tpu.memory_space<vmem_shared>> -> memref<128x128xf32, #tpu.memory_space<vmem_shared>>
        %dma_wait3A_43 = arith.constant 0 : i32
        %dma_wait3A_44 = tpu.memref_slice %arg9[%add3A_37, %dma_wait3A_43] : memref<10240x128xf32, #tpu.memory_space<vmem_shared>> -> memref<128x128xf32, #tpu.memory_space<vmem_shared>>
        tpu.wait_dma2 semaphore(%run_scoped3A : memref<!tpu.dma_semaphore, #tpu.memory_space<semaphore_mem>>) src(%arg6 : memref<128x128xf32, #tpu.memory_space<vmem>>) dst(%dma_wait3A_44 : memref<128x128xf32, #tpu.memory_space<vmem_shared>>)
        tpu.yield
      }) : () -> ()
    }
    %scan3A_13 = arith.constant 5 : i32
    %barrier3A = arith.constant 0 : index
    tpu.barrier barrier_id(%barrier3A)
    %mul3A_14 = arith.constant 5120 : i32
    %mul3A_15 = arith.muli %add3A, %mul3A_14 : i32
    %scan3A_16 = arith.constant 0 : i32
    %scan3A_17 = arith.constant 0 : i32
    %scan3A_18 = arith.constant 20 : i32
    %scan3A_19 = arith.addi %scan3A_17, %scan3A_18 : i32
    %scan3A_20 = arith.constant 1 : i32
    scf.for %scan3A_34 = %scan3A_17 to %scan3A_19 step %scan3A_20  : i32 {
      %mul3A_35 = arith.constant 2 : i32
      %mul3A_36 = arith.muli %mul3A_35, %scan3A_34 : i32
      %mul3A_37 = arith.constant 128 : i32
      %mul3A_38 = arith.muli %mul3A_36, %mul3A_37 : i32
      %add3A_39 = arith.addi %mul3A_15, %mul3A_38 : i32
      %add3A_40 = arith.constant 128 : i32
      %add3A_41 = arith.addi %add3A_39, %add3A_40 : i32
      %gt3A = arith.constant 0 : i32
      %gt3A_42 = arith.cmpi sgt, %scan3A_34, %gt3A : i32
      %convert_element_type3A = arith.extui %gt3A_42 : i1 to i32
      %cond3A = arith.constant 0 : i32
      %cond3A_43 = arith.cmpi ne, %convert_element_type3A, %cond3A : i32
      scf.if %cond3A_43 {
        %dma_wait3A_65 = arith.constant 0 : i32
        %dma_wait3A_66 = arith.constant 0 : i32
        %dma_wait3A_67 = tpu.memref_slice %arg9[%dma_wait3A_65, %dma_wait3A_66] : memref<10240x128xf32, #tpu.memory_space<vmem_shared>> -> memref<10240x128xf32, #tpu.memory_space<vmem_shared>>
        tpu.wait_indirect_dma semaphore(%arg12 : memref<!tpu.dma_semaphore, #tpu.memory_space<semaphore_mem>>) src(%arg6 : memref<128x128xf32, #tpu.memory_space<vmem>>) dst(%dma_wait3A_67 : memref<10240x128xf32, #tpu.memory_space<vmem_shared>>)
        %dma_wait3A_68 = arith.constant 0 : i32
        %dma_wait3A_69 = arith.constant 0 : i32
        %dma_wait3A_70 = tpu.memref_slice %arg9[%dma_wait3A_68, %dma_wait3A_69] : memref<10240x128xf32, #tpu.memory_space<vmem_shared>> -> memref<10240x128xf32, #tpu.memory_space<vmem_shared>>
        tpu.wait_indirect_dma semaphore(%arg13 : memref<!tpu.dma_semaphore, #tpu.memory_space<semaphore_mem>>) src(%arg8 : memref<128x128xf32, #tpu.memory_space<vmem>>) dst(%dma_wait3A_70 : memref<10240x128xf32, #tpu.memory_space<vmem_shared>>)
      } else {
      }
      "tpu.region"() ({
        %run_scoped3A = tpu.sem_alloc : memref<!tpu.dma_semaphore, #tpu.memory_space<semaphore_mem>>
        %dma_start3A_65 = tpu.memref_slice %arg2[%add3A_39] : memref<163840xi32, #tpu.memory_space<hbm>> -> memref<128xi32, #tpu.memory_space<hbm>>
        %dma_start3A_66 = tpu.memref_slice %arg2[%add3A_39] : memref<163840xi32, #tpu.memory_space<hbm>> -> memref<128xi32, #tpu.memory_space<hbm>>
        tpu.enqueue_dma source(%dma_start3A_66 : memref<128xi32, #tpu.memory_space<hbm>>) target(%arg5 : memref<128xi32, #tpu.memory_space<vmem>>) target_semaphore(%run_scoped3A : memref<!tpu.dma_semaphore, #tpu.memory_space<semaphore_mem>>)
        %dma_wait3A_67 = tpu.memref_slice %arg2[%add3A_39] : memref<163840xi32, #tpu.memory_space<hbm>> -> memref<128xi32, #tpu.memory_space<hbm>>
        %dma_wait3A_68 = tpu.memref_slice %arg2[%add3A_39] : memref<163840xi32, #tpu.memory_space<hbm>> -> memref<128xi32, #tpu.memory_space<hbm>>
        tpu.wait_dma2 semaphore(%run_scoped3A : memref<!tpu.dma_semaphore, #tpu.memory_space<semaphore_mem>>) src(%dma_wait3A_68 : memref<128xi32, #tpu.memory_space<hbm>>) dst(%arg5 : memref<128xi32, #tpu.memory_space<vmem>>)
        tpu.yield
      }) : () -> ()
      %dma_start3A = arith.constant 0 : i32
      %dma_start3A_44 = tpu.memref_slice %arg3[%add3A_39, %dma_start3A] : memref<163840x128xf32, #tpu.memory_space<hbm>> -> memref<128x128xf32, #tpu.memory_space<hbm>>
      %dma_start3A_45 = arith.constant 0 : i32
      %dma_start3A_46 = tpu.memref_slice %arg3[%add3A_39, %dma_start3A_45] : memref<163840x128xf32, #tpu.memory_space<hbm>> -> memref<128x128xf32, #tpu.memory_space<hbm>>
      tpu.enqueue_dma source(%dma_start3A_46 : memref<128x128xf32, #tpu.memory_space<hbm>>) target(%arg6 : memref<128x128xf32, #tpu.memory_space<vmem>>) target_semaphore(%arg10 : memref<!tpu.dma_semaphore, #tpu.memory_space<semaphore_mem>>)
      "tpu.region"() ({
        %run_scoped3A = tpu.sem_alloc : memref<!tpu.dma_semaphore, #tpu.memory_space<semaphore_mem>>
        %dma_start3A_65 = tpu.memref_slice %arg2[%add3A_41] : memref<163840xi32, #tpu.memory_space<hbm>> -> memref<128xi32, #tpu.memory_space<hbm>>
        %dma_start3A_66 = tpu.memref_slice %arg2[%add3A_41] : memref<163840xi32, #tpu.memory_space<hbm>> -> memref<128xi32, #tpu.memory_space<hbm>>
        tpu.enqueue_dma source(%dma_start3A_66 : memref<128xi32, #tpu.memory_space<hbm>>) target(%arg7 : memref<128xi32, #tpu.memory_space<vmem>>) target_semaphore(%run_scoped3A : memref<!tpu.dma_semaphore, #tpu.memory_space<semaphore_mem>>)
        %dma_wait3A_67 = tpu.memref_slice %arg2[%add3A_41] : memref<163840xi32, #tpu.memory_space<hbm>> -> memref<128xi32, #tpu.memory_space<hbm>>
        %dma_wait3A_68 = tpu.memref_slice %arg2[%add3A_41] : memref<163840xi32, #tpu.memory_space<hbm>> -> memref<128xi32, #tpu.memory_space<hbm>>
        tpu.wait_dma2 semaphore(%run_scoped3A : memref<!tpu.dma_semaphore, #tpu.memory_space<semaphore_mem>>) src(%dma_wait3A_68 : memref<128xi32, #tpu.memory_space<hbm>>) dst(%arg7 : memref<128xi32, #tpu.memory_space<vmem>>)
        tpu.yield
      }) : () -> ()
      %dma_start3A_47 = arith.constant 0 : i32
      %dma_start3A_48 = tpu.memref_slice %arg3[%add3A_41, %dma_start3A_47] : memref<163840x128xf32, #tpu.memory_space<hbm>> -> memref<128x128xf32, #tpu.memory_space<hbm>>
      %dma_start3A_49 = arith.constant 0 : i32
      %dma_start3A_50 = tpu.memref_slice %arg3[%add3A_41, %dma_start3A_49] : memref<163840x128xf32, #tpu.memory_space<hbm>> -> memref<128x128xf32, #tpu.memory_space<hbm>>
      tpu.enqueue_dma source(%dma_start3A_50 : memref<128x128xf32, #tpu.memory_space<hbm>>) target(%arg8 : memref<128x128xf32, #tpu.memory_space<vmem>>) target_semaphore(%arg11 : memref<!tpu.dma_semaphore, #tpu.memory_space<semaphore_mem>>)
      %dma_wait3A_51 = arith.constant 0 : i32
      %dma_wait3A_52 = tpu.memref_slice %arg3[%add3A_39, %dma_wait3A_51] : memref<163840x128xf32, #tpu.memory_space<hbm>> -> memref<128x128xf32, #tpu.memory_space<hbm>>
      %dma_wait3A_53 = arith.constant 0 : i32
      %dma_wait3A_54 = tpu.memref_slice %arg3[%add3A_39, %dma_wait3A_53] : memref<163840x128xf32, #tpu.memory_space<hbm>> -> memref<128x128xf32, #tpu.memory_space<hbm>>
      tpu.wait_dma2 semaphore(%arg10 : memref<!tpu.dma_semaphore, #tpu.memory_space<semaphore_mem>>) src(%dma_wait3A_54 : memref<128x128xf32, #tpu.memory_space<hbm>>) dst(%arg6 : memref<128x128xf32, #tpu.memory_space<vmem>>)
      %dma_start3A_55 = arith.constant 0 : i32
      %dma_start3A_56 = arith.constant 0 : i32
      %dma_start3A_57 = tpu.memref_slice %arg9[%dma_start3A_55, %dma_start3A_56] : memref<10240x128xf32, #tpu.memory_space<vmem_shared>> -> memref<10240x128xf32, #tpu.memory_space<vmem_shared>>
      tpu.enqueue_indirect_dma source(%arg6 : memref<128x128xf32, #tpu.memory_space<vmem>>) target(%dma_start3A_57 : memref<10240x128xf32, #tpu.memory_space<vmem_shared>>) offsets(%arg5 : memref<128xi32, #tpu.memory_space<vmem>>) semaphore(%arg12 : memref<!tpu.dma_semaphore, #tpu.memory_space<semaphore_mem>>) {add = true}
      %dma_wait3A_58 = arith.constant 0 : i32
      %dma_wait3A_59 = tpu.memref_slice %arg3[%add3A_41, %dma_wait3A_58] : memref<163840x128xf32, #tpu.memory_space<hbm>> -> memref<128x128xf32, #tpu.memory_space<hbm>>
      %dma_wait3A_60 = arith.constant 0 : i32
      %dma_wait3A_61 = tpu.memref_slice %arg3[%add3A_41, %dma_wait3A_60] : memref<163840x128xf32, #tpu.memory_space<hbm>> -> memref<128x128xf32, #tpu.memory_space<hbm>>
      tpu.wait_dma2 semaphore(%arg11 : memref<!tpu.dma_semaphore, #tpu.memory_space<semaphore_mem>>) src(%dma_wait3A_61 : memref<128x128xf32, #tpu.memory_space<hbm>>) dst(%arg8 : memref<128x128xf32, #tpu.memory_space<vmem>>)
      %dma_start3A_62 = arith.constant 0 : i32
      %dma_start3A_63 = arith.constant 0 : i32
      %dma_start3A_64 = tpu.memref_slice %arg9[%dma_start3A_62, %dma_start3A_63] : memref<10240x128xf32, #tpu.memory_space<vmem_shared>> -> memref<10240x128xf32, #tpu.memory_space<vmem_shared>>
      tpu.enqueue_indirect_dma source(%arg8 : memref<128x128xf32, #tpu.memory_space<vmem>>) target(%dma_start3A_64 : memref<10240x128xf32, #tpu.memory_space<vmem_shared>>) offsets(%arg7 : memref<128xi32, #tpu.memory_space<vmem>>) semaphore(%arg13 : memref<!tpu.dma_semaphore, #tpu.memory_space<semaphore_mem>>) {add = true}
    }
    %scan3A_21 = arith.constant 20 : i32
    %dma_wait3A = arith.constant 0 : i32
    %dma_wait3A_22 = arith.constant 0 : i32
    %dma_wait3A_23 = tpu.memref_slice %arg9[%dma_wait3A, %dma_wait3A_22] : memref<10240x128xf32, #tpu.memory_space<vmem_shared>> -> memref<10240x128xf32, #tpu.memory_space<vmem_shared>>
    tpu.wait_indirect_dma semaphore(%arg12 : memref<!tpu.dma_semaphore, #tpu.memory_space<semaphore_mem>>) src(%arg6 : memref<128x128xf32, #tpu.memory_space<vmem>>) dst(%dma_wait3A_23 : memref<10240x128xf32, #tpu.memory_space<vmem_shared>>)
    %dma_wait3A_24 = arith.constant 0 : i32
    %dma_wait3A_25 = arith.constant 0 : i32
    %dma_wait3A_26 = tpu.memref_slice %arg9[%dma_wait3A_24, %dma_wait3A_25] : memref<10240x128xf32, #tpu.memory_space<vmem_shared>> -> memref<10240x128xf32, #tpu.memory_space<vmem_shared>>
    tpu.wait_indirect_dma semaphore(%arg13 : memref<!tpu.dma_semaphore, #tpu.memory_space<semaphore_mem>>) src(%arg8 : memref<128x128xf32, #tpu.memory_space<vmem>>) dst(%dma_wait3A_26 : memref<10240x128xf32, #tpu.memory_space<vmem_shared>>)
    %barrier3A_27 = arith.constant 0 : index
    tpu.barrier barrier_id(%barrier3A_27)
    %scan3A_28 = arith.constant 0 : i32
    %scan3A_29 = arith.constant 0 : i32
    %scan3A_30 = arith.constant 5 : i32
    %scan3A_31 = arith.addi %scan3A_29, %scan3A_30 : i32
    %scan3A_32 = arith.constant 1 : i32
    scf.for %scan3A_34 = %scan3A_29 to %scan3A_31 step %scan3A_32  : i32 {
      %mul3A_35 = arith.constant 128 : i32
      %mul3A_36 = arith.muli %scan3A_34, %mul3A_35 : i32
      %add3A_37 = arith.addi %mul3A_2, %mul3A_36 : i32
      "tpu.region"() ({
        %run_scoped3A = tpu.sem_alloc : memref<!tpu.dma_semaphore, #tpu.memory_space<semaphore_mem>>
        %dma_start3A = arith.constant 0 : i32
        %dma_start3A_38 = tpu.memref_slice %arg4[%arg0, %add3A_37, %dma_start3A] : memref<2x10240x128xf32, #tpu.memory_space<hbm>> -> memref<1x128x128xf32, #tpu.memory_space<hbm>>
        %dma_start3A_39 = tpu.memref_squeeze %dma_start3A_38 : memref<1x128x128xf32, #tpu.memory_space<hbm>> -> memref<128x128xf32, #tpu.memory_space<hbm>>
        %dma_start3A_40 = arith.constant 0 : i32
        %dma_start3A_41 = tpu.memref_slice %arg9[%add3A_37, %dma_start3A_40] : memref<10240x128xf32, #tpu.memory_space<vmem_shared>> -> memref<128x128xf32, #tpu.memory_space<vmem_shared>>
        tpu.enqueue_dma source(%dma_start3A_41 : memref<128x128xf32, #tpu.memory_space<vmem_shared>>) target(%dma_start3A_39 : memref<128x128xf32, #tpu.memory_space<hbm>>) target_semaphore(%run_scoped3A : memref<!tpu.dma_semaphore, #tpu.memory_space<semaphore_mem>>)
        %dma_wait3A_42 = arith.constant 0 : i32
        %dma_wait3A_43 = tpu.memref_slice %arg4[%arg0, %add3A_37, %dma_wait3A_42] : memref<2x10240x128xf32, #tpu.memory_space<hbm>> -> memref<1x128x128xf32, #tpu.memory_space<hbm>>
        %dma_wait3A_44 = tpu.memref_squeeze %dma_wait3A_43 : memref<1x128x128xf32, #tpu.memory_space<hbm>> -> memref<128x128xf32, #tpu.memory_space<hbm>>
        %dma_wait3A_45 = arith.constant 0 : i32
        %dma_wait3A_46 = tpu.memref_slice %arg9[%add3A_37, %dma_wait3A_45] : memref<10240x128xf32, #tpu.memory_space<vmem_shared>> -> memref<128x128xf32, #tpu.memory_space<vmem_shared>>
        tpu.wait_dma2 semaphore(%run_scoped3A : memref<!tpu.dma_semaphore, #tpu.memory_space<semaphore_mem>>) src(%dma_wait3A_46 : memref<128x128xf32, #tpu.memory_space<vmem_shared>>) dst(%dma_wait3A_44 : memref<128x128xf32, #tpu.memory_space<hbm>>)
        tpu.yield
      }) : () -> ()
    }
    %scan3A_33 = arith.constant 5 : i32
    return
  }
}

#map = affine_map<(d0, d1) -> (0, 0)>
#map1 = affine_map<(d0, d1) -> (0)>
module attributes {stable_mosaic.version = 14 : i64} {
  func.func @k(%arg0: i32, %arg1: i32, %arg2: memref<10000x144xf32, #tpu.memory_space<hbm>>, %arg3: memref<10000x144xf32, #tpu.memory_space<hbm>>, %arg4: memref<163840xi32, #tpu.memory_space<hbm>>, %arg5: memref<163840xi32, #tpu.memory_space<hbm>>, %arg6: memref<163840x128xf32, #tpu.memory_space<hbm>>, %arg7: memref<163840x16xf32, #tpu.memory_space<hbm>>, %arg8: memref<64xi32, #tpu.memory_space<vmem>>, %arg9: memref<64xi32, #tpu.memory_space<vmem>>, %arg10: memref<64x144xf32, #tpu.memory_space<vmem>>, %arg11: memref<64x144xf32, #tpu.memory_space<vmem>>, %arg12: memref<64x128xf32, #tpu.memory_space<vmem>>, %arg13: memref<64x16xf32, #tpu.memory_space<vmem>>, %arg14: memref<64xi32, #tpu.memory_space<vmem>>, %arg15: memref<64xi32, #tpu.memory_space<vmem>>, %arg16: memref<64x144xf32, #tpu.memory_space<vmem>>, %arg17: memref<64x144xf32, #tpu.memory_space<vmem>>, %arg18: memref<64x128xf32, #tpu.memory_space<vmem>>, %arg19: memref<64x16xf32, #tpu.memory_space<vmem>>, %arg20: memref<!tpu.dma_semaphore, #tpu.memory_space<semaphore_mem>>, %arg21: memref<!tpu.dma_semaphore, #tpu.memory_space<semaphore_mem>>, %arg22: memref<!tpu.dma_semaphore, #tpu.memory_space<semaphore_mem>>, %arg23: memref<!tpu.dma_semaphore, #tpu.memory_space<semaphore_mem>>) attributes {dimension_semantics = [#tpu.dimension_semantics<core_parallel>, #tpu.dimension_semantics<subcore_parallel>], iteration_bounds = array<i64: 2, 16>, scalar_prefetch = 0 : i64, scratch_operands = 16 : i64, tpu.core_type = #tpu.core_type<sc_vector_subcore>, window_params = [{transform_indices = #map}, {transform_indices = #map}, {transform_indices = #map1}, {transform_indices = #map1}, {transform_indices = #map}, {transform_indices = #map}]} {
    %mul3A = arith.constant 2 : i32
    %mul3A_0 = arith.muli %arg1, %mul3A : i32
    %add3A = arith.addi %mul3A_0, %arg0 : i32
    %mul3A_1 = arith.constant 5120 : i32
    %mul3A_2 = arith.muli %add3A, %mul3A_1 : i32
    %scan3A = arith.constant 0 : i32
    %scan3A_3 = arith.constant 0 : i32
    %scan3A_4 = arith.constant 40 : i32
    %scan3A_5 = arith.addi %scan3A_3, %scan3A_4 : i32
    %scan3A_6 = arith.constant 1 : i32
    scf.for %scan3A_23 = %scan3A_3 to %scan3A_5 step %scan3A_6  : i32 {
      %mul3A_24 = arith.constant 2 : i32
      %mul3A_25 = arith.muli %mul3A_24, %scan3A_23 : i32
      %mul3A_26 = arith.constant 64 : i32
      %mul3A_27 = arith.muli %mul3A_25, %mul3A_26 : i32
      %add3A_28 = arith.addi %mul3A_2, %mul3A_27 : i32
      %add3A_29 = arith.constant 64 : i32
      %add3A_30 = arith.addi %add3A_28, %add3A_29 : i32
      %gt3A = arith.constant 0 : i32
      %gt3A_31 = arith.cmpi sgt, %scan3A_23, %gt3A : i32
      %convert_element_type3A = arith.extui %gt3A_31 : i1 to i32
      %cond3A = arith.constant 0 : i32
      %cond3A_32 = arith.cmpi ne, %convert_element_type3A, %cond3A : i32
      scf.if %cond3A_32 {
        %dma_wait3A_84 = arith.constant 0 : i32
        %dma_wait3A_85 = tpu.memref_slice %arg6[%mul3A_2, %dma_wait3A_84] : memref<163840x128xf32, #tpu.memory_space<hbm>> -> memref<64x128xf32, #tpu.memory_space<hbm>>
        %dma_wait3A_86 = arith.constant 0 : i32
        %dma_wait3A_87 = tpu.memref_slice %arg6[%mul3A_2, %dma_wait3A_86] : memref<163840x128xf32, #tpu.memory_space<hbm>> -> memref<64x128xf32, #tpu.memory_space<hbm>>
        tpu.wait_dma2 semaphore(%arg22 : memref<!tpu.dma_semaphore, #tpu.memory_space<semaphore_mem>>) src(%arg12 : memref<64x128xf32, #tpu.memory_space<vmem>>) dst(%dma_wait3A_87 : memref<64x128xf32, #tpu.memory_space<hbm>>)
        %dma_wait3A_88 = arith.constant 0 : i32
        %dma_wait3A_89 = tpu.memref_slice %arg7[%mul3A_2, %dma_wait3A_88] : memref<163840x16xf32, #tpu.memory_space<hbm>> -> memref<64x16xf32, #tpu.memory_space<hbm>>
        %dma_wait3A_90 = arith.constant 0 : i32
        %dma_wait3A_91 = tpu.memref_slice %arg7[%mul3A_2, %dma_wait3A_90] : memref<163840x16xf32, #tpu.memory_space<hbm>> -> memref<64x16xf32, #tpu.memory_space<hbm>>
        tpu.wait_dma2 semaphore(%arg22 : memref<!tpu.dma_semaphore, #tpu.memory_space<semaphore_mem>>) src(%arg13 : memref<64x16xf32, #tpu.memory_space<vmem>>) dst(%dma_wait3A_91 : memref<64x16xf32, #tpu.memory_space<hbm>>)
        %dma_wait3A_92 = arith.constant 0 : i32
        %dma_wait3A_93 = tpu.memref_slice %arg6[%mul3A_2, %dma_wait3A_92] : memref<163840x128xf32, #tpu.memory_space<hbm>> -> memref<64x128xf32, #tpu.memory_space<hbm>>
        %dma_wait3A_94 = arith.constant 0 : i32
        %dma_wait3A_95 = tpu.memref_slice %arg6[%mul3A_2, %dma_wait3A_94] : memref<163840x128xf32, #tpu.memory_space<hbm>> -> memref<64x128xf32, #tpu.memory_space<hbm>>
        tpu.wait_dma2 semaphore(%arg23 : memref<!tpu.dma_semaphore, #tpu.memory_space<semaphore_mem>>) src(%arg18 : memref<64x128xf32, #tpu.memory_space<vmem>>) dst(%dma_wait3A_95 : memref<64x128xf32, #tpu.memory_space<hbm>>)
        %dma_wait3A_96 = arith.constant 0 : i32
        %dma_wait3A_97 = tpu.memref_slice %arg7[%mul3A_2, %dma_wait3A_96] : memref<163840x16xf32, #tpu.memory_space<hbm>> -> memref<64x16xf32, #tpu.memory_space<hbm>>
        %dma_wait3A_98 = arith.constant 0 : i32
        %dma_wait3A_99 = tpu.memref_slice %arg7[%mul3A_2, %dma_wait3A_98] : memref<163840x16xf32, #tpu.memory_space<hbm>> -> memref<64x16xf32, #tpu.memory_space<hbm>>
        tpu.wait_dma2 semaphore(%arg23 : memref<!tpu.dma_semaphore, #tpu.memory_space<semaphore_mem>>) src(%arg19 : memref<64x16xf32, #tpu.memory_space<vmem>>) dst(%dma_wait3A_99 : memref<64x16xf32, #tpu.memory_space<hbm>>)
      } else {
      }
      "tpu.region"() ({
        %run_scoped3A = tpu.sem_alloc : memref<!tpu.dma_semaphore, #tpu.memory_space<semaphore_mem>>
        %dma_start3A_84 = tpu.memref_slice %arg4[%add3A_28] : memref<163840xi32, #tpu.memory_space<hbm>> -> memref<64xi32, #tpu.memory_space<hbm>>
        %dma_start3A_85 = tpu.memref_slice %arg4[%add3A_28] : memref<163840xi32, #tpu.memory_space<hbm>> -> memref<64xi32, #tpu.memory_space<hbm>>
        tpu.enqueue_dma source(%dma_start3A_85 : memref<64xi32, #tpu.memory_space<hbm>>) target(%arg8 : memref<64xi32, #tpu.memory_space<vmem>>) target_semaphore(%run_scoped3A : memref<!tpu.dma_semaphore, #tpu.memory_space<semaphore_mem>>)
        %dma_wait3A_86 = tpu.memref_slice %arg4[%add3A_28] : memref<163840xi32, #tpu.memory_space<hbm>> -> memref<64xi32, #tpu.memory_space<hbm>>
        %dma_wait3A_87 = tpu.memref_slice %arg4[%add3A_28] : memref<163840xi32, #tpu.memory_space<hbm>> -> memref<64xi32, #tpu.memory_space<hbm>>
        tpu.wait_dma2 semaphore(%run_scoped3A : memref<!tpu.dma_semaphore, #tpu.memory_space<semaphore_mem>>) src(%dma_wait3A_87 : memref<64xi32, #tpu.memory_space<hbm>>) dst(%arg8 : memref<64xi32, #tpu.memory_space<vmem>>)
        tpu.yield
      }) : () -> ()
      "tpu.region"() ({
        %run_scoped3A = tpu.sem_alloc : memref<!tpu.dma_semaphore, #tpu.memory_space<semaphore_mem>>
        %dma_start3A_84 = tpu.memref_slice %arg5[%add3A_28] : memref<163840xi32, #tpu.memory_space<hbm>> -> memref<64xi32, #tpu.memory_space<hbm>>
        %dma_start3A_85 = tpu.memref_slice %arg5[%add3A_28] : memref<163840xi32, #tpu.memory_space<hbm>> -> memref<64xi32, #tpu.memory_space<hbm>>
        tpu.enqueue_dma source(%dma_start3A_85 : memref<64xi32, #tpu.memory_space<hbm>>) target(%arg9 : memref<64xi32, #tpu.memory_space<vmem>>) target_semaphore(%run_scoped3A : memref<!tpu.dma_semaphore, #tpu.memory_space<semaphore_mem>>)
        %dma_wait3A_86 = tpu.memref_slice %arg5[%add3A_28] : memref<163840xi32, #tpu.memory_space<hbm>> -> memref<64xi32, #tpu.memory_space<hbm>>
        %dma_wait3A_87 = tpu.memref_slice %arg5[%add3A_28] : memref<163840xi32, #tpu.memory_space<hbm>> -> memref<64xi32, #tpu.memory_space<hbm>>
        tpu.wait_dma2 semaphore(%run_scoped3A : memref<!tpu.dma_semaphore, #tpu.memory_space<semaphore_mem>>) src(%dma_wait3A_87 : memref<64xi32, #tpu.memory_space<hbm>>) dst(%arg9 : memref<64xi32, #tpu.memory_space<vmem>>)
        tpu.yield
      }) : () -> ()
      %dma_start3A = arith.constant 0 : i32
      %dma_start3A_33 = arith.constant 0 : i32
      %dma_start3A_34 = tpu.memref_slice %arg2[%dma_start3A, %dma_start3A_33] : memref<10000x144xf32, #tpu.memory_space<hbm>> -> memref<10000x144xf32, #tpu.memory_space<hbm>>
      tpu.enqueue_indirect_dma source(%dma_start3A_34 : memref<10000x144xf32, #tpu.memory_space<hbm>>) target(%arg10 : memref<64x144xf32, #tpu.memory_space<vmem>>) offsets(%arg8 : memref<64xi32, #tpu.memory_space<vmem>>) semaphore(%arg20 : memref<!tpu.dma_semaphore, #tpu.memory_space<semaphore_mem>>)
      %dma_start3A_35 = arith.constant 0 : i32
      %dma_start3A_36 = arith.constant 0 : i32
      %dma_start3A_37 = tpu.memref_slice %arg3[%dma_start3A_35, %dma_start3A_36] : memref<10000x144xf32, #tpu.memory_space<hbm>> -> memref<10000x144xf32, #tpu.memory_space<hbm>>
      tpu.enqueue_indirect_dma source(%dma_start3A_37 : memref<10000x144xf32, #tpu.memory_space<hbm>>) target(%arg11 : memref<64x144xf32, #tpu.memory_space<vmem>>) offsets(%arg9 : memref<64xi32, #tpu.memory_space<vmem>>) semaphore(%arg20 : memref<!tpu.dma_semaphore, #tpu.memory_space<semaphore_mem>>)
      "tpu.region"() ({
        %run_scoped3A = tpu.sem_alloc : memref<!tpu.dma_semaphore, #tpu.memory_space<semaphore_mem>>
        %dma_start3A_84 = tpu.memref_slice %arg4[%add3A_30] : memref<163840xi32, #tpu.memory_space<hbm>> -> memref<64xi32, #tpu.memory_space<hbm>>
        %dma_start3A_85 = tpu.memref_slice %arg4[%add3A_30] : memref<163840xi32, #tpu.memory_space<hbm>> -> memref<64xi32, #tpu.memory_space<hbm>>
        tpu.enqueue_dma source(%dma_start3A_85 : memref<64xi32, #tpu.memory_space<hbm>>) target(%arg14 : memref<64xi32, #tpu.memory_space<vmem>>) target_semaphore(%run_scoped3A : memref<!tpu.dma_semaphore, #tpu.memory_space<semaphore_mem>>)
        %dma_wait3A_86 = tpu.memref_slice %arg4[%add3A_30] : memref<163840xi32, #tpu.memory_space<hbm>> -> memref<64xi32, #tpu.memory_space<hbm>>
        %dma_wait3A_87 = tpu.memref_slice %arg4[%add3A_30] : memref<163840xi32, #tpu.memory_space<hbm>> -> memref<64xi32, #tpu.memory_space<hbm>>
        tpu.wait_dma2 semaphore(%run_scoped3A : memref<!tpu.dma_semaphore, #tpu.memory_space<semaphore_mem>>) src(%dma_wait3A_87 : memref<64xi32, #tpu.memory_space<hbm>>) dst(%arg14 : memref<64xi32, #tpu.memory_space<vmem>>)
        tpu.yield
      }) : () -> ()
      "tpu.region"() ({
        %run_scoped3A = tpu.sem_alloc : memref<!tpu.dma_semaphore, #tpu.memory_space<semaphore_mem>>
        %dma_start3A_84 = tpu.memref_slice %arg5[%add3A_30] : memref<163840xi32, #tpu.memory_space<hbm>> -> memref<64xi32, #tpu.memory_space<hbm>>
        %dma_start3A_85 = tpu.memref_slice %arg5[%add3A_30] : memref<163840xi32, #tpu.memory_space<hbm>> -> memref<64xi32, #tpu.memory_space<hbm>>
        tpu.enqueue_dma source(%dma_start3A_85 : memref<64xi32, #tpu.memory_space<hbm>>) target(%arg15 : memref<64xi32, #tpu.memory_space<vmem>>) target_semaphore(%run_scoped3A : memref<!tpu.dma_semaphore, #tpu.memory_space<semaphore_mem>>)
        %dma_wait3A_86 = tpu.memref_slice %arg5[%add3A_30] : memref<163840xi32, #tpu.memory_space<hbm>> -> memref<64xi32, #tpu.memory_space<hbm>>
        %dma_wait3A_87 = tpu.memref_slice %arg5[%add3A_30] : memref<163840xi32, #tpu.memory_space<hbm>> -> memref<64xi32, #tpu.memory_space<hbm>>
        tpu.wait_dma2 semaphore(%run_scoped3A : memref<!tpu.dma_semaphore, #tpu.memory_space<semaphore_mem>>) src(%dma_wait3A_87 : memref<64xi32, #tpu.memory_space<hbm>>) dst(%arg15 : memref<64xi32, #tpu.memory_space<vmem>>)
        tpu.yield
      }) : () -> ()
      %dma_start3A_38 = arith.constant 0 : i32
      %dma_start3A_39 = arith.constant 0 : i32
      %dma_start3A_40 = tpu.memref_slice %arg2[%dma_start3A_38, %dma_start3A_39] : memref<10000x144xf32, #tpu.memory_space<hbm>> -> memref<10000x144xf32, #tpu.memory_space<hbm>>
      tpu.enqueue_indirect_dma source(%dma_start3A_40 : memref<10000x144xf32, #tpu.memory_space<hbm>>) target(%arg16 : memref<64x144xf32, #tpu.memory_space<vmem>>) offsets(%arg14 : memref<64xi32, #tpu.memory_space<vmem>>) semaphore(%arg21 : memref<!tpu.dma_semaphore, #tpu.memory_space<semaphore_mem>>)
      %dma_start3A_41 = arith.constant 0 : i32
      %dma_start3A_42 = arith.constant 0 : i32
      %dma_start3A_43 = tpu.memref_slice %arg3[%dma_start3A_41, %dma_start3A_42] : memref<10000x144xf32, #tpu.memory_space<hbm>> -> memref<10000x144xf32, #tpu.memory_space<hbm>>
      tpu.enqueue_indirect_dma source(%dma_start3A_43 : memref<10000x144xf32, #tpu.memory_space<hbm>>) target(%arg17 : memref<64x144xf32, #tpu.memory_space<vmem>>) offsets(%arg15 : memref<64xi32, #tpu.memory_space<vmem>>) semaphore(%arg21 : memref<!tpu.dma_semaphore, #tpu.memory_space<semaphore_mem>>)
      %dma_wait3A_44 = arith.constant 0 : i32
      %dma_wait3A_45 = arith.constant 0 : i32
      %dma_wait3A_46 = tpu.memref_slice %arg2[%dma_wait3A_44, %dma_wait3A_45] : memref<10000x144xf32, #tpu.memory_space<hbm>> -> memref<10000x144xf32, #tpu.memory_space<hbm>>
      tpu.wait_indirect_dma semaphore(%arg20 : memref<!tpu.dma_semaphore, #tpu.memory_space<semaphore_mem>>) src(%dma_wait3A_46 : memref<10000x144xf32, #tpu.memory_space<hbm>>) dst(%arg10 : memref<64x144xf32, #tpu.memory_space<vmem>>)
      %dma_wait3A_47 = arith.constant 0 : i32
      %dma_wait3A_48 = arith.constant 0 : i32
      %dma_wait3A_49 = tpu.memref_slice %arg3[%dma_wait3A_47, %dma_wait3A_48] : memref<10000x144xf32, #tpu.memory_space<hbm>> -> memref<10000x144xf32, #tpu.memory_space<hbm>>
      tpu.wait_indirect_dma semaphore(%arg20 : memref<!tpu.dma_semaphore, #tpu.memory_space<semaphore_mem>>) src(%dma_wait3A_49 : memref<10000x144xf32, #tpu.memory_space<hbm>>) dst(%arg11 : memref<64x144xf32, #tpu.memory_space<vmem>>)
      %scan3A_50 = arith.constant 0 : i32
      %scan3A_51 = arith.constant 0 : i32
      %scan3A_52 = arith.constant 64 : i32
      %scan3A_53 = arith.addi %scan3A_51, %scan3A_52 : i32
      %scan3A_54 = arith.constant 1 : i32
      scf.for %scan3A_84 = %scan3A_51 to %scan3A_53 step %scan3A_54  : i32 {
        %get3A = arith.index_cast %scan3A_84 : i32 to index
        %get3A_85 = arith.constant 0 : index
        %get3A_86 = tpu.vector_load %arg10[%get3A, %get3A_85] {strides = array<i32>} : memref<64x144xf32, #tpu.memory_space<vmem>>, vector<1x16xf32>,
        %get3A_87 = vector.shape_cast %get3A_86 : vector<1x16xf32> to vector<16xf32>
        %get3A_88 = arith.index_cast %scan3A_84 : i32 to index
        %get3A_89 = arith.constant 0 : index
        %get3A_90 = tpu.vector_load %arg11[%get3A_88, %get3A_89] {strides = array<i32>} : memref<64x144xf32, #tpu.memory_space<vmem>>, vector<1x16xf32>,
        %get3A_91 = vector.shape_cast %get3A_90 : vector<1x16xf32> to vector<16xf32>
        %add3A_92 = arith.addf %get3A_87, %get3A_91 : vector<16xf32>
        %swap3A = arith.index_cast %scan3A_84 : i32 to index
        %swap3A_93 = arith.constant 0 : index
        %swap3A_94 = tpu.vector_load %arg12[%swap3A, %swap3A_93] {strides = array<i32>} : memref<64x128xf32, #tpu.memory_space<vmem>>, vector<1x16xf32>,
        %swap3A_95 = vector.shape_cast %swap3A_94 : vector<1x16xf32> to vector<16xf32>
        %swap3A_96 = vector.shape_cast %add3A_92 : vector<16xf32> to vector<1x16xf32>
        tpu.vector_store %arg12[%swap3A, %swap3A_93], %swap3A_96 {strides = array<i32>} : memref<64x128xf32, #tpu.memory_space<vmem>>, vector<1x16xf32>,
        %get3A_97 = arith.index_cast %scan3A_84 : i32 to index
        %get3A_98 = arith.constant 16 : index
        %get3A_99 = tpu.vector_load %arg10[%get3A_97, %get3A_98] {strides = array<i32>} : memref<64x144xf32, #tpu.memory_space<vmem>>, vector<1x16xf32>,
        %get3A_100 = vector.shape_cast %get3A_99 : vector<1x16xf32> to vector<16xf32>
        %get3A_101 = arith.index_cast %scan3A_84 : i32 to index
        %get3A_102 = arith.constant 16 : index
        %get3A_103 = tpu.vector_load %arg11[%get3A_101, %get3A_102] {strides = array<i32>} : memref<64x144xf32, #tpu.memory_space<vmem>>, vector<1x16xf32>,
        %get3A_104 = vector.shape_cast %get3A_103 : vector<1x16xf32> to vector<16xf32>
        %add3A_105 = arith.addf %get3A_100, %get3A_104 : vector<16xf32>
        %swap3A_106 = arith.index_cast %scan3A_84 : i32 to index
        %swap3A_107 = arith.constant 16 : index
        %swap3A_108 = tpu.vector_load %arg12[%swap3A_106, %swap3A_107] {strides = array<i32>} : memref<64x128xf32, #tpu.memory_space<vmem>>, vector<1x16xf32>,
        %swap3A_109 = vector.shape_cast %swap3A_108 : vector<1x16xf32> to vector<16xf32>
        %swap3A_110 = vector.shape_cast %add3A_105 : vector<16xf32> to vector<1x16xf32>
        tpu.vector_store %arg12[%swap3A_106, %swap3A_107], %swap3A_110 {strides = array<i32>} : memref<64x128xf32, #tpu.memory_space<vmem>>, vector<1x16xf32>,
        %get3A_111 = arith.index_cast %scan3A_84 : i32 to index
        %get3A_112 = arith.constant 32 : index
        %get3A_113 = tpu.vector_load %arg10[%get3A_111, %get3A_112] {strides = array<i32>} : memref<64x144xf32, #tpu.memory_space<vmem>>, vector<1x16xf32>,
        %get3A_114 = vector.shape_cast %get3A_113 : vector<1x16xf32> to vector<16xf32>
        %get3A_115 = arith.index_cast %scan3A_84 : i32 to index
        %get3A_116 = arith.constant 32 : index
        %get3A_117 = tpu.vector_load %arg11[%get3A_115, %get3A_116] {strides = array<i32>} : memref<64x144xf32, #tpu.memory_space<vmem>>, vector<1x16xf32>,
        %get3A_118 = vector.shape_cast %get3A_117 : vector<1x16xf32> to vector<16xf32>
        %add3A_119 = arith.addf %get3A_114, %get3A_118 : vector<16xf32>
        %swap3A_120 = arith.index_cast %scan3A_84 : i32 to index
        %swap3A_121 = arith.constant 32 : index
        %swap3A_122 = tpu.vector_load %arg12[%swap3A_120, %swap3A_121] {strides = array<i32>} : memref<64x128xf32, #tpu.memory_space<vmem>>, vector<1x16xf32>,
        %swap3A_123 = vector.shape_cast %swap3A_122 : vector<1x16xf32> to vector<16xf32>
        %swap3A_124 = vector.shape_cast %add3A_119 : vector<16xf32> to vector<1x16xf32>
        tpu.vector_store %arg12[%swap3A_120, %swap3A_121], %swap3A_124 {strides = array<i32>} : memref<64x128xf32, #tpu.memory_space<vmem>>, vector<1x16xf32>,
        %get3A_125 = arith.index_cast %scan3A_84 : i32 to index
        %get3A_126 = arith.constant 48 : index
        %get3A_127 = tpu.vector_load %arg10[%get3A_125, %get3A_126] {strides = array<i32>} : memref<64x144xf32, #tpu.memory_space<vmem>>, vector<1x16xf32>,
        %get3A_128 = vector.shape_cast %get3A_127 : vector<1x16xf32> to vector<16xf32>
        %get3A_129 = arith.index_cast %scan3A_84 : i32 to index
        %get3A_130 = arith.constant 48 : index
        %get3A_131 = tpu.vector_load %arg11[%get3A_129, %get3A_130] {strides = array<i32>} : memref<64x144xf32, #tpu.memory_space<vmem>>, vector<1x16xf32>,
        %get3A_132 = vector.shape_cast %get3A_131 : vector<1x16xf32> to vector<16xf32>
        %add3A_133 = arith.addf %get3A_128, %get3A_132 : vector<16xf32>
        %swap3A_134 = arith.index_cast %scan3A_84 : i32 to index
        %swap3A_135 = arith.constant 48 : index
        %swap3A_136 = tpu.vector_load %arg12[%swap3A_134, %swap3A_135] {strides = array<i32>} : memref<64x128xf32, #tpu.memory_space<vmem>>, vector<1x16xf32>,
        %swap3A_137 = vector.shape_cast %swap3A_136 : vector<1x16xf32> to vector<16xf32>
        %swap3A_138 = vector.shape_cast %add3A_133 : vector<16xf32> to vector<1x16xf32>
        tpu.vector_store %arg12[%swap3A_134, %swap3A_135], %swap3A_138 {strides = array<i32>} : memref<64x128xf32, #tpu.memory_space<vmem>>, vector<1x16xf32>,
        %get3A_139 = arith.index_cast %scan3A_84 : i32 to index
        %get3A_140 = arith.constant 64 : index
        %get3A_141 = tpu.vector_load %arg10[%get3A_139, %get3A_140] {strides = array<i32>} : memref<64x144xf32, #tpu.memory_space<vmem>>, vector<1x16xf32>,
        %get3A_142 = vector.shape_cast %get3A_141 : vector<1x16xf32> to vector<16xf32>
        %get3A_143 = arith.index_cast %scan3A_84 : i32 to index
        %get3A_144 = arith.constant 64 : index
        %get3A_145 = tpu.vector_load %arg11[%get3A_143, %get3A_144] {strides = array<i32>} : memref<64x144xf32, #tpu.memory_space<vmem>>, vector<1x16xf32>,
        %get3A_146 = vector.shape_cast %get3A_145 : vector<1x16xf32> to vector<16xf32>
        %add3A_147 = arith.addf %get3A_142, %get3A_146 : vector<16xf32>
        %swap3A_148 = arith.index_cast %scan3A_84 : i32 to index
        %swap3A_149 = arith.constant 64 : index
        %swap3A_150 = tpu.vector_load %arg12[%swap3A_148, %swap3A_149] {strides = array<i32>} : memref<64x128xf32, #tpu.memory_space<vmem>>, vector<1x16xf32>,
        %swap3A_151 = vector.shape_cast %swap3A_150 : vector<1x16xf32> to vector<16xf32>
        %swap3A_152 = vector.shape_cast %add3A_147 : vector<16xf32> to vector<1x16xf32>
        tpu.vector_store %arg12[%swap3A_148, %swap3A_149], %swap3A_152 {strides = array<i32>} : memref<64x128xf32, #tpu.memory_space<vmem>>, vector<1x16xf32>,
        %get3A_153 = arith.index_cast %scan3A_84 : i32 to index
        %get3A_154 = arith.constant 80 : index
        %get3A_155 = tpu.vector_load %arg10[%get3A_153, %get3A_154] {strides = array<i32>} : memref<64x144xf32, #tpu.memory_space<vmem>>, vector<1x16xf32>,
        %get3A_156 = vector.shape_cast %get3A_155 : vector<1x16xf32> to vector<16xf32>
        %get3A_157 = arith.index_cast %scan3A_84 : i32 to index
        %get3A_158 = arith.constant 80 : index
        %get3A_159 = tpu.vector_load %arg11[%get3A_157, %get3A_158] {strides = array<i32>} : memref<64x144xf32, #tpu.memory_space<vmem>>, vector<1x16xf32>,
        %get3A_160 = vector.shape_cast %get3A_159 : vector<1x16xf32> to vector<16xf32>
        %add3A_161 = arith.addf %get3A_156, %get3A_160 : vector<16xf32>
        %swap3A_162 = arith.index_cast %scan3A_84 : i32 to index
        %swap3A_163 = arith.constant 80 : index
        %swap3A_164 = tpu.vector_load %arg12[%swap3A_162, %swap3A_163] {strides = array<i32>} : memref<64x128xf32, #tpu.memory_space<vmem>>, vector<1x16xf32>,
        %swap3A_165 = vector.shape_cast %swap3A_164 : vector<1x16xf32> to vector<16xf32>
        %swap3A_166 = vector.shape_cast %add3A_161 : vector<16xf32> to vector<1x16xf32>
        tpu.vector_store %arg12[%swap3A_162, %swap3A_163], %swap3A_166 {strides = array<i32>} : memref<64x128xf32, #tpu.memory_space<vmem>>, vector<1x16xf32>,
        %get3A_167 = arith.index_cast %scan3A_84 : i32 to index
        %get3A_168 = arith.constant 96 : index
        %get3A_169 = tpu.vector_load %arg10[%get3A_167, %get3A_168] {strides = array<i32>} : memref<64x144xf32, #tpu.memory_space<vmem>>, vector<1x16xf32>,
        %get3A_170 = vector.shape_cast %get3A_169 : vector<1x16xf32> to vector<16xf32>
        %get3A_171 = arith.index_cast %scan3A_84 : i32 to index
        %get3A_172 = arith.constant 96 : index
        %get3A_173 = tpu.vector_load %arg11[%get3A_171, %get3A_172] {strides = array<i32>} : memref<64x144xf32, #tpu.memory_space<vmem>>, vector<1x16xf32>,
        %get3A_174 = vector.shape_cast %get3A_173 : vector<1x16xf32> to vector<16xf32>
        %add3A_175 = arith.addf %get3A_170, %get3A_174 : vector<16xf32>
        %swap3A_176 = arith.index_cast %scan3A_84 : i32 to index
        %swap3A_177 = arith.constant 96 : index
        %swap3A_178 = tpu.vector_load %arg12[%swap3A_176, %swap3A_177] {strides = array<i32>} : memref<64x128xf32, #tpu.memory_space<vmem>>, vector<1x16xf32>,
        %swap3A_179 = vector.shape_cast %swap3A_178 : vector<1x16xf32> to vector<16xf32>
        %swap3A_180 = vector.shape_cast %add3A_175 : vector<16xf32> to vector<1x16xf32>
        tpu.vector_store %arg12[%swap3A_176, %swap3A_177], %swap3A_180 {strides = array<i32>} : memref<64x128xf32, #tpu.memory_space<vmem>>, vector<1x16xf32>,
        %get3A_181 = arith.index_cast %scan3A_84 : i32 to index
        %get3A_182 = arith.constant 112 : index
        %get3A_183 = tpu.vector_load %arg10[%get3A_181, %get3A_182] {strides = array<i32>} : memref<64x144xf32, #tpu.memory_space<vmem>>, vector<1x16xf32>,
        %get3A_184 = vector.shape_cast %get3A_183 : vector<1x16xf32> to vector<16xf32>
        %get3A_185 = arith.index_cast %scan3A_84 : i32 to index
        %get3A_186 = arith.constant 112 : index
        %get3A_187 = tpu.vector_load %arg11[%get3A_185, %get3A_186] {strides = array<i32>} : memref<64x144xf32, #tpu.memory_space<vmem>>, vector<1x16xf32>,
        %get3A_188 = vector.shape_cast %get3A_187 : vector<1x16xf32> to vector<16xf32>
        %add3A_189 = arith.addf %get3A_184, %get3A_188 : vector<16xf32>
        %swap3A_190 = arith.index_cast %scan3A_84 : i32 to index
        %swap3A_191 = arith.constant 112 : index
        %swap3A_192 = tpu.vector_load %arg12[%swap3A_190, %swap3A_191] {strides = array<i32>} : memref<64x128xf32, #tpu.memory_space<vmem>>, vector<1x16xf32>,
        %swap3A_193 = vector.shape_cast %swap3A_192 : vector<1x16xf32> to vector<16xf32>
        %swap3A_194 = vector.shape_cast %add3A_189 : vector<16xf32> to vector<1x16xf32>
        tpu.vector_store %arg12[%swap3A_190, %swap3A_191], %swap3A_194 {strides = array<i32>} : memref<64x128xf32, #tpu.memory_space<vmem>>, vector<1x16xf32>,
        %get3A_195 = arith.index_cast %scan3A_84 : i32 to index
        %get3A_196 = arith.constant 128 : index
        %get3A_197 = tpu.vector_load %arg10[%get3A_195, %get3A_196] {strides = array<i32>} : memref<64x144xf32, #tpu.memory_space<vmem>>, vector<1x16xf32>,
        %get3A_198 = vector.shape_cast %get3A_197 : vector<1x16xf32> to vector<16xf32>
        %get3A_199 = arith.index_cast %scan3A_84 : i32 to index
        %get3A_200 = arith.constant 128 : index
        %get3A_201 = tpu.vector_load %arg11[%get3A_199, %get3A_200] {strides = array<i32>} : memref<64x144xf32, #tpu.memory_space<vmem>>, vector<1x16xf32>,
        %get3A_202 = vector.shape_cast %get3A_201 : vector<1x16xf32> to vector<16xf32>
        %add3A_203 = arith.addf %get3A_198, %get3A_202 : vector<16xf32>
        %swap3A_204 = arith.index_cast %scan3A_84 : i32 to index
        %swap3A_205 = arith.constant 0 : index
        %swap3A_206 = tpu.vector_load %arg13[%swap3A_204, %swap3A_205] {strides = array<i32>} : memref<64x16xf32, #tpu.memory_space<vmem>>, vector<1x16xf32>,
        %swap3A_207 = vector.shape_cast %swap3A_206 : vector<1x16xf32> to vector<16xf32>
        %swap3A_208 = vector.shape_cast %add3A_203 : vector<16xf32> to vector<1x16xf32>
        tpu.vector_store %arg13[%swap3A_204, %swap3A_205], %swap3A_208 {strides = array<i32>} : memref<64x16xf32, #tpu.memory_space<vmem>>, vector<1x16xf32>,
      }
      %scan3A_55 = arith.constant 64 : i32
      %dma_start3A_56 = arith.constant 0 : i32
      %dma_start3A_57 = tpu.memref_slice %arg6[%add3A_28, %dma_start3A_56] : memref<163840x128xf32, #tpu.memory_space<hbm>> -> memref<64x128xf32, #tpu.memory_space<hbm>>
      %dma_start3A_58 = arith.constant 0 : i32
      %dma_start3A_59 = tpu.memref_slice %arg6[%add3A_28, %dma_start3A_58] : memref<163840x128xf32, #tpu.memory_space<hbm>> -> memref<64x128xf32, #tpu.memory_space<hbm>>
      tpu.enqueue_dma source(%arg12 : memref<64x128xf32, #tpu.memory_space<vmem>>) target(%dma_start3A_59 : memref<64x128xf32, #tpu.memory_space<hbm>>) target_semaphore(%arg22 : memref<!tpu.dma_semaphore, #tpu.memory_space<semaphore_mem>>)
      %dma_start3A_60 = arith.constant 0 : i32
      %dma_start3A_61 = tpu.memref_slice %arg7[%add3A_28, %dma_start3A_60] : memref<163840x16xf32, #tpu.memory_space<hbm>> -> memref<64x16xf32, #tpu.memory_space<hbm>>
      %dma_start3A_62 = arith.constant 0 : i32
      %dma_start3A_63 = tpu.memref_slice %arg7[%add3A_28, %dma_start3A_62] : memref<163840x16xf32, #tpu.memory_space<hbm>> -> memref<64x16xf32, #tpu.memory_space<hbm>>
      tpu.enqueue_dma source(%arg13 : memref<64x16xf32, #tpu.memory_space<vmem>>) target(%dma_start3A_63 : memref<64x16xf32, #tpu.memory_space<hbm>>) target_semaphore(%arg22 : memref<!tpu.dma_semaphore, #tpu.memory_space<semaphore_mem>>)
      %dma_wait3A_64 = arith.constant 0 : i32
      %dma_wait3A_65 = arith.constant 0 : i32
      %dma_wait3A_66 = tpu.memref_slice %arg2[%dma_wait3A_64, %dma_wait3A_65] : memref<10000x144xf32, #tpu.memory_space<hbm>> -> memref<10000x144xf32, #tpu.memory_space<hbm>>
      tpu.wait_indirect_dma semaphore(%arg21 : memref<!tpu.dma_semaphore, #tpu.memory_space<semaphore_mem>>) src(%dma_wait3A_66 : memref<10000x144xf32, #tpu.memory_space<hbm>>) dst(%arg16 : memref<64x144xf32, #tpu.memory_space<vmem>>)
      %dma_wait3A_67 = arith.constant 0 : i32
      %dma_wait3A_68 = arith.constant 0 : i32
      %dma_wait3A_69 = tpu.memref_slice %arg3[%dma_wait3A_67, %dma_wait3A_68] : memref<10000x144xf32, #tpu.memory_space<hbm>> -> memref<10000x144xf32, #tpu.memory_space<hbm>>
      tpu.wait_indirect_dma semaphore(%arg21 : memref<!tpu.dma_semaphore, #tpu.memory_space<semaphore_mem>>) src(%dma_wait3A_69 : memref<10000x144xf32, #tpu.memory_space<hbm>>) dst(%arg17 : memref<64x144xf32, #tpu.memory_space<vmem>>)
      %scan3A_70 = arith.constant 0 : i32
      %scan3A_71 = arith.constant 0 : i32
      %scan3A_72 = arith.constant 64 : i32
      %scan3A_73 = arith.addi %scan3A_71, %scan3A_72 : i32
      %scan3A_74 = arith.constant 1 : i32
      scf.for %scan3A_84 = %scan3A_71 to %scan3A_73 step %scan3A_74  : i32 {
        %get3A = arith.index_cast %scan3A_84 : i32 to index
        %get3A_85 = arith.constant 0 : index
        %get3A_86 = tpu.vector_load %arg16[%get3A, %get3A_85] {strides = array<i32>} : memref<64x144xf32, #tpu.memory_space<vmem>>, vector<1x16xf32>,
        %get3A_87 = vector.shape_cast %get3A_86 : vector<1x16xf32> to vector<16xf32>
        %get3A_88 = arith.index_cast %scan3A_84 : i32 to index
        %get3A_89 = arith.constant 0 : index
        %get3A_90 = tpu.vector_load %arg17[%get3A_88, %get3A_89] {strides = array<i32>} : memref<64x144xf32, #tpu.memory_space<vmem>>, vector<1x16xf32>,
        %get3A_91 = vector.shape_cast %get3A_90 : vector<1x16xf32> to vector<16xf32>
        %add3A_92 = arith.addf %get3A_87, %get3A_91 : vector<16xf32>
        %swap3A = arith.index_cast %scan3A_84 : i32 to index
        %swap3A_93 = arith.constant 0 : index
        %swap3A_94 = tpu.vector_load %arg18[%swap3A, %swap3A_93] {strides = array<i32>} : memref<64x128xf32, #tpu.memory_space<vmem>>, vector<1x16xf32>,
        %swap3A_95 = vector.shape_cast %swap3A_94 : vector<1x16xf32> to vector<16xf32>
        %swap3A_96 = vector.shape_cast %add3A_92 : vector<16xf32> to vector<1x16xf32>
        tpu.vector_store %arg18[%swap3A, %swap3A_93], %swap3A_96 {strides = array<i32>} : memref<64x128xf32, #tpu.memory_space<vmem>>, vector<1x16xf32>,
        %get3A_97 = arith.index_cast %scan3A_84 : i32 to index
        %get3A_98 = arith.constant 16 : index
        %get3A_99 = tpu.vector_load %arg16[%get3A_97, %get3A_98] {strides = array<i32>} : memref<64x144xf32, #tpu.memory_space<vmem>>, vector<1x16xf32>,
        %get3A_100 = vector.shape_cast %get3A_99 : vector<1x16xf32> to vector<16xf32>
        %get3A_101 = arith.index_cast %scan3A_84 : i32 to index
        %get3A_102 = arith.constant 16 : index
        %get3A_103 = tpu.vector_load %arg17[%get3A_101, %get3A_102] {strides = array<i32>} : memref<64x144xf32, #tpu.memory_space<vmem>>, vector<1x16xf32>,
        %get3A_104 = vector.shape_cast %get3A_103 : vector<1x16xf32> to vector<16xf32>
        %add3A_105 = arith.addf %get3A_100, %get3A_104 : vector<16xf32>
        %swap3A_106 = arith.index_cast %scan3A_84 : i32 to index
        %swap3A_107 = arith.constant 16 : index
        %swap3A_108 = tpu.vector_load %arg18[%swap3A_106, %swap3A_107] {strides = array<i32>} : memref<64x128xf32, #tpu.memory_space<vmem>>, vector<1x16xf32>,
        %swap3A_109 = vector.shape_cast %swap3A_108 : vector<1x16xf32> to vector<16xf32>
        %swap3A_110 = vector.shape_cast %add3A_105 : vector<16xf32> to vector<1x16xf32>
        tpu.vector_store %arg18[%swap3A_106, %swap3A_107], %swap3A_110 {strides = array<i32>} : memref<64x128xf32, #tpu.memory_space<vmem>>, vector<1x16xf32>,
        %get3A_111 = arith.index_cast %scan3A_84 : i32 to index
        %get3A_112 = arith.constant 32 : index
        %get3A_113 = tpu.vector_load %arg16[%get3A_111, %get3A_112] {strides = array<i32>} : memref<64x144xf32, #tpu.memory_space<vmem>>, vector<1x16xf32>,
        %get3A_114 = vector.shape_cast %get3A_113 : vector<1x16xf32> to vector<16xf32>
        %get3A_115 = arith.index_cast %scan3A_84 : i32 to index
        %get3A_116 = arith.constant 32 : index
        %get3A_117 = tpu.vector_load %arg17[%get3A_115, %get3A_116] {strides = array<i32>} : memref<64x144xf32, #tpu.memory_space<vmem>>, vector<1x16xf32>,
        %get3A_118 = vector.shape_cast %get3A_117 : vector<1x16xf32> to vector<16xf32>
        %add3A_119 = arith.addf %get3A_114, %get3A_118 : vector<16xf32>
        %swap3A_120 = arith.index_cast %scan3A_84 : i32 to index
        %swap3A_121 = arith.constant 32 : index
        %swap3A_122 = tpu.vector_load %arg18[%swap3A_120, %swap3A_121] {strides = array<i32>} : memref<64x128xf32, #tpu.memory_space<vmem>>, vector<1x16xf32>,
        %swap3A_123 = vector.shape_cast %swap3A_122 : vector<1x16xf32> to vector<16xf32>
        %swap3A_124 = vector.shape_cast %add3A_119 : vector<16xf32> to vector<1x16xf32>
        tpu.vector_store %arg18[%swap3A_120, %swap3A_121], %swap3A_124 {strides = array<i32>} : memref<64x128xf32, #tpu.memory_space<vmem>>, vector<1x16xf32>,
        %get3A_125 = arith.index_cast %scan3A_84 : i32 to index
        %get3A_126 = arith.constant 48 : index
        %get3A_127 = tpu.vector_load %arg16[%get3A_125, %get3A_126] {strides = array<i32>} : memref<64x144xf32, #tpu.memory_space<vmem>>, vector<1x16xf32>,
        %get3A_128 = vector.shape_cast %get3A_127 : vector<1x16xf32> to vector<16xf32>
        %get3A_129 = arith.index_cast %scan3A_84 : i32 to index
        %get3A_130 = arith.constant 48 : index
        %get3A_131 = tpu.vector_load %arg17[%get3A_129, %get3A_130] {strides = array<i32>} : memref<64x144xf32, #tpu.memory_space<vmem>>, vector<1x16xf32>,
        %get3A_132 = vector.shape_cast %get3A_131 : vector<1x16xf32> to vector<16xf32>
        %add3A_133 = arith.addf %get3A_128, %get3A_132 : vector<16xf32>
        %swap3A_134 = arith.index_cast %scan3A_84 : i32 to index
        %swap3A_135 = arith.constant 48 : index
        %swap3A_136 = tpu.vector_load %arg18[%swap3A_134, %swap3A_135] {strides = array<i32>} : memref<64x128xf32, #tpu.memory_space<vmem>>, vector<1x16xf32>,
        %swap3A_137 = vector.shape_cast %swap3A_136 : vector<1x16xf32> to vector<16xf32>
        %swap3A_138 = vector.shape_cast %add3A_133 : vector<16xf32> to vector<1x16xf32>
        tpu.vector_store %arg18[%swap3A_134, %swap3A_135], %swap3A_138 {strides = array<i32>} : memref<64x128xf32, #tpu.memory_space<vmem>>, vector<1x16xf32>,
        %get3A_139 = arith.index_cast %scan3A_84 : i32 to index
        %get3A_140 = arith.constant 64 : index
        %get3A_141 = tpu.vector_load %arg16[%get3A_139, %get3A_140] {strides = array<i32>} : memref<64x144xf32, #tpu.memory_space<vmem>>, vector<1x16xf32>,
        %get3A_142 = vector.shape_cast %get3A_141 : vector<1x16xf32> to vector<16xf32>
        %get3A_143 = arith.index_cast %scan3A_84 : i32 to index
        %get3A_144 = arith.constant 64 : index
        %get3A_145 = tpu.vector_load %arg17[%get3A_143, %get3A_144] {strides = array<i32>} : memref<64x144xf32, #tpu.memory_space<vmem>>, vector<1x16xf32>,
        %get3A_146 = vector.shape_cast %get3A_145 : vector<1x16xf32> to vector<16xf32>
        %add3A_147 = arith.addf %get3A_142, %get3A_146 : vector<16xf32>
        %swap3A_148 = arith.index_cast %scan3A_84 : i32 to index
        %swap3A_149 = arith.constant 64 : index
        %swap3A_150 = tpu.vector_load %arg18[%swap3A_148, %swap3A_149] {strides = array<i32>} : memref<64x128xf32, #tpu.memory_space<vmem>>, vector<1x16xf32>,
        %swap3A_151 = vector.shape_cast %swap3A_150 : vector<1x16xf32> to vector<16xf32>
        %swap3A_152 = vector.shape_cast %add3A_147 : vector<16xf32> to vector<1x16xf32>
        tpu.vector_store %arg18[%swap3A_148, %swap3A_149], %swap3A_152 {strides = array<i32>} : memref<64x128xf32, #tpu.memory_space<vmem>>, vector<1x16xf32>,
        %get3A_153 = arith.index_cast %scan3A_84 : i32 to index
        %get3A_154 = arith.constant 80 : index
        %get3A_155 = tpu.vector_load %arg16[%get3A_153, %get3A_154] {strides = array<i32>} : memref<64x144xf32, #tpu.memory_space<vmem>>, vector<1x16xf32>,
        %get3A_156 = vector.shape_cast %get3A_155 : vector<1x16xf32> to vector<16xf32>
        %get3A_157 = arith.index_cast %scan3A_84 : i32 to index
        %get3A_158 = arith.constant 80 : index
        %get3A_159 = tpu.vector_load %arg17[%get3A_157, %get3A_158] {strides = array<i32>} : memref<64x144xf32, #tpu.memory_space<vmem>>, vector<1x16xf32>,
        %get3A_160 = vector.shape_cast %get3A_159 : vector<1x16xf32> to vector<16xf32>
        %add3A_161 = arith.addf %get3A_156, %get3A_160 : vector<16xf32>
        %swap3A_162 = arith.index_cast %scan3A_84 : i32 to index
        %swap3A_163 = arith.constant 80 : index
        %swap3A_164 = tpu.vector_load %arg18[%swap3A_162, %swap3A_163] {strides = array<i32>} : memref<64x128xf32, #tpu.memory_space<vmem>>, vector<1x16xf32>,
        %swap3A_165 = vector.shape_cast %swap3A_164 : vector<1x16xf32> to vector<16xf32>
        %swap3A_166 = vector.shape_cast %add3A_161 : vector<16xf32> to vector<1x16xf32>
        tpu.vector_store %arg18[%swap3A_162, %swap3A_163], %swap3A_166 {strides = array<i32>} : memref<64x128xf32, #tpu.memory_space<vmem>>, vector<1x16xf32>,
        %get3A_167 = arith.index_cast %scan3A_84 : i32 to index
        %get3A_168 = arith.constant 96 : index
        %get3A_169 = tpu.vector_load %arg16[%get3A_167, %get3A_168] {strides = array<i32>} : memref<64x144xf32, #tpu.memory_space<vmem>>, vector<1x16xf32>,
        %get3A_170 = vector.shape_cast %get3A_169 : vector<1x16xf32> to vector<16xf32>
        %get3A_171 = arith.index_cast %scan3A_84 : i32 to index
        %get3A_172 = arith.constant 96 : index
        %get3A_173 = tpu.vector_load %arg17[%get3A_171, %get3A_172] {strides = array<i32>} : memref<64x144xf32, #tpu.memory_space<vmem>>, vector<1x16xf32>,
        %get3A_174 = vector.shape_cast %get3A_173 : vector<1x16xf32> to vector<16xf32>
        %add3A_175 = arith.addf %get3A_170, %get3A_174 : vector<16xf32>
        %swap3A_176 = arith.index_cast %scan3A_84 : i32 to index
        %swap3A_177 = arith.constant 96 : index
        %swap3A_178 = tpu.vector_load %arg18[%swap3A_176, %swap3A_177] {strides = array<i32>} : memref<64x128xf32, #tpu.memory_space<vmem>>, vector<1x16xf32>,
        %swap3A_179 = vector.shape_cast %swap3A_178 : vector<1x16xf32> to vector<16xf32>
        %swap3A_180 = vector.shape_cast %add3A_175 : vector<16xf32> to vector<1x16xf32>
        tpu.vector_store %arg18[%swap3A_176, %swap3A_177], %swap3A_180 {strides = array<i32>} : memref<64x128xf32, #tpu.memory_space<vmem>>, vector<1x16xf32>,
        %get3A_181 = arith.index_cast %scan3A_84 : i32 to index
        %get3A_182 = arith.constant 112 : index
        %get3A_183 = tpu.vector_load %arg16[%get3A_181, %get3A_182] {strides = array<i32>} : memref<64x144xf32, #tpu.memory_space<vmem>>, vector<1x16xf32>,
        %get3A_184 = vector.shape_cast %get3A_183 : vector<1x16xf32> to vector<16xf32>
        %get3A_185 = arith.index_cast %scan3A_84 : i32 to index
        %get3A_186 = arith.constant 112 : index
        %get3A_187 = tpu.vector_load %arg17[%get3A_185, %get3A_186] {strides = array<i32>} : memref<64x144xf32, #tpu.memory_space<vmem>>, vector<1x16xf32>,
        %get3A_188 = vector.shape_cast %get3A_187 : vector<1x16xf32> to vector<16xf32>
        %add3A_189 = arith.addf %get3A_184, %get3A_188 : vector<16xf32>
        %swap3A_190 = arith.index_cast %scan3A_84 : i32 to index
        %swap3A_191 = arith.constant 112 : index
        %swap3A_192 = tpu.vector_load %arg18[%swap3A_190, %swap3A_191] {strides = array<i32>} : memref<64x128xf32, #tpu.memory_space<vmem>>, vector<1x16xf32>,
        %swap3A_193 = vector.shape_cast %swap3A_192 : vector<1x16xf32> to vector<16xf32>
        %swap3A_194 = vector.shape_cast %add3A_189 : vector<16xf32> to vector<1x16xf32>
        tpu.vector_store %arg18[%swap3A_190, %swap3A_191], %swap3A_194 {strides = array<i32>} : memref<64x128xf32, #tpu.memory_space<vmem>>, vector<1x16xf32>,
        %get3A_195 = arith.index_cast %scan3A_84 : i32 to index
        %get3A_196 = arith.constant 128 : index
        %get3A_197 = tpu.vector_load %arg16[%get3A_195, %get3A_196] {strides = array<i32>} : memref<64x144xf32, #tpu.memory_space<vmem>>, vector<1x16xf32>,
        %get3A_198 = vector.shape_cast %get3A_197 : vector<1x16xf32> to vector<16xf32>
        %get3A_199 = arith.index_cast %scan3A_84 : i32 to index
        %get3A_200 = arith.constant 128 : index
        %get3A_201 = tpu.vector_load %arg17[%get3A_199, %get3A_200] {strides = array<i32>} : memref<64x144xf32, #tpu.memory_space<vmem>>, vector<1x16xf32>,
        %get3A_202 = vector.shape_cast %get3A_201 : vector<1x16xf32> to vector<16xf32>
        %add3A_203 = arith.addf %get3A_198, %get3A_202 : vector<16xf32>
        %swap3A_204 = arith.index_cast %scan3A_84 : i32 to index
        %swap3A_205 = arith.constant 0 : index
        %swap3A_206 = tpu.vector_load %arg19[%swap3A_204, %swap3A_205] {strides = array<i32>} : memref<64x16xf32, #tpu.memory_space<vmem>>, vector<1x16xf32>,
        %swap3A_207 = vector.shape_cast %swap3A_206 : vector<1x16xf32> to vector<16xf32>
        %swap3A_208 = vector.shape_cast %add3A_203 : vector<16xf32> to vector<1x16xf32>
        tpu.vector_store %arg19[%swap3A_204, %swap3A_205], %swap3A_208 {strides = array<i32>} : memref<64x16xf32, #tpu.memory_space<vmem>>, vector<1x16xf32>,
      }
      %scan3A_75 = arith.constant 64 : i32
      %dma_start3A_76 = arith.constant 0 : i32
      %dma_start3A_77 = tpu.memref_slice %arg6[%add3A_30, %dma_start3A_76] : memref<163840x128xf32, #tpu.memory_space<hbm>> -> memref<64x128xf32, #tpu.memory_space<hbm>>
      %dma_start3A_78 = arith.constant 0 : i32
      %dma_start3A_79 = tpu.memref_slice %arg6[%add3A_30, %dma_start3A_78] : memref<163840x128xf32, #tpu.memory_space<hbm>> -> memref<64x128xf32, #tpu.memory_space<hbm>>
      tpu.enqueue_dma source(%arg18 : memref<64x128xf32, #tpu.memory_space<vmem>>) target(%dma_start3A_79 : memref<64x128xf32, #tpu.memory_space<hbm>>) target_semaphore(%arg23 : memref<!tpu.dma_semaphore, #tpu.memory_space<semaphore_mem>>)
      %dma_start3A_80 = arith.constant 0 : i32
      %dma_start3A_81 = tpu.memref_slice %arg7[%add3A_30, %dma_start3A_80] : memref<163840x16xf32, #tpu.memory_space<hbm>> -> memref<64x16xf32, #tpu.memory_space<hbm>>
      %dma_start3A_82 = arith.constant 0 : i32
      %dma_start3A_83 = tpu.memref_slice %arg7[%add3A_30, %dma_start3A_82] : memref<163840x16xf32, #tpu.memory_space<hbm>> -> memref<64x16xf32, #tpu.memory_space<hbm>>
      tpu.enqueue_dma source(%arg19 : memref<64x16xf32, #tpu.memory_space<vmem>>) target(%dma_start3A_83 : memref<64x16xf32, #tpu.memory_space<hbm>>) target_semaphore(%arg23 : memref<!tpu.dma_semaphore, #tpu.memory_space<semaphore_mem>>)
    }
    %scan3A_7 = arith.constant 40 : i32
    %dma_wait3A = arith.constant 0 : i32
    %dma_wait3A_8 = tpu.memref_slice %arg6[%mul3A_2, %dma_wait3A] : memref<163840x128xf32, #tpu.memory_space<hbm>> -> memref<64x128xf32, #tpu.memory_space<hbm>>
    %dma_wait3A_9 = arith.constant 0 : i32
    %dma_wait3A_10 = tpu.memref_slice %arg6[%mul3A_2, %dma_wait3A_9] : memref<163840x128xf32, #tpu.memory_space<hbm>> -> memref<64x128xf32, #tpu.memory_space<hbm>>
    tpu.wait_dma2 semaphore(%arg22 : memref<!tpu.dma_semaphore, #tpu.memory_space<semaphore_mem>>) src(%arg12 : memref<64x128xf32, #tpu.memory_space<vmem>>) dst(%dma_wait3A_10 : memref<64x128xf32, #tpu.memory_space<hbm>>)
    %dma_wait3A_11 = arith.constant 0 : i32
    %dma_wait3A_12 = tpu.memref_slice %arg7[%mul3A_2, %dma_wait3A_11] : memref<163840x16xf32, #tpu.memory_space<hbm>> -> memref<64x16xf32, #tpu.memory_space<hbm>>
    %dma_wait3A_13 = arith.constant 0 : i32
    %dma_wait3A_14 = tpu.memref_slice %arg7[%mul3A_2, %dma_wait3A_13] : memref<163840x16xf32, #tpu.memory_space<hbm>> -> memref<64x16xf32, #tpu.memory_space<hbm>>
    tpu.wait_dma2 semaphore(%arg22 : memref<!tpu.dma_semaphore, #tpu.memory_space<semaphore_mem>>) src(%arg13 : memref<64x16xf32, #tpu.memory_space<vmem>>) dst(%dma_wait3A_14 : memref<64x16xf32, #tpu.memory_space<hbm>>)
    %dma_wait3A_15 = arith.constant 0 : i32
    %dma_wait3A_16 = tpu.memref_slice %arg6[%mul3A_2, %dma_wait3A_15] : memref<163840x128xf32, #tpu.memory_space<hbm>> -> memref<64x128xf32, #tpu.memory_space<hbm>>
    %dma_wait3A_17 = arith.constant 0 : i32
    %dma_wait3A_18 = tpu.memref_slice %arg6[%mul3A_2, %dma_wait3A_17] : memref<163840x128xf32, #tpu.memory_space<hbm>> -> memref<64x128xf32, #tpu.memory_space<hbm>>
    tpu.wait_dma2 semaphore(%arg23 : memref<!tpu.dma_semaphore, #tpu.memory_space<semaphore_mem>>) src(%arg18 : memref<64x128xf32, #tpu.memory_space<vmem>>) dst(%dma_wait3A_18 : memref<64x128xf32, #tpu.memory_space<hbm>>)
    %dma_wait3A_19 = arith.constant 0 : i32
    %dma_wait3A_20 = tpu.memref_slice %arg7[%mul3A_2, %dma_wait3A_19] : memref<163840x16xf32, #tpu.memory_space<hbm>> -> memref<64x16xf32, #tpu.memory_space<hbm>>
    %dma_wait3A_21 = arith.constant 0 : i32
    %dma_wait3A_22 = tpu.memref_slice %arg7[%mul3A_2, %dma_wait3A_21] : memref<163840x16xf32, #tpu.memory_space<hbm>> -> memref<64x16xf32, #tpu.memory_space<hbm>>
    tpu.wait_dma2 semaphore(%arg23 : memref<!tpu.dma_semaphore, #tpu.memory_space<semaphore_mem>>) src(%arg19 : memref<64x16xf32, #tpu.memory_space<vmem>>) dst(%dma_wait3A_22 : memref<64x16xf32, #tpu.memory_space<hbm>>)
    return
  }
}

#map = affine_map<(d0, d1) -> (0, 0)>
#map1 = affine_map<(d0, d1) -> (0)>
module attributes {stable_mosaic.version = 14 : i64} {
  func.func @k(%arg0: i32, %arg1: i32, %arg2: memref<10000x144xf32, #tpu.memory_space<hbm>>, %arg3: memref<10000x144xf32, #tpu.memory_space<hbm>>, %arg4: memref<163840xi32, #tpu.memory_space<hbm>>, %arg5: memref<163840xi32, #tpu.memory_space<hbm>>, %arg6: memref<163840x128xf32, #tpu.memory_space<hbm>>, %arg7: memref<163840x16xf32, #tpu.memory_space<hbm>>, %arg8: memref<64xi32, #tpu.memory_space<vmem>>, %arg9: memref<64xi32, #tpu.memory_space<vmem>>, %arg10: memref<64x144xf32, #tpu.memory_space<vmem>>, %arg11: memref<64x144xf32, #tpu.memory_space<vmem>>, %arg12: memref<64x128xf32, #tpu.memory_space<vmem>>, %arg13: memref<64x16xf32, #tpu.memory_space<vmem>>, %arg14: memref<64xi32, #tpu.memory_space<vmem>>, %arg15: memref<64xi32, #tpu.memory_space<vmem>>, %arg16: memref<64x144xf32, #tpu.memory_space<vmem>>, %arg17: memref<64x144xf32, #tpu.memory_space<vmem>>, %arg18: memref<64x128xf32, #tpu.memory_space<vmem>>, %arg19: memref<64x16xf32, #tpu.memory_space<vmem>>, %arg20: memref<!tpu.dma_semaphore, #tpu.memory_space<semaphore_mem>>, %arg21: memref<!tpu.dma_semaphore, #tpu.memory_space<semaphore_mem>>, %arg22: memref<!tpu.dma_semaphore, #tpu.memory_space<semaphore_mem>>, %arg23: memref<!tpu.dma_semaphore, #tpu.memory_space<semaphore_mem>>) attributes {dimension_semantics = [#tpu.dimension_semantics<core_parallel>, #tpu.dimension_semantics<subcore_parallel>], iteration_bounds = array<i64: 2, 16>, scalar_prefetch = 0 : i64, scratch_operands = 16 : i64, tpu.core_type = #tpu.core_type<sc_vector_subcore>, window_params = [{transform_indices = #map}, {transform_indices = #map}, {transform_indices = #map1}, {transform_indices = #map1}, {transform_indices = #map}, {transform_indices = #map}]} {
    %mul3A = arith.constant 2 : i32
    %mul3A_0 = arith.muli %arg1, %mul3A : i32
    %add3A = arith.addi %mul3A_0, %arg0 : i32
    %mul3A_1 = arith.constant 5120 : i32
    %mul3A_2 = arith.muli %add3A, %mul3A_1 : i32
    %scan3A = arith.constant 0 : i32
    %scan3A_3 = arith.constant 0 : i32
    %scan3A_4 = arith.constant 40 : i32
    %scan3A_5 = arith.addi %scan3A_3, %scan3A_4 : i32
    %scan3A_6 = arith.constant 1 : i32
    scf.for %scan3A_23 = %scan3A_3 to %scan3A_5 step %scan3A_6  : i32 {
      %mul3A_24 = arith.constant 2 : i32
      %mul3A_25 = arith.muli %mul3A_24, %scan3A_23 : i32
      %mul3A_26 = arith.constant 64 : i32
      %mul3A_27 = arith.muli %mul3A_25, %mul3A_26 : i32
      %add3A_28 = arith.addi %mul3A_2, %mul3A_27 : i32
      %add3A_29 = arith.constant 64 : i32
      %add3A_30 = arith.addi %add3A_28, %add3A_29 : i32
      %gt3A = arith.constant 0 : i32
      %gt3A_31 = arith.cmpi sgt, %scan3A_23, %gt3A : i32
      %convert_element_type3A = arith.extui %gt3A_31 : i1 to i32
      %cond3A = arith.constant 0 : i32
      %cond3A_32 = arith.cmpi ne, %convert_element_type3A, %cond3A : i32
      scf.if %cond3A_32 {
        %dma_wait3A_84 = arith.constant 0 : i32
        %dma_wait3A_85 = tpu.memref_slice %arg6[%mul3A_2, %dma_wait3A_84] : memref<163840x128xf32, #tpu.memory_space<hbm>> -> memref<64x128xf32, #tpu.memory_space<hbm>>
        %dma_wait3A_86 = arith.constant 0 : i32
        %dma_wait3A_87 = tpu.memref_slice %arg6[%mul3A_2, %dma_wait3A_86] : memref<163840x128xf32, #tpu.memory_space<hbm>> -> memref<64x128xf32, #tpu.memory_space<hbm>>
        tpu.wait_dma2 semaphore(%arg22 : memref<!tpu.dma_semaphore, #tpu.memory_space<semaphore_mem>>) src(%arg12 : memref<64x128xf32, #tpu.memory_space<vmem>>) dst(%dma_wait3A_87 : memref<64x128xf32, #tpu.memory_space<hbm>>)
        %dma_wait3A_88 = arith.constant 0 : i32
        %dma_wait3A_89 = tpu.memref_slice %arg7[%mul3A_2, %dma_wait3A_88] : memref<163840x16xf32, #tpu.memory_space<hbm>> -> memref<64x16xf32, #tpu.memory_space<hbm>>
        %dma_wait3A_90 = arith.constant 0 : i32
        %dma_wait3A_91 = tpu.memref_slice %arg7[%mul3A_2, %dma_wait3A_90] : memref<163840x16xf32, #tpu.memory_space<hbm>> -> memref<64x16xf32, #tpu.memory_space<hbm>>
        tpu.wait_dma2 semaphore(%arg22 : memref<!tpu.dma_semaphore, #tpu.memory_space<semaphore_mem>>) src(%arg13 : memref<64x16xf32, #tpu.memory_space<vmem>>) dst(%dma_wait3A_91 : memref<64x16xf32, #tpu.memory_space<hbm>>)
        %dma_wait3A_92 = arith.constant 0 : i32
        %dma_wait3A_93 = tpu.memref_slice %arg6[%mul3A_2, %dma_wait3A_92] : memref<163840x128xf32, #tpu.memory_space<hbm>> -> memref<64x128xf32, #tpu.memory_space<hbm>>
        %dma_wait3A_94 = arith.constant 0 : i32
        %dma_wait3A_95 = tpu.memref_slice %arg6[%mul3A_2, %dma_wait3A_94] : memref<163840x128xf32, #tpu.memory_space<hbm>> -> memref<64x128xf32, #tpu.memory_space<hbm>>
        tpu.wait_dma2 semaphore(%arg23 : memref<!tpu.dma_semaphore, #tpu.memory_space<semaphore_mem>>) src(%arg18 : memref<64x128xf32, #tpu.memory_space<vmem>>) dst(%dma_wait3A_95 : memref<64x128xf32, #tpu.memory_space<hbm>>)
        %dma_wait3A_96 = arith.constant 0 : i32
        %dma_wait3A_97 = tpu.memref_slice %arg7[%mul3A_2, %dma_wait3A_96] : memref<163840x16xf32, #tpu.memory_space<hbm>> -> memref<64x16xf32, #tpu.memory_space<hbm>>
        %dma_wait3A_98 = arith.constant 0 : i32
        %dma_wait3A_99 = tpu.memref_slice %arg7[%mul3A_2, %dma_wait3A_98] : memref<163840x16xf32, #tpu.memory_space<hbm>> -> memref<64x16xf32, #tpu.memory_space<hbm>>
        tpu.wait_dma2 semaphore(%arg23 : memref<!tpu.dma_semaphore, #tpu.memory_space<semaphore_mem>>) src(%arg19 : memref<64x16xf32, #tpu.memory_space<vmem>>) dst(%dma_wait3A_99 : memref<64x16xf32, #tpu.memory_space<hbm>>)
      } else {
      }
      "tpu.region"() ({
        %run_scoped3A = tpu.sem_alloc : memref<!tpu.dma_semaphore, #tpu.memory_space<semaphore_mem>>
        %dma_start3A_84 = tpu.memref_slice %arg4[%add3A_28] : memref<163840xi32, #tpu.memory_space<hbm>> -> memref<64xi32, #tpu.memory_space<hbm>>
        %dma_start3A_85 = tpu.memref_slice %arg4[%add3A_28] : memref<163840xi32, #tpu.memory_space<hbm>> -> memref<64xi32, #tpu.memory_space<hbm>>
        tpu.enqueue_dma source(%dma_start3A_85 : memref<64xi32, #tpu.memory_space<hbm>>) target(%arg8 : memref<64xi32, #tpu.memory_space<vmem>>) target_semaphore(%run_scoped3A : memref<!tpu.dma_semaphore, #tpu.memory_space<semaphore_mem>>)
        %dma_wait3A_86 = tpu.memref_slice %arg4[%add3A_28] : memref<163840xi32, #tpu.memory_space<hbm>> -> memref<64xi32, #tpu.memory_space<hbm>>
        %dma_wait3A_87 = tpu.memref_slice %arg4[%add3A_28] : memref<163840xi32, #tpu.memory_space<hbm>> -> memref<64xi32, #tpu.memory_space<hbm>>
        tpu.wait_dma2 semaphore(%run_scoped3A : memref<!tpu.dma_semaphore, #tpu.memory_space<semaphore_mem>>) src(%dma_wait3A_87 : memref<64xi32, #tpu.memory_space<hbm>>) dst(%arg8 : memref<64xi32, #tpu.memory_space<vmem>>)
        tpu.yield
      }) : () -> ()
      "tpu.region"() ({
        %run_scoped3A = tpu.sem_alloc : memref<!tpu.dma_semaphore, #tpu.memory_space<semaphore_mem>>
        %dma_start3A_84 = tpu.memref_slice %arg5[%add3A_28] : memref<163840xi32, #tpu.memory_space<hbm>> -> memref<64xi32, #tpu.memory_space<hbm>>
        %dma_start3A_85 = tpu.memref_slice %arg5[%add3A_28] : memref<163840xi32, #tpu.memory_space<hbm>> -> memref<64xi32, #tpu.memory_space<hbm>>
        tpu.enqueue_dma source(%dma_start3A_85 : memref<64xi32, #tpu.memory_space<hbm>>) target(%arg9 : memref<64xi32, #tpu.memory_space<vmem>>) target_semaphore(%run_scoped3A : memref<!tpu.dma_semaphore, #tpu.memory_space<semaphore_mem>>)
        %dma_wait3A_86 = tpu.memref_slice %arg5[%add3A_28] : memref<163840xi32, #tpu.memory_space<hbm>> -> memref<64xi32, #tpu.memory_space<hbm>>
        %dma_wait3A_87 = tpu.memref_slice %arg5[%add3A_28] : memref<163840xi32, #tpu.memory_space<hbm>> -> memref<64xi32, #tpu.memory_space<hbm>>
        tpu.wait_dma2 semaphore(%run_scoped3A : memref<!tpu.dma_semaphore, #tpu.memory_space<semaphore_mem>>) src(%dma_wait3A_87 : memref<64xi32, #tpu.memory_space<hbm>>) dst(%arg9 : memref<64xi32, #tpu.memory_space<vmem>>)
        tpu.yield
      }) : () -> ()
      %dma_start3A = arith.constant 0 : i32
      %dma_start3A_33 = arith.constant 0 : i32
      %dma_start3A_34 = tpu.memref_slice %arg2[%dma_start3A, %dma_start3A_33] : memref<10000x144xf32, #tpu.memory_space<hbm>> -> memref<10000x144xf32, #tpu.memory_space<hbm>>
      tpu.enqueue_indirect_dma source(%dma_start3A_34 : memref<10000x144xf32, #tpu.memory_space<hbm>>) target(%arg10 : memref<64x144xf32, #tpu.memory_space<vmem>>) offsets(%arg8 : memref<64xi32, #tpu.memory_space<vmem>>) semaphore(%arg20 : memref<!tpu.dma_semaphore, #tpu.memory_space<semaphore_mem>>)
      %dma_start3A_35 = arith.constant 0 : i32
      %dma_start3A_36 = arith.constant 0 : i32
      %dma_start3A_37 = tpu.memref_slice %arg3[%dma_start3A_35, %dma_start3A_36] : memref<10000x144xf32, #tpu.memory_space<hbm>> -> memref<10000x144xf32, #tpu.memory_space<hbm>>
      tpu.enqueue_indirect_dma source(%dma_start3A_37 : memref<10000x144xf32, #tpu.memory_space<hbm>>) target(%arg11 : memref<64x144xf32, #tpu.memory_space<vmem>>) offsets(%arg9 : memref<64xi32, #tpu.memory_space<vmem>>) semaphore(%arg20 : memref<!tpu.dma_semaphore, #tpu.memory_space<semaphore_mem>>)
      "tpu.region"() ({
        %run_scoped3A = tpu.sem_alloc : memref<!tpu.dma_semaphore, #tpu.memory_space<semaphore_mem>>
        %dma_start3A_84 = tpu.memref_slice %arg4[%add3A_30] : memref<163840xi32, #tpu.memory_space<hbm>> -> memref<64xi32, #tpu.memory_space<hbm>>
        %dma_start3A_85 = tpu.memref_slice %arg4[%add3A_30] : memref<163840xi32, #tpu.memory_space<hbm>> -> memref<64xi32, #tpu.memory_space<hbm>>
        tpu.enqueue_dma source(%dma_start3A_85 : memref<64xi32, #tpu.memory_space<hbm>>) target(%arg14 : memref<64xi32, #tpu.memory_space<vmem>>) target_semaphore(%run_scoped3A : memref<!tpu.dma_semaphore, #tpu.memory_space<semaphore_mem>>)
        %dma_wait3A_86 = tpu.memref_slice %arg4[%add3A_30] : memref<163840xi32, #tpu.memory_space<hbm>> -> memref<64xi32, #tpu.memory_space<hbm>>
        %dma_wait3A_87 = tpu.memref_slice %arg4[%add3A_30] : memref<163840xi32, #tpu.memory_space<hbm>> -> memref<64xi32, #tpu.memory_space<hbm>>
        tpu.wait_dma2 semaphore(%run_scoped3A : memref<!tpu.dma_semaphore, #tpu.memory_space<semaphore_mem>>) src(%dma_wait3A_87 : memref<64xi32, #tpu.memory_space<hbm>>) dst(%arg14 : memref<64xi32, #tpu.memory_space<vmem>>)
        tpu.yield
      }) : () -> ()
      "tpu.region"() ({
        %run_scoped3A = tpu.sem_alloc : memref<!tpu.dma_semaphore, #tpu.memory_space<semaphore_mem>>
        %dma_start3A_84 = tpu.memref_slice %arg5[%add3A_30] : memref<163840xi32, #tpu.memory_space<hbm>> -> memref<64xi32, #tpu.memory_space<hbm>>
        %dma_start3A_85 = tpu.memref_slice %arg5[%add3A_30] : memref<163840xi32, #tpu.memory_space<hbm>> -> memref<64xi32, #tpu.memory_space<hbm>>
        tpu.enqueue_dma source(%dma_start3A_85 : memref<64xi32, #tpu.memory_space<hbm>>) target(%arg15 : memref<64xi32, #tpu.memory_space<vmem>>) target_semaphore(%run_scoped3A : memref<!tpu.dma_semaphore, #tpu.memory_space<semaphore_mem>>)
        %dma_wait3A_86 = tpu.memref_slice %arg5[%add3A_30] : memref<163840xi32, #tpu.memory_space<hbm>> -> memref<64xi32, #tpu.memory_space<hbm>>
        %dma_wait3A_87 = tpu.memref_slice %arg5[%add3A_30] : memref<163840xi32, #tpu.memory_space<hbm>> -> memref<64xi32, #tpu.memory_space<hbm>>
        tpu.wait_dma2 semaphore(%run_scoped3A : memref<!tpu.dma_semaphore, #tpu.memory_space<semaphore_mem>>) src(%dma_wait3A_87 : memref<64xi32, #tpu.memory_space<hbm>>) dst(%arg15 : memref<64xi32, #tpu.memory_space<vmem>>)
        tpu.yield
      }) : () -> ()
      %dma_start3A_38 = arith.constant 0 : i32
      %dma_start3A_39 = arith.constant 0 : i32
      %dma_start3A_40 = tpu.memref_slice %arg2[%dma_start3A_38, %dma_start3A_39] : memref<10000x144xf32, #tpu.memory_space<hbm>> -> memref<10000x144xf32, #tpu.memory_space<hbm>>
      tpu.enqueue_indirect_dma source(%dma_start3A_40 : memref<10000x144xf32, #tpu.memory_space<hbm>>) target(%arg16 : memref<64x144xf32, #tpu.memory_space<vmem>>) offsets(%arg14 : memref<64xi32, #tpu.memory_space<vmem>>) semaphore(%arg21 : memref<!tpu.dma_semaphore, #tpu.memory_space<semaphore_mem>>)
      %dma_start3A_41 = arith.constant 0 : i32
      %dma_start3A_42 = arith.constant 0 : i32
      %dma_start3A_43 = tpu.memref_slice %arg3[%dma_start3A_41, %dma_start3A_42] : memref<10000x144xf32, #tpu.memory_space<hbm>> -> memref<10000x144xf32, #tpu.memory_space<hbm>>
      tpu.enqueue_indirect_dma source(%dma_start3A_43 : memref<10000x144xf32, #tpu.memory_space<hbm>>) target(%arg17 : memref<64x144xf32, #tpu.memory_space<vmem>>) offsets(%arg15 : memref<64xi32, #tpu.memory_space<vmem>>) semaphore(%arg21 : memref<!tpu.dma_semaphore, #tpu.memory_space<semaphore_mem>>)
      %dma_wait3A_44 = arith.constant 0 : i32
      %dma_wait3A_45 = arith.constant 0 : i32
      %dma_wait3A_46 = tpu.memref_slice %arg2[%dma_wait3A_44, %dma_wait3A_45] : memref<10000x144xf32, #tpu.memory_space<hbm>> -> memref<10000x144xf32, #tpu.memory_space<hbm>>
      tpu.wait_indirect_dma semaphore(%arg20 : memref<!tpu.dma_semaphore, #tpu.memory_space<semaphore_mem>>) src(%dma_wait3A_46 : memref<10000x144xf32, #tpu.memory_space<hbm>>) dst(%arg10 : memref<64x144xf32, #tpu.memory_space<vmem>>)
      %dma_wait3A_47 = arith.constant 0 : i32
      %dma_wait3A_48 = arith.constant 0 : i32
      %dma_wait3A_49 = tpu.memref_slice %arg3[%dma_wait3A_47, %dma_wait3A_48] : memref<10000x144xf32, #tpu.memory_space<hbm>> -> memref<10000x144xf32, #tpu.memory_space<hbm>>
      tpu.wait_indirect_dma semaphore(%arg20 : memref<!tpu.dma_semaphore, #tpu.memory_space<semaphore_mem>>) src(%dma_wait3A_49 : memref<10000x144xf32, #tpu.memory_space<hbm>>) dst(%arg11 : memref<64x144xf32, #tpu.memory_space<vmem>>)
      %scan3A_50 = arith.constant 0 : i32
      %scan3A_51 = arith.constant 0 : i32
      %scan3A_52 = arith.constant 64 : i32
      %scan3A_53 = arith.addi %scan3A_51, %scan3A_52 : i32
      %scan3A_54 = arith.constant 1 : i32
      scf.for %scan3A_84 = %scan3A_51 to %scan3A_53 step %scan3A_54  : i32 {
        %get3A = arith.index_cast %scan3A_84 : i32 to index
        %get3A_85 = arith.constant 0 : index
        %get3A_86 = tpu.vector_load %arg10[%get3A, %get3A_85] {strides = array<i32>} : memref<64x144xf32, #tpu.memory_space<vmem>>, vector<1x16xf32>,
        %get3A_87 = vector.shape_cast %get3A_86 : vector<1x16xf32> to vector<16xf32>
        %get3A_88 = arith.index_cast %scan3A_84 : i32 to index
        %get3A_89 = arith.constant 0 : index
        %get3A_90 = tpu.vector_load %arg11[%get3A_88, %get3A_89] {strides = array<i32>} : memref<64x144xf32, #tpu.memory_space<vmem>>, vector<1x16xf32>,
        %get3A_91 = vector.shape_cast %get3A_90 : vector<1x16xf32> to vector<16xf32>
        %add3A_92 = arith.addf %get3A_87, %get3A_91 : vector<16xf32>
        %swap3A = arith.index_cast %scan3A_84 : i32 to index
        %swap3A_93 = arith.constant 0 : index
        %swap3A_94 = tpu.vector_load %arg12[%swap3A, %swap3A_93] {strides = array<i32>} : memref<64x128xf32, #tpu.memory_space<vmem>>, vector<1x16xf32>,
        %swap3A_95 = vector.shape_cast %swap3A_94 : vector<1x16xf32> to vector<16xf32>
        %swap3A_96 = vector.shape_cast %add3A_92 : vector<16xf32> to vector<1x16xf32>
        tpu.vector_store %arg12[%swap3A, %swap3A_93], %swap3A_96 {strides = array<i32>} : memref<64x128xf32, #tpu.memory_space<vmem>>, vector<1x16xf32>,
        %get3A_97 = arith.index_cast %scan3A_84 : i32 to index
        %get3A_98 = arith.constant 16 : index
        %get3A_99 = tpu.vector_load %arg10[%get3A_97, %get3A_98] {strides = array<i32>} : memref<64x144xf32, #tpu.memory_space<vmem>>, vector<1x16xf32>,
        %get3A_100 = vector.shape_cast %get3A_99 : vector<1x16xf32> to vector<16xf32>
        %get3A_101 = arith.index_cast %scan3A_84 : i32 to index
        %get3A_102 = arith.constant 16 : index
        %get3A_103 = tpu.vector_load %arg11[%get3A_101, %get3A_102] {strides = array<i32>} : memref<64x144xf32, #tpu.memory_space<vmem>>, vector<1x16xf32>,
        %get3A_104 = vector.shape_cast %get3A_103 : vector<1x16xf32> to vector<16xf32>
        %add3A_105 = arith.addf %get3A_100, %get3A_104 : vector<16xf32>
        %swap3A_106 = arith.index_cast %scan3A_84 : i32 to index
        %swap3A_107 = arith.constant 16 : index
        %swap3A_108 = tpu.vector_load %arg12[%swap3A_106, %swap3A_107] {strides = array<i32>} : memref<64x128xf32, #tpu.memory_space<vmem>>, vector<1x16xf32>,
        %swap3A_109 = vector.shape_cast %swap3A_108 : vector<1x16xf32> to vector<16xf32>
        %swap3A_110 = vector.shape_cast %add3A_105 : vector<16xf32> to vector<1x16xf32>
        tpu.vector_store %arg12[%swap3A_106, %swap3A_107], %swap3A_110 {strides = array<i32>} : memref<64x128xf32, #tpu.memory_space<vmem>>, vector<1x16xf32>,
        %get3A_111 = arith.index_cast %scan3A_84 : i32 to index
        %get3A_112 = arith.constant 32 : index
        %get3A_113 = tpu.vector_load %arg10[%get3A_111, %get3A_112] {strides = array<i32>} : memref<64x144xf32, #tpu.memory_space<vmem>>, vector<1x16xf32>,
        %get3A_114 = vector.shape_cast %get3A_113 : vector<1x16xf32> to vector<16xf32>
        %get3A_115 = arith.index_cast %scan3A_84 : i32 to index
        %get3A_116 = arith.constant 32 : index
        %get3A_117 = tpu.vector_load %arg11[%get3A_115, %get3A_116] {strides = array<i32>} : memref<64x144xf32, #tpu.memory_space<vmem>>, vector<1x16xf32>,
        %get3A_118 = vector.shape_cast %get3A_117 : vector<1x16xf32> to vector<16xf32>
        %add3A_119 = arith.addf %get3A_114, %get3A_118 : vector<16xf32>
        %swap3A_120 = arith.index_cast %scan3A_84 : i32 to index
        %swap3A_121 = arith.constant 32 : index
        %swap3A_122 = tpu.vector_load %arg12[%swap3A_120, %swap3A_121] {strides = array<i32>} : memref<64x128xf32, #tpu.memory_space<vmem>>, vector<1x16xf32>,
        %swap3A_123 = vector.shape_cast %swap3A_122 : vector<1x16xf32> to vector<16xf32>
        %swap3A_124 = vector.shape_cast %add3A_119 : vector<16xf32> to vector<1x16xf32>
        tpu.vector_store %arg12[%swap3A_120, %swap3A_121], %swap3A_124 {strides = array<i32>} : memref<64x128xf32, #tpu.memory_space<vmem>>, vector<1x16xf32>,
        %get3A_125 = arith.index_cast %scan3A_84 : i32 to index
        %get3A_126 = arith.constant 48 : index
        %get3A_127 = tpu.vector_load %arg10[%get3A_125, %get3A_126] {strides = array<i32>} : memref<64x144xf32, #tpu.memory_space<vmem>>, vector<1x16xf32>,
        %get3A_128 = vector.shape_cast %get3A_127 : vector<1x16xf32> to vector<16xf32>
        %get3A_129 = arith.index_cast %scan3A_84 : i32 to index
        %get3A_130 = arith.constant 48 : index
        %get3A_131 = tpu.vector_load %arg11[%get3A_129, %get3A_130] {strides = array<i32>} : memref<64x144xf32, #tpu.memory_space<vmem>>, vector<1x16xf32>,
        %get3A_132 = vector.shape_cast %get3A_131 : vector<1x16xf32> to vector<16xf32>
        %add3A_133 = arith.addf %get3A_128, %get3A_132 : vector<16xf32>
        %swap3A_134 = arith.index_cast %scan3A_84 : i32 to index
        %swap3A_135 = arith.constant 48 : index
        %swap3A_136 = tpu.vector_load %arg12[%swap3A_134, %swap3A_135] {strides = array<i32>} : memref<64x128xf32, #tpu.memory_space<vmem>>, vector<1x16xf32>,
        %swap3A_137 = vector.shape_cast %swap3A_136 : vector<1x16xf32> to vector<16xf32>
        %swap3A_138 = vector.shape_cast %add3A_133 : vector<16xf32> to vector<1x16xf32>
        tpu.vector_store %arg12[%swap3A_134, %swap3A_135], %swap3A_138 {strides = array<i32>} : memref<64x128xf32, #tpu.memory_space<vmem>>, vector<1x16xf32>,
        %get3A_139 = arith.index_cast %scan3A_84 : i32 to index
        %get3A_140 = arith.constant 64 : index
        %get3A_141 = tpu.vector_load %arg10[%get3A_139, %get3A_140] {strides = array<i32>} : memref<64x144xf32, #tpu.memory_space<vmem>>, vector<1x16xf32>,
        %get3A_142 = vector.shape_cast %get3A_141 : vector<1x16xf32> to vector<16xf32>
        %get3A_143 = arith.index_cast %scan3A_84 : i32 to index
        %get3A_144 = arith.constant 64 : index
        %get3A_145 = tpu.vector_load %arg11[%get3A_143, %get3A_144] {strides = array<i32>} : memref<64x144xf32, #tpu.memory_space<vmem>>, vector<1x16xf32>,
        %get3A_146 = vector.shape_cast %get3A_145 : vector<1x16xf32> to vector<16xf32>
        %add3A_147 = arith.addf %get3A_142, %get3A_146 : vector<16xf32>
        %swap3A_148 = arith.index_cast %scan3A_84 : i32 to index
        %swap3A_149 = arith.constant 64 : index
        %swap3A_150 = tpu.vector_load %arg12[%swap3A_148, %swap3A_149] {strides = array<i32>} : memref<64x128xf32, #tpu.memory_space<vmem>>, vector<1x16xf32>,
        %swap3A_151 = vector.shape_cast %swap3A_150 : vector<1x16xf32> to vector<16xf32>
        %swap3A_152 = vector.shape_cast %add3A_147 : vector<16xf32> to vector<1x16xf32>
        tpu.vector_store %arg12[%swap3A_148, %swap3A_149], %swap3A_152 {strides = array<i32>} : memref<64x128xf32, #tpu.memory_space<vmem>>, vector<1x16xf32>,
        %get3A_153 = arith.index_cast %scan3A_84 : i32 to index
        %get3A_154 = arith.constant 80 : index
        %get3A_155 = tpu.vector_load %arg10[%get3A_153, %get3A_154] {strides = array<i32>} : memref<64x144xf32, #tpu.memory_space<vmem>>, vector<1x16xf32>,
        %get3A_156 = vector.shape_cast %get3A_155 : vector<1x16xf32> to vector<16xf32>
        %get3A_157 = arith.index_cast %scan3A_84 : i32 to index
        %get3A_158 = arith.constant 80 : index
        %get3A_159 = tpu.vector_load %arg11[%get3A_157, %get3A_158] {strides = array<i32>} : memref<64x144xf32, #tpu.memory_space<vmem>>, vector<1x16xf32>,
        %get3A_160 = vector.shape_cast %get3A_159 : vector<1x16xf32> to vector<16xf32>
        %add3A_161 = arith.addf %get3A_156, %get3A_160 : vector<16xf32>
        %swap3A_162 = arith.index_cast %scan3A_84 : i32 to index
        %swap3A_163 = arith.constant 80 : index
        %swap3A_164 = tpu.vector_load %arg12[%swap3A_162, %swap3A_163] {strides = array<i32>} : memref<64x128xf32, #tpu.memory_space<vmem>>, vector<1x16xf32>,
        %swap3A_165 = vector.shape_cast %swap3A_164 : vector<1x16xf32> to vector<16xf32>
        %swap3A_166 = vector.shape_cast %add3A_161 : vector<16xf32> to vector<1x16xf32>
        tpu.vector_store %arg12[%swap3A_162, %swap3A_163], %swap3A_166 {strides = array<i32>} : memref<64x128xf32, #tpu.memory_space<vmem>>, vector<1x16xf32>,
        %get3A_167 = arith.index_cast %scan3A_84 : i32 to index
        %get3A_168 = arith.constant 96 : index
        %get3A_169 = tpu.vector_load %arg10[%get3A_167, %get3A_168] {strides = array<i32>} : memref<64x144xf32, #tpu.memory_space<vmem>>, vector<1x16xf32>,
        %get3A_170 = vector.shape_cast %get3A_169 : vector<1x16xf32> to vector<16xf32>
        %get3A_171 = arith.index_cast %scan3A_84 : i32 to index
        %get3A_172 = arith.constant 96 : index
        %get3A_173 = tpu.vector_load %arg11[%get3A_171, %get3A_172] {strides = array<i32>} : memref<64x144xf32, #tpu.memory_space<vmem>>, vector<1x16xf32>,
        %get3A_174 = vector.shape_cast %get3A_173 : vector<1x16xf32> to vector<16xf32>
        %add3A_175 = arith.addf %get3A_170, %get3A_174 : vector<16xf32>
        %swap3A_176 = arith.index_cast %scan3A_84 : i32 to index
        %swap3A_177 = arith.constant 96 : index
        %swap3A_178 = tpu.vector_load %arg12[%swap3A_176, %swap3A_177] {strides = array<i32>} : memref<64x128xf32, #tpu.memory_space<vmem>>, vector<1x16xf32>,
        %swap3A_179 = vector.shape_cast %swap3A_178 : vector<1x16xf32> to vector<16xf32>
        %swap3A_180 = vector.shape_cast %add3A_175 : vector<16xf32> to vector<1x16xf32>
        tpu.vector_store %arg12[%swap3A_176, %swap3A_177], %swap3A_180 {strides = array<i32>} : memref<64x128xf32, #tpu.memory_space<vmem>>, vector<1x16xf32>,
        %get3A_181 = arith.index_cast %scan3A_84 : i32 to index
        %get3A_182 = arith.constant 112 : index
        %get3A_183 = tpu.vector_load %arg10[%get3A_181, %get3A_182] {strides = array<i32>} : memref<64x144xf32, #tpu.memory_space<vmem>>, vector<1x16xf32>,
        %get3A_184 = vector.shape_cast %get3A_183 : vector<1x16xf32> to vector<16xf32>
        %get3A_185 = arith.index_cast %scan3A_84 : i32 to index
        %get3A_186 = arith.constant 112 : index
        %get3A_187 = tpu.vector_load %arg11[%get3A_185, %get3A_186] {strides = array<i32>} : memref<64x144xf32, #tpu.memory_space<vmem>>, vector<1x16xf32>,
        %get3A_188 = vector.shape_cast %get3A_187 : vector<1x16xf32> to vector<16xf32>
        %add3A_189 = arith.addf %get3A_184, %get3A_188 : vector<16xf32>
        %swap3A_190 = arith.index_cast %scan3A_84 : i32 to index
        %swap3A_191 = arith.constant 112 : index
        %swap3A_192 = tpu.vector_load %arg12[%swap3A_190, %swap3A_191] {strides = array<i32>} : memref<64x128xf32, #tpu.memory_space<vmem>>, vector<1x16xf32>,
        %swap3A_193 = vector.shape_cast %swap3A_192 : vector<1x16xf32> to vector<16xf32>
        %swap3A_194 = vector.shape_cast %add3A_189 : vector<16xf32> to vector<1x16xf32>
        tpu.vector_store %arg12[%swap3A_190, %swap3A_191], %swap3A_194 {strides = array<i32>} : memref<64x128xf32, #tpu.memory_space<vmem>>, vector<1x16xf32>,
        %get3A_195 = arith.index_cast %scan3A_84 : i32 to index
        %get3A_196 = arith.constant 128 : index
        %get3A_197 = tpu.vector_load %arg10[%get3A_195, %get3A_196] {strides = array<i32>} : memref<64x144xf32, #tpu.memory_space<vmem>>, vector<1x16xf32>,
        %get3A_198 = vector.shape_cast %get3A_197 : vector<1x16xf32> to vector<16xf32>
        %get3A_199 = arith.index_cast %scan3A_84 : i32 to index
        %get3A_200 = arith.constant 128 : index
        %get3A_201 = tpu.vector_load %arg11[%get3A_199, %get3A_200] {strides = array<i32>} : memref<64x144xf32, #tpu.memory_space<vmem>>, vector<1x16xf32>,
        %get3A_202 = vector.shape_cast %get3A_201 : vector<1x16xf32> to vector<16xf32>
        %add3A_203 = arith.addf %get3A_198, %get3A_202 : vector<16xf32>
        %swap3A_204 = arith.index_cast %scan3A_84 : i32 to index
        %swap3A_205 = arith.constant 0 : index
        %swap3A_206 = tpu.vector_load %arg13[%swap3A_204, %swap3A_205] {strides = array<i32>} : memref<64x16xf32, #tpu.memory_space<vmem>>, vector<1x16xf32>,
        %swap3A_207 = vector.shape_cast %swap3A_206 : vector<1x16xf32> to vector<16xf32>
        %swap3A_208 = vector.shape_cast %add3A_203 : vector<16xf32> to vector<1x16xf32>
        tpu.vector_store %arg13[%swap3A_204, %swap3A_205], %swap3A_208 {strides = array<i32>} : memref<64x16xf32, #tpu.memory_space<vmem>>, vector<1x16xf32>,
      }
      %scan3A_55 = arith.constant 64 : i32
      %dma_start3A_56 = arith.constant 0 : i32
      %dma_start3A_57 = tpu.memref_slice %arg6[%add3A_28, %dma_start3A_56] : memref<163840x128xf32, #tpu.memory_space<hbm>> -> memref<64x128xf32, #tpu.memory_space<hbm>>
      %dma_start3A_58 = arith.constant 0 : i32
      %dma_start3A_59 = tpu.memref_slice %arg6[%add3A_28, %dma_start3A_58] : memref<163840x128xf32, #tpu.memory_space<hbm>> -> memref<64x128xf32, #tpu.memory_space<hbm>>
      tpu.enqueue_dma source(%arg12 : memref<64x128xf32, #tpu.memory_space<vmem>>) target(%dma_start3A_59 : memref<64x128xf32, #tpu.memory_space<hbm>>) target_semaphore(%arg22 : memref<!tpu.dma_semaphore, #tpu.memory_space<semaphore_mem>>)
      %dma_start3A_60 = arith.constant 0 : i32
      %dma_start3A_61 = tpu.memref_slice %arg7[%add3A_28, %dma_start3A_60] : memref<163840x16xf32, #tpu.memory_space<hbm>> -> memref<64x16xf32, #tpu.memory_space<hbm>>
      %dma_start3A_62 = arith.constant 0 : i32
      %dma_start3A_63 = tpu.memref_slice %arg7[%add3A_28, %dma_start3A_62] : memref<163840x16xf32, #tpu.memory_space<hbm>> -> memref<64x16xf32, #tpu.memory_space<hbm>>
      tpu.enqueue_dma source(%arg13 : memref<64x16xf32, #tpu.memory_space<vmem>>) target(%dma_start3A_63 : memref<64x16xf32, #tpu.memory_space<hbm>>) target_semaphore(%arg22 : memref<!tpu.dma_semaphore, #tpu.memory_space<semaphore_mem>>)
      %dma_wait3A_64 = arith.constant 0 : i32
      %dma_wait3A_65 = arith.constant 0 : i32
      %dma_wait3A_66 = tpu.memref_slice %arg2[%dma_wait3A_64, %dma_wait3A_65] : memref<10000x144xf32, #tpu.memory_space<hbm>> -> memref<10000x144xf32, #tpu.memory_space<hbm>>
      tpu.wait_indirect_dma semaphore(%arg21 : memref<!tpu.dma_semaphore, #tpu.memory_space<semaphore_mem>>) src(%dma_wait3A_66 : memref<10000x144xf32, #tpu.memory_space<hbm>>) dst(%arg16 : memref<64x144xf32, #tpu.memory_space<vmem>>)
      %dma_wait3A_67 = arith.constant 0 : i32
      %dma_wait3A_68 = arith.constant 0 : i32
      %dma_wait3A_69 = tpu.memref_slice %arg3[%dma_wait3A_67, %dma_wait3A_68] : memref<10000x144xf32, #tpu.memory_space<hbm>> -> memref<10000x144xf32, #tpu.memory_space<hbm>>
      tpu.wait_indirect_dma semaphore(%arg21 : memref<!tpu.dma_semaphore, #tpu.memory_space<semaphore_mem>>) src(%dma_wait3A_69 : memref<10000x144xf32, #tpu.memory_space<hbm>>) dst(%arg17 : memref<64x144xf32, #tpu.memory_space<vmem>>)
      %scan3A_70 = arith.constant 0 : i32
      %scan3A_71 = arith.constant 0 : i32
      %scan3A_72 = arith.constant 64 : i32
      %scan3A_73 = arith.addi %scan3A_71, %scan3A_72 : i32
      %scan3A_74 = arith.constant 1 : i32
      scf.for %scan3A_84 = %scan3A_71 to %scan3A_73 step %scan3A_74  : i32 {
        %get3A = arith.index_cast %scan3A_84 : i32 to index
        %get3A_85 = arith.constant 0 : index
        %get3A_86 = tpu.vector_load %arg16[%get3A, %get3A_85] {strides = array<i32>} : memref<64x144xf32, #tpu.memory_space<vmem>>, vector<1x16xf32>,
        %get3A_87 = vector.shape_cast %get3A_86 : vector<1x16xf32> to vector<16xf32>
        %get3A_88 = arith.index_cast %scan3A_84 : i32 to index
        %get3A_89 = arith.constant 0 : index
        %get3A_90 = tpu.vector_load %arg17[%get3A_88, %get3A_89] {strides = array<i32>} : memref<64x144xf32, #tpu.memory_space<vmem>>, vector<1x16xf32>,
        %get3A_91 = vector.shape_cast %get3A_90 : vector<1x16xf32> to vector<16xf32>
        %add3A_92 = arith.addf %get3A_87, %get3A_91 : vector<16xf32>
        %swap3A = arith.index_cast %scan3A_84 : i32 to index
        %swap3A_93 = arith.constant 0 : index
        %swap3A_94 = tpu.vector_load %arg18[%swap3A, %swap3A_93] {strides = array<i32>} : memref<64x128xf32, #tpu.memory_space<vmem>>, vector<1x16xf32>,
        %swap3A_95 = vector.shape_cast %swap3A_94 : vector<1x16xf32> to vector<16xf32>
        %swap3A_96 = vector.shape_cast %add3A_92 : vector<16xf32> to vector<1x16xf32>
        tpu.vector_store %arg18[%swap3A, %swap3A_93], %swap3A_96 {strides = array<i32>} : memref<64x128xf32, #tpu.memory_space<vmem>>, vector<1x16xf32>,
        %get3A_97 = arith.index_cast %scan3A_84 : i32 to index
        %get3A_98 = arith.constant 16 : index
        %get3A_99 = tpu.vector_load %arg16[%get3A_97, %get3A_98] {strides = array<i32>} : memref<64x144xf32, #tpu.memory_space<vmem>>, vector<1x16xf32>,
        %get3A_100 = vector.shape_cast %get3A_99 : vector<1x16xf32> to vector<16xf32>
        %get3A_101 = arith.index_cast %scan3A_84 : i32 to index
        %get3A_102 = arith.constant 16 : index
        %get3A_103 = tpu.vector_load %arg17[%get3A_101, %get3A_102] {strides = array<i32>} : memref<64x144xf32, #tpu.memory_space<vmem>>, vector<1x16xf32>,
        %get3A_104 = vector.shape_cast %get3A_103 : vector<1x16xf32> to vector<16xf32>
        %add3A_105 = arith.addf %get3A_100, %get3A_104 : vector<16xf32>
        %swap3A_106 = arith.index_cast %scan3A_84 : i32 to index
        %swap3A_107 = arith.constant 16 : index
        %swap3A_108 = tpu.vector_load %arg18[%swap3A_106, %swap3A_107] {strides = array<i32>} : memref<64x128xf32, #tpu.memory_space<vmem>>, vector<1x16xf32>,
        %swap3A_109 = vector.shape_cast %swap3A_108 : vector<1x16xf32> to vector<16xf32>
        %swap3A_110 = vector.shape_cast %add3A_105 : vector<16xf32> to vector<1x16xf32>
        tpu.vector_store %arg18[%swap3A_106, %swap3A_107], %swap3A_110 {strides = array<i32>} : memref<64x128xf32, #tpu.memory_space<vmem>>, vector<1x16xf32>,
        %get3A_111 = arith.index_cast %scan3A_84 : i32 to index
        %get3A_112 = arith.constant 32 : index
        %get3A_113 = tpu.vector_load %arg16[%get3A_111, %get3A_112] {strides = array<i32>} : memref<64x144xf32, #tpu.memory_space<vmem>>, vector<1x16xf32>,
        %get3A_114 = vector.shape_cast %get3A_113 : vector<1x16xf32> to vector<16xf32>
        %get3A_115 = arith.index_cast %scan3A_84 : i32 to index
        %get3A_116 = arith.constant 32 : index
        %get3A_117 = tpu.vector_load %arg17[%get3A_115, %get3A_116] {strides = array<i32>} : memref<64x144xf32, #tpu.memory_space<vmem>>, vector<1x16xf32>,
        %get3A_118 = vector.shape_cast %get3A_117 : vector<1x16xf32> to vector<16xf32>
        %add3A_119 = arith.addf %get3A_114, %get3A_118 : vector<16xf32>
        %swap3A_120 = arith.index_cast %scan3A_84 : i32 to index
        %swap3A_121 = arith.constant 32 : index
        %swap3A_122 = tpu.vector_load %arg18[%swap3A_120, %swap3A_121] {strides = array<i32>} : memref<64x128xf32, #tpu.memory_space<vmem>>, vector<1x16xf32>,
        %swap3A_123 = vector.shape_cast %swap3A_122 : vector<1x16xf32> to vector<16xf32>
        %swap3A_124 = vector.shape_cast %add3A_119 : vector<16xf32> to vector<1x16xf32>
        tpu.vector_store %arg18[%swap3A_120, %swap3A_121], %swap3A_124 {strides = array<i32>} : memref<64x128xf32, #tpu.memory_space<vmem>>, vector<1x16xf32>,
        %get3A_125 = arith.index_cast %scan3A_84 : i32 to index
        %get3A_126 = arith.constant 48 : index
        %get3A_127 = tpu.vector_load %arg16[%get3A_125, %get3A_126] {strides = array<i32>} : memref<64x144xf32, #tpu.memory_space<vmem>>, vector<1x16xf32>,
        %get3A_128 = vector.shape_cast %get3A_127 : vector<1x16xf32> to vector<16xf32>
        %get3A_129 = arith.index_cast %scan3A_84 : i32 to index
        %get3A_130 = arith.constant 48 : index
        %get3A_131 = tpu.vector_load %arg17[%get3A_129, %get3A_130] {strides = array<i32>} : memref<64x144xf32, #tpu.memory_space<vmem>>, vector<1x16xf32>,
        %get3A_132 = vector.shape_cast %get3A_131 : vector<1x16xf32> to vector<16xf32>
        %add3A_133 = arith.addf %get3A_128, %get3A_132 : vector<16xf32>
        %swap3A_134 = arith.index_cast %scan3A_84 : i32 to index
        %swap3A_135 = arith.constant 48 : index
        %swap3A_136 = tpu.vector_load %arg18[%swap3A_134, %swap3A_135] {strides = array<i32>} : memref<64x128xf32, #tpu.memory_space<vmem>>, vector<1x16xf32>,
        %swap3A_137 = vector.shape_cast %swap3A_136 : vector<1x16xf32> to vector<16xf32>
        %swap3A_138 = vector.shape_cast %add3A_133 : vector<16xf32> to vector<1x16xf32>
        tpu.vector_store %arg18[%swap3A_134, %swap3A_135], %swap3A_138 {strides = array<i32>} : memref<64x128xf32, #tpu.memory_space<vmem>>, vector<1x16xf32>,
        %get3A_139 = arith.index_cast %scan3A_84 : i32 to index
        %get3A_140 = arith.constant 64 : index
        %get3A_141 = tpu.vector_load %arg16[%get3A_139, %get3A_140] {strides = array<i32>} : memref<64x144xf32, #tpu.memory_space<vmem>>, vector<1x16xf32>,
        %get3A_142 = vector.shape_cast %get3A_141 : vector<1x16xf32> to vector<16xf32>
        %get3A_143 = arith.index_cast %scan3A_84 : i32 to index
        %get3A_144 = arith.constant 64 : index
        %get3A_145 = tpu.vector_load %arg17[%get3A_143, %get3A_144] {strides = array<i32>} : memref<64x144xf32, #tpu.memory_space<vmem>>, vector<1x16xf32>,
        %get3A_146 = vector.shape_cast %get3A_145 : vector<1x16xf32> to vector<16xf32>
        %add3A_147 = arith.addf %get3A_142, %get3A_146 : vector<16xf32>
        %swap3A_148 = arith.index_cast %scan3A_84 : i32 to index
        %swap3A_149 = arith.constant 64 : index
        %swap3A_150 = tpu.vector_load %arg18[%swap3A_148, %swap3A_149] {strides = array<i32>} : memref<64x128xf32, #tpu.memory_space<vmem>>, vector<1x16xf32>,
        %swap3A_151 = vector.shape_cast %swap3A_150 : vector<1x16xf32> to vector<16xf32>
        %swap3A_152 = vector.shape_cast %add3A_147 : vector<16xf32> to vector<1x16xf32>
        tpu.vector_store %arg18[%swap3A_148, %swap3A_149], %swap3A_152 {strides = array<i32>} : memref<64x128xf32, #tpu.memory_space<vmem>>, vector<1x16xf32>,
        %get3A_153 = arith.index_cast %scan3A_84 : i32 to index
        %get3A_154 = arith.constant 80 : index
        %get3A_155 = tpu.vector_load %arg16[%get3A_153, %get3A_154] {strides = array<i32>} : memref<64x144xf32, #tpu.memory_space<vmem>>, vector<1x16xf32>,
        %get3A_156 = vector.shape_cast %get3A_155 : vector<1x16xf32> to vector<16xf32>
        %get3A_157 = arith.index_cast %scan3A_84 : i32 to index
        %get3A_158 = arith.constant 80 : index
        %get3A_159 = tpu.vector_load %arg17[%get3A_157, %get3A_158] {strides = array<i32>} : memref<64x144xf32, #tpu.memory_space<vmem>>, vector<1x16xf32>,
        %get3A_160 = vector.shape_cast %get3A_159 : vector<1x16xf32> to vector<16xf32>
        %add3A_161 = arith.addf %get3A_156, %get3A_160 : vector<16xf32>
        %swap3A_162 = arith.index_cast %scan3A_84 : i32 to index
        %swap3A_163 = arith.constant 80 : index
        %swap3A_164 = tpu.vector_load %arg18[%swap3A_162, %swap3A_163] {strides = array<i32>} : memref<64x128xf32, #tpu.memory_space<vmem>>, vector<1x16xf32>,
        %swap3A_165 = vector.shape_cast %swap3A_164 : vector<1x16xf32> to vector<16xf32>
        %swap3A_166 = vector.shape_cast %add3A_161 : vector<16xf32> to vector<1x16xf32>
        tpu.vector_store %arg18[%swap3A_162, %swap3A_163], %swap3A_166 {strides = array<i32>} : memref<64x128xf32, #tpu.memory_space<vmem>>, vector<1x16xf32>,
        %get3A_167 = arith.index_cast %scan3A_84 : i32 to index
        %get3A_168 = arith.constant 96 : index
        %get3A_169 = tpu.vector_load %arg16[%get3A_167, %get3A_168] {strides = array<i32>} : memref<64x144xf32, #tpu.memory_space<vmem>>, vector<1x16xf32>,
        %get3A_170 = vector.shape_cast %get3A_169 : vector<1x16xf32> to vector<16xf32>
        %get3A_171 = arith.index_cast %scan3A_84 : i32 to index
        %get3A_172 = arith.constant 96 : index
        %get3A_173 = tpu.vector_load %arg17[%get3A_171, %get3A_172] {strides = array<i32>} : memref<64x144xf32, #tpu.memory_space<vmem>>, vector<1x16xf32>,
        %get3A_174 = vector.shape_cast %get3A_173 : vector<1x16xf32> to vector<16xf32>
        %add3A_175 = arith.addf %get3A_170, %get3A_174 : vector<16xf32>
        %swap3A_176 = arith.index_cast %scan3A_84 : i32 to index
        %swap3A_177 = arith.constant 96 : index
        %swap3A_178 = tpu.vector_load %arg18[%swap3A_176, %swap3A_177] {strides = array<i32>} : memref<64x128xf32, #tpu.memory_space<vmem>>, vector<1x16xf32>,
        %swap3A_179 = vector.shape_cast %swap3A_178 : vector<1x16xf32> to vector<16xf32>
        %swap3A_180 = vector.shape_cast %add3A_175 : vector<16xf32> to vector<1x16xf32>
        tpu.vector_store %arg18[%swap3A_176, %swap3A_177], %swap3A_180 {strides = array<i32>} : memref<64x128xf32, #tpu.memory_space<vmem>>, vector<1x16xf32>,
        %get3A_181 = arith.index_cast %scan3A_84 : i32 to index
        %get3A_182 = arith.constant 112 : index
        %get3A_183 = tpu.vector_load %arg16[%get3A_181, %get3A_182] {strides = array<i32>} : memref<64x144xf32, #tpu.memory_space<vmem>>, vector<1x16xf32>,
        %get3A_184 = vector.shape_cast %get3A_183 : vector<1x16xf32> to vector<16xf32>
        %get3A_185 = arith.index_cast %scan3A_84 : i32 to index
        %get3A_186 = arith.constant 112 : index
        %get3A_187 = tpu.vector_load %arg17[%get3A_185, %get3A_186] {strides = array<i32>} : memref<64x144xf32, #tpu.memory_space<vmem>>, vector<1x16xf32>,
        %get3A_188 = vector.shape_cast %get3A_187 : vector<1x16xf32> to vector<16xf32>
        %add3A_189 = arith.addf %get3A_184, %get3A_188 : vector<16xf32>
        %swap3A_190 = arith.index_cast %scan3A_84 : i32 to index
        %swap3A_191 = arith.constant 112 : index
        %swap3A_192 = tpu.vector_load %arg18[%swap3A_190, %swap3A_191] {strides = array<i32>} : memref<64x128xf32, #tpu.memory_space<vmem>>, vector<1x16xf32>,
        %swap3A_193 = vector.shape_cast %swap3A_192 : vector<1x16xf32> to vector<16xf32>
        %swap3A_194 = vector.shape_cast %add3A_189 : vector<16xf32> to vector<1x16xf32>
        tpu.vector_store %arg18[%swap3A_190, %swap3A_191], %swap3A_194 {strides = array<i32>} : memref<64x128xf32, #tpu.memory_space<vmem>>, vector<1x16xf32>,
        %get3A_195 = arith.index_cast %scan3A_84 : i32 to index
        %get3A_196 = arith.constant 128 : index
        %get3A_197 = tpu.vector_load %arg16[%get3A_195, %get3A_196] {strides = array<i32>} : memref<64x144xf32, #tpu.memory_space<vmem>>, vector<1x16xf32>,
        %get3A_198 = vector.shape_cast %get3A_197 : vector<1x16xf32> to vector<16xf32>
        %get3A_199 = arith.index_cast %scan3A_84 : i32 to index
        %get3A_200 = arith.constant 128 : index
        %get3A_201 = tpu.vector_load %arg17[%get3A_199, %get3A_200] {strides = array<i32>} : memref<64x144xf32, #tpu.memory_space<vmem>>, vector<1x16xf32>,
        %get3A_202 = vector.shape_cast %get3A_201 : vector<1x16xf32> to vector<16xf32>
        %add3A_203 = arith.addf %get3A_198, %get3A_202 : vector<16xf32>
        %swap3A_204 = arith.index_cast %scan3A_84 : i32 to index
        %swap3A_205 = arith.constant 0 : index
        %swap3A_206 = tpu.vector_load %arg19[%swap3A_204, %swap3A_205] {strides = array<i32>} : memref<64x16xf32, #tpu.memory_space<vmem>>, vector<1x16xf32>,
        %swap3A_207 = vector.shape_cast %swap3A_206 : vector<1x16xf32> to vector<16xf32>
        %swap3A_208 = vector.shape_cast %add3A_203 : vector<16xf32> to vector<1x16xf32>
        tpu.vector_store %arg19[%swap3A_204, %swap3A_205], %swap3A_208 {strides = array<i32>} : memref<64x16xf32, #tpu.memory_space<vmem>>, vector<1x16xf32>,
      }
      %scan3A_75 = arith.constant 64 : i32
      %dma_start3A_76 = arith.constant 0 : i32
      %dma_start3A_77 = tpu.memref_slice %arg6[%add3A_30, %dma_start3A_76] : memref<163840x128xf32, #tpu.memory_space<hbm>> -> memref<64x128xf32, #tpu.memory_space<hbm>>
      %dma_start3A_78 = arith.constant 0 : i32
      %dma_start3A_79 = tpu.memref_slice %arg6[%add3A_30, %dma_start3A_78] : memref<163840x128xf32, #tpu.memory_space<hbm>> -> memref<64x128xf32, #tpu.memory_space<hbm>>
      tpu.enqueue_dma source(%arg18 : memref<64x128xf32, #tpu.memory_space<vmem>>) target(%dma_start3A_79 : memref<64x128xf32, #tpu.memory_space<hbm>>) target_semaphore(%arg23 : memref<!tpu.dma_semaphore, #tpu.memory_space<semaphore_mem>>)
      %dma_start3A_80 = arith.constant 0 : i32
      %dma_start3A_81 = tpu.memref_slice %arg7[%add3A_30, %dma_start3A_80] : memref<163840x16xf32, #tpu.memory_space<hbm>> -> memref<64x16xf32, #tpu.memory_space<hbm>>
      %dma_start3A_82 = arith.constant 0 : i32
      %dma_start3A_83 = tpu.memref_slice %arg7[%add3A_30, %dma_start3A_82] : memref<163840x16xf32, #tpu.memory_space<hbm>> -> memref<64x16xf32, #tpu.memory_space<hbm>>
      tpu.enqueue_dma source(%arg19 : memref<64x16xf32, #tpu.memory_space<vmem>>) target(%dma_start3A_83 : memref<64x16xf32, #tpu.memory_space<hbm>>) target_semaphore(%arg23 : memref<!tpu.dma_semaphore, #tpu.memory_space<semaphore_mem>>)
    }
    %scan3A_7 = arith.constant 40 : i32
    %dma_wait3A = arith.constant 0 : i32
    %dma_wait3A_8 = tpu.memref_slice %arg6[%mul3A_2, %dma_wait3A] : memref<163840x128xf32, #tpu.memory_space<hbm>> -> memref<64x128xf32, #tpu.memory_space<hbm>>
    %dma_wait3A_9 = arith.constant 0 : i32
    %dma_wait3A_10 = tpu.memref_slice %arg6[%mul3A_2, %dma_wait3A_9] : memref<163840x128xf32, #tpu.memory_space<hbm>> -> memref<64x128xf32, #tpu.memory_space<hbm>>
    tpu.wait_dma2 semaphore(%arg22 : memref<!tpu.dma_semaphore, #tpu.memory_space<semaphore_mem>>) src(%arg12 : memref<64x128xf32, #tpu.memory_space<vmem>>) dst(%dma_wait3A_10 : memref<64x128xf32, #tpu.memory_space<hbm>>)
    %dma_wait3A_11 = arith.constant 0 : i32
    %dma_wait3A_12 = tpu.memref_slice %arg7[%mul3A_2, %dma_wait3A_11] : memref<163840x16xf32, #tpu.memory_space<hbm>> -> memref<64x16xf32, #tpu.memory_space<hbm>>
    %dma_wait3A_13 = arith.constant 0 : i32
    %dma_wait3A_14 = tpu.memref_slice %arg7[%mul3A_2, %dma_wait3A_13] : memref<163840x16xf32, #tpu.memory_space<hbm>> -> memref<64x16xf32, #tpu.memory_space<hbm>>
    tpu.wait_dma2 semaphore(%arg22 : memref<!tpu.dma_semaphore, #tpu.memory_space<semaphore_mem>>) src(%arg13 : memref<64x16xf32, #tpu.memory_space<vmem>>) dst(%dma_wait3A_14 : memref<64x16xf32, #tpu.memory_space<hbm>>)
    %dma_wait3A_15 = arith.constant 0 : i32
    %dma_wait3A_16 = tpu.memref_slice %arg6[%mul3A_2, %dma_wait3A_15] : memref<163840x128xf32, #tpu.memory_space<hbm>> -> memref<64x128xf32, #tpu.memory_space<hbm>>
    %dma_wait3A_17 = arith.constant 0 : i32
    %dma_wait3A_18 = tpu.memref_slice %arg6[%mul3A_2, %dma_wait3A_17] : memref<163840x128xf32, #tpu.memory_space<hbm>> -> memref<64x128xf32, #tpu.memory_space<hbm>>
    tpu.wait_dma2 semaphore(%arg23 : memref<!tpu.dma_semaphore, #tpu.memory_space<semaphore_mem>>) src(%arg18 : memref<64x128xf32, #tpu.memory_space<vmem>>) dst(%dma_wait3A_18 : memref<64x128xf32, #tpu.memory_space<hbm>>)
    %dma_wait3A_19 = arith.constant 0 : i32
    %dma_wait3A_20 = tpu.memref_slice %arg7[%mul3A_2, %dma_wait3A_19] : memref<163840x16xf32, #tpu.memory_space<hbm>> -> memref<64x16xf32, #tpu.memory_space<hbm>>
    %dma_wait3A_21 = arith.constant 0 : i32
    %dma_wait3A_22 = tpu.memref_slice %arg7[%mul3A_2, %dma_wait3A_21] : memref<163840x16xf32, #tpu.memory_space<hbm>> -> memref<64x16xf32, #tpu.memory_space<hbm>>
    tpu.wait_dma2 semaphore(%arg23 : memref<!tpu.dma_semaphore, #tpu.memory_space<semaphore_mem>>) src(%arg19 : memref<64x16xf32, #tpu.memory_space<vmem>>) dst(%dma_wait3A_22 : memref<64x16xf32, #tpu.memory_space<hbm>>)
    return
  }
}

module attributes {stable_mosaic.version = 14 : i64} {
  func.func @_tables_body(%arg0: i32, %arg1: memref<1000x128xf32, #tpu.memory_space<vmem>>, %arg2: memref<128x128xf32, #tpu.memory_space<vmem>>, %arg3: memref<128x128xf32, #tpu.memory_space<vmem>>, %arg4: memref<1x128xf32, #tpu.memory_space<vmem>>, %arg5: memref<1000x128xf32, #tpu.memory_space<vmem>>, %arg6: memref<1000x128xf32, #tpu.memory_space<vmem>>) attributes {dimension_semantics = [#tpu.dimension_semantics<arbitrary>], iteration_bounds = array<i64: 10>, scalar_prefetch = 0 : i64, scratch_operands = 0 : i64, tpu.core_type = #tpu.core_type<tc>, window_params = [{transform_indices = @transform_0, window_bounds = array<i64: 1000, 128>}, {pipeline_mode = #tpu.pipeline_mode<synchronous>, transform_indices = @transform_1, window_bounds = array<i64: 128, 128>}, {pipeline_mode = #tpu.pipeline_mode<synchronous>, transform_indices = @transform_2, window_bounds = array<i64: 128, 128>}, {pipeline_mode = #tpu.pipeline_mode<synchronous>, transform_indices = @transform_3, window_bounds = array<i64: 1, 128>}, {transform_indices = @transform_4, window_bounds = array<i64: 1000, 128>}, {transform_indices = @transform_5, window_bounds = array<i64: 1000, 128>}]} {
    %get3A = arith.constant 0 : index
    %get3A_0 = arith.constant 0 : index
    %get3A_1 = vector.load %arg1[%get3A, %get3A_0] : memref<1000x128xf32, #tpu.memory_space<vmem>>, vector<1000x128xf32>
    %get3A_2 = arith.constant 0 : index
    %get3A_3 = arith.constant 0 : index
    %get3A_4 = vector.load %arg2[%get3A_2, %get3A_3] : memref<128x128xf32, #tpu.memory_space<vmem>>, vector<128x128xf32>
    %dot_general3A = arith.constant dense<0.000000e+00> : vector<1000x128xf32>
    %dot_general3A_5 = tpu.matmul %get3A_1, %get3A_4, %dot_general3A {dimension_numbers = #tpu.dot_dimension_numbers<[1], [0], [0], [1], [0, 0, 1, 1], [], []>, transpose_lhs_hint = false} : vector<1000x128xf32>, vector<128x128xf32>, vector<1000x128xf32> -> vector<1000x128xf32>
    %swap3A = arith.constant 0 : index
    %swap3A_6 = arith.constant 0 : index
    %swap3A_7 = vector.load %arg5[%swap3A, %swap3A_6] : memref<1000x128xf32, #tpu.memory_space<vmem>>, vector<1000x128xf32>
    tpu.vector_store %arg5[%swap3A, %swap3A_6], %dot_general3A_5 {strides = array<i32>} : memref<1000x128xf32, #tpu.memory_space<vmem>>, vector<1000x128xf32>,
    %get3A_8 = arith.constant 0 : index
    %get3A_9 = arith.constant 0 : index
    %get3A_10 = vector.load %arg3[%get3A_8, %get3A_9] : memref<128x128xf32, #tpu.memory_space<vmem>>, vector<128x128xf32>
    %dot_general3A_11 = arith.constant dense<0.000000e+00> : vector<1000x128xf32>
    %dot_general3A_12 = tpu.matmul %get3A_1, %get3A_10, %dot_general3A_11 {dimension_numbers = #tpu.dot_dimension_numbers<[1], [0], [0], [1], [0, 0, 1, 1], [], []>, transpose_lhs_hint = false} : vector<1000x128xf32>, vector<128x128xf32>, vector<1000x128xf32> -> vector<1000x128xf32>
    %get3A_13 = arith.constant 0 : index
    %get3A_14 = arith.constant 0 : index
    %get3A_15 = vector.load %arg4[%get3A_13, %get3A_14] : memref<1x128xf32, #tpu.memory_space<vmem>>, vector<1x128xf32>
    %add3A = vector.broadcast %get3A_15 : vector<1x128xf32> to vector<1000x128xf32>
    %add3A_16 = arith.addf %dot_general3A_12, %add3A : vector<1000x128xf32>
    %swap3A_17 = arith.constant 0 : index
    %swap3A_18 = arith.constant 0 : index
    %swap3A_19 = vector.load %arg6[%swap3A_17, %swap3A_18] : memref<1000x128xf32, #tpu.memory_space<vmem>>, vector<1000x128xf32>
    tpu.vector_store %arg6[%swap3A_17, %swap3A_18], %add3A_16 {strides = array<i32>} : memref<1000x128xf32, #tpu.memory_space<vmem>>, vector<1000x128xf32>,
    return
  }
  func.func @transform_0(%arg0: i32) -> (i32, i32) {
    %c0_i32 = arith.constant 0 : i32
    %c0_i32_0 = arith.constant 0 : i32
    return %arg0, %c0_i32 : i32, i32
  }
  func.func @transform_1(%arg0: i32) -> (i32, i32) {
    %c0_i32 = arith.constant 0 : i32
    %c0_i32_0 = arith.constant 0 : i32
    %c0_i32_1 = arith.constant 0 : i32
    return %c0_i32, %c0_i32_0 : i32, i32
  }
  func.func @transform_2(%arg0: i32) -> (i32, i32) {
    %c0_i32 = arith.constant 0 : i32
    %c0_i32_0 = arith.constant 0 : i32
    %c0_i32_1 = arith.constant 0 : i32
    return %c0_i32, %c0_i32_0 : i32, i32
  }
  func.func @transform_3(%arg0: i32) -> (i32, i32) {
    %c0_i32 = arith.constant 0 : i32
    %c0_i32_0 = arith.constant 0 : i32
    %c0_i32_1 = arith.constant 0 : i32
    return %c0_i32, %c0_i32_0 : i32, i32
  }
  func.func @transform_4(%arg0: i32) -> (i32, i32) {
    %c0_i32 = arith.constant 0 : i32
    %c0_i32_0 = arith.constant 0 : i32
    return %arg0, %c0_i32 : i32, i32
  }
  func.func @transform_5(%arg0: i32) -> (i32, i32) {
    %c0_i32 = arith.constant 0 : i32
    %c0_i32_0 = arith.constant 0 : i32
    return %arg0, %c0_i32 : i32, i32
  }
}

module attributes {stable_mosaic.version = 14 : i64} {
  func.func @_edge_body(%arg0: i32, %arg1: memref<2048x128xf32, #tpu.memory_space<vmem>>, %arg2: memref<256x128xf32, #tpu.memory_space<vmem>>, %arg3: memref<1x128xf32, #tpu.memory_space<vmem>>, %arg4: memref<128x128xf32, #tpu.memory_space<vmem>>, %arg5: memref<1x128xf32, #tpu.memory_space<vmem>>, %arg6: memref<2048x128xf32, #tpu.memory_space<vmem>>) attributes {dimension_semantics = [#tpu.dimension_semantics<arbitrary>], iteration_bounds = array<i64: 80>, scalar_prefetch = 0 : i64, scratch_operands = 0 : i64, tpu.core_type = #tpu.core_type<tc>, window_params = [{transform_indices = @transform_0, window_bounds = array<i64: 2048, 128>}, {transform_indices = @transform_1, window_bounds = array<i64: 256, 128>}, {pipeline_mode = #tpu.pipeline_mode<synchronous>, transform_indices = @transform_2, window_bounds = array<i64: 1, 128>}, {pipeline_mode = #tpu.pipeline_mode<synchronous>, transform_indices = @transform_3, window_bounds = array<i64: 128, 128>}, {pipeline_mode = #tpu.pipeline_mode<synchronous>, transform_indices = @transform_4, window_bounds = array<i64: 1, 128>}, {transform_indices = @transform_5, window_bounds = array<i64: 2048, 128>}]} {
    %get3A = arith.constant 0 : index
    %get3A_0 = arith.constant 0 : index
    %get3A_1 = vector.load %arg1[%get3A, %get3A_0] : memref<2048x128xf32, #tpu.memory_space<vmem>>, vector<2048x128xf32>
    %get3A_2 = arith.constant 0 : index
    %get3A_3 = arith.constant 0 : index
    %get3A_4 = vector.load %arg2[%get3A_2, %get3A_3] : memref<256x128xf32, #tpu.memory_space<vmem>>, vector<256x128xf32>
    %reshape3A = vector.shape_cast %get3A_4 : vector<256x128xf32> to vector<256x8x16xf32>
    %mul3A = arith.mulf %reshape3A, %reshape3A : vector<256x8x16xf32>
    %reduce_sum3A = arith.constant dense<0.000000e+00> : vector<256x8xf32>
    %reduce_sum3A_5 = vector.multi_reduction <add>, %mul3A, %reduce_sum3A [2] : vector<256x8x16xf32> to vector<256x8xf32>
    %add3A = arith.constant 9.99999996E-13 : f32
    %add3A_6 = vector.broadcast %add3A : f32 to vector<256x8xf32>
    %add3A_7 = arith.addf %reduce_sum3A_5, %add3A_6 : vector<256x8xf32>
    %sqrt3A = math.sqrt %add3A_7 : vector<256x8xf32>
    %reshape3A_8 = vector.shape_cast %sqrt3A : vector<256x8xf32> to vector<2048x1xf32>
    %get3A_9 = arith.constant 0 : index
    %get3A_10 = arith.constant 0 : index
    %get3A_11 = vector.load %arg3[%get3A_9, %get3A_10] : memref<1x128xf32, #tpu.memory_space<vmem>>, vector<1x128xf32>
    %mul3A_12 = vector.broadcast %reshape3A_8 : vector<2048x1xf32> to vector<2048x128xf32>
    %mul3A_13 = vector.broadcast %get3A_11 : vector<1x128xf32> to vector<2048x128xf32>
    %mul3A_14 = arith.mulf %mul3A_12, %mul3A_13 : vector<2048x128xf32>
    %add3A_15 = arith.addf %get3A_1, %mul3A_14 : vector<2048x128xf32>
    %logistic3A = arith.negf %add3A_15 : vector<2048x128xf32>
    %logistic3A_16 = math.exp %logistic3A : vector<2048x128xf32>
    %logistic3A_17 = arith.constant 1.000000e+00 : f32
    %logistic3A_18 = vector.broadcast %logistic3A_17 : f32 to vector<2048x128xf32>
    %logistic3A_19 = arith.addf %logistic3A_18, %logistic3A_16 : vector<2048x128xf32>
    %logistic3A_20 = arith.divf %logistic3A_18, %logistic3A_19 : vector<2048x128xf32>
    %mul3A_21 = arith.mulf %add3A_15, %logistic3A_20 : vector<2048x128xf32>
    %get3A_22 = arith.constant 0 : index
    %get3A_23 = arith.constant 0 : index
    %get3A_24 = vector.load %arg4[%get3A_22, %get3A_23] : memref<128x128xf32, #tpu.memory_space<vmem>>, vector<128x128xf32>
    %dot_general3A = arith.constant dense<0.000000e+00> : vector<2048x128xf32>
    %dot_general3A_25 = tpu.matmul %mul3A_21, %get3A_24, %dot_general3A {dimension_numbers = #tpu.dot_dimension_numbers<[1], [0], [0], [1], [0, 0, 1, 1], [], []>, transpose_lhs_hint = false} : vector<2048x128xf32>, vector<128x128xf32>, vector<2048x128xf32> -> vector<2048x128xf32>
    %get3A_26 = arith.constant 0 : index
    %get3A_27 = arith.constant 0 : index
    %get3A_28 = vector.load %arg5[%get3A_26, %get3A_27] : memref<1x128xf32, #tpu.memory_space<vmem>>, vector<1x128xf32>
    %add3A_29 = vector.broadcast %get3A_28 : vector<1x128xf32> to vector<2048x128xf32>
    %add3A_30 = arith.addf %dot_general3A_25, %add3A_29 : vector<2048x128xf32>
    %logistic3A_31 = arith.negf %add3A_30 : vector<2048x128xf32>
    %logistic3A_32 = math.exp %logistic3A_31 : vector<2048x128xf32>
    %logistic3A_33 = arith.constant 1.000000e+00 : f32
    %logistic3A_34 = vector.broadcast %logistic3A_33 : f32 to vector<2048x128xf32>
    %logistic3A_35 = arith.addf %logistic3A_34, %logistic3A_32 : vector<2048x128xf32>
    %logistic3A_36 = arith.divf %logistic3A_34, %logistic3A_35 : vector<2048x128xf32>
    %mul3A_37 = arith.mulf %add3A_30, %logistic3A_36 : vector<2048x128xf32>
    %swap3A = arith.constant 0 : index
    %swap3A_38 = arith.constant 0 : index
    %swap3A_39 = vector.load %arg6[%swap3A, %swap3A_38] : memref<2048x128xf32, #tpu.memory_space<vmem>>, vector<2048x128xf32>
    tpu.vector_store %arg6[%swap3A, %swap3A_38], %mul3A_37 {strides = array<i32>} : memref<2048x128xf32, #tpu.memory_space<vmem>>, vector<2048x128xf32>,
    return
  }
  func.func @transform_0(%arg0: i32) -> (i32, i32) {
    %c0_i32 = arith.constant 0 : i32
    %c0_i32_0 = arith.constant 0 : i32
    return %arg0, %c0_i32 : i32, i32
  }
  func.func @transform_1(%arg0: i32) -> (i32, i32) {
    %c0_i32 = arith.constant 0 : i32
    %c0_i32_0 = arith.constant 0 : i32
    return %arg0, %c0_i32 : i32, i32
  }
  func.func @transform_2(%arg0: i32) -> (i32, i32) {
    %c0_i32 = arith.constant 0 : i32
    %c0_i32_0 = arith.constant 0 : i32
    %c0_i32_1 = arith.constant 0 : i32
    return %c0_i32, %c0_i32_0 : i32, i32
  }
  func.func @transform_3(%arg0: i32) -> (i32, i32) {
    %c0_i32 = arith.constant 0 : i32
    %c0_i32_0 = arith.constant 0 : i32
    %c0_i32_1 = arith.constant 0 : i32
    return %c0_i32, %c0_i32_0 : i32, i32
  }
  func.func @transform_4(%arg0: i32) -> (i32, i32) {
    %c0_i32 = arith.constant 0 : i32
    %c0_i32_0 = arith.constant 0 : i32
    %c0_i32_1 = arith.constant 0 : i32
    return %c0_i32, %c0_i32_0 : i32, i32
  }
  func.func @transform_5(%arg0: i32) -> (i32, i32) {
    %c0_i32 = arith.constant 0 : i32
    %c0_i32_0 = arith.constant 0 : i32
    return %arg0, %c0_i32 : i32, i32
  }
}

module attributes {stable_mosaic.version = 14 : i64} {
  func.func @_node_body(%arg0: i32, %arg1: memref<1000x128xf32, #tpu.memory_space<vmem>>, %arg2: memref<1000x128xf32, #tpu.memory_space<vmem>>, %arg3: memref<1000x128xf32, #tpu.memory_space<vmem>>, %arg4: memref<1000x128xf32, #tpu.memory_space<vmem>>, %arg5: memref<1000x128xf32, #tpu.memory_space<vmem>>, %arg6: memref<128x128xf32, #tpu.memory_space<vmem>>, %arg7: memref<128x128xf32, #tpu.memory_space<vmem>>, %arg8: memref<1x128xf32, #tpu.memory_space<vmem>>, %arg9: memref<128x128xf32, #tpu.memory_space<vmem>>, %arg10: memref<1x128xf32, #tpu.memory_space<vmem>>, %arg11: memref<1000x128xf32, #tpu.memory_space<vmem>>) attributes {dimension_semantics = [#tpu.dimension_semantics<arbitrary>], iteration_bounds = array<i64: 10>, scalar_prefetch = 0 : i64, scratch_operands = 0 : i64, tpu.core_type = #tpu.core_type<tc>, window_params = [{transform_indices = @transform_0, window_bounds = array<i64: 1000, 128>}, {transform_indices = @transform_1, window_bounds = array<i64: 1000, 128>}, {transform_indices = @transform_2, window_bounds = array<i64: 1000, 128>}, {transform_indices = @transform_3, window_bounds = array<i64: 1000, 128>}, {transform_indices = @transform_4, window_bounds = array<i64: 1000, 128>}, {pipeline_mode = #tpu.pipeline_mode<synchronous>, transform_indices = @transform_5, window_bounds = array<i64: 128, 128>}, {pipeline_mode = #tpu.pipeline_mode<synchronous>, transform_indices = @transform_6, window_bounds = array<i64: 128, 128>}, {pipeline_mode = #tpu.pipeline_mode<synchronous>, transform_indices = @transform_7, window_bounds = array<i64: 1, 128>}, {pipeline_mode = #tpu.pipeline_mode<synchronous>, transform_indices = @transform_8, window_bounds = array<i64: 128, 128>}, {pipeline_mode = #tpu.pipeline_mode<synchronous>, transform_indices = @transform_9, window_bounds = array<i64: 1, 128>}, {transform_indices = @transform_10, window_bounds = array<i64: 1000, 128>}]} {
    %get3A = arith.constant 0 : index
    %get3A_0 = arith.constant 0 : index
    %get3A_1 = vector.load %arg1[%get3A, %get3A_0] : memref<1000x128xf32, #tpu.memory_space<vmem>>, vector<1000x128xf32>
    %get3A_2 = arith.constant 0 : index
    %get3A_3 = arith.constant 0 : index
    %get3A_4 = vector.load %arg2[%get3A_2, %get3A_3] : memref<1000x128xf32, #tpu.memory_space<vmem>>, vector<1000x128xf32>
    %get3A_5 = arith.constant 0 : index
    %get3A_6 = arith.constant 0 : index
    %get3A_7 = vector.load %arg3[%get3A_5, %get3A_6] : memref<1000x128xf32, #tpu.memory_space<vmem>>, vector<1000x128xf32>
    %add3A = arith.addf %get3A_4, %get3A_7 : vector<1000x128xf32>
    %get3A_8 = arith.constant 0 : index
    %get3A_9 = arith.constant 0 : index
    %get3A_10 = vector.load %arg4[%get3A_8, %get3A_9] : memref<1000x128xf32, #tpu.memory_space<vmem>>, vector<1000x128xf32>
    %get3A_11 = arith.constant 0 : index
    %get3A_12 = arith.constant 0 : index
    %get3A_13 = vector.load %arg5[%get3A_11, %get3A_12] : memref<1000x128xf32, #tpu.memory_space<vmem>>, vector<1000x128xf32>
    %add3A_14 = arith.addf %get3A_10, %get3A_13 : vector<1000x128xf32>
    %add3A_15 = arith.addf %add3A, %add3A_14 : vector<1000x128xf32>
    %get3A_16 = arith.constant 0 : index
    %get3A_17 = arith.constant 0 : index
    %get3A_18 = vector.load %arg6[%get3A_16, %get3A_17] : memref<128x128xf32, #tpu.memory_space<vmem>>, vector<128x128xf32>
    %dot_general3A = arith.constant dense<0.000000e+00> : vector<1000x128xf32>
    %dot_general3A_19 = tpu.matmul %get3A_1, %get3A_18, %dot_general3A {dimension_numbers = #tpu.dot_dimension_numbers<[1], [0], [0], [1], [0, 0, 1, 1], [], []>, transpose_lhs_hint = false} : vector<1000x128xf32>, vector<128x128xf32>, vector<1000x128xf32> -> vector<1000x128xf32>
    %get3A_20 = arith.constant 0 : index
    %get3A_21 = arith.constant 0 : index
    %get3A_22 = vector.load %arg7[%get3A_20, %get3A_21] : memref<128x128xf32, #tpu.memory_space<vmem>>, vector<128x128xf32>
    %dot_general3A_23 = arith.constant dense<0.000000e+00> : vector<1000x128xf32>
    %dot_general3A_24 = tpu.matmul %add3A_15, %get3A_22, %dot_general3A_23 {dimension_numbers = #tpu.dot_dimension_numbers<[1], [0], [0], [1], [0, 0, 1, 1], [], []>, transpose_lhs_hint = false} : vector<1000x128xf32>, vector<128x128xf32>, vector<1000x128xf32> -> vector<1000x128xf32>
    %add3A_25 = arith.addf %dot_general3A_19, %dot_general3A_24 : vector<1000x128xf32>
    %get3A_26 = arith.constant 0 : index
    %get3A_27 = arith.constant 0 : index
    %get3A_28 = vector.load %arg8[%get3A_26, %get3A_27] : memref<1x128xf32, #tpu.memory_space<vmem>>, vector<1x128xf32>
    %add3A_29 = vector.broadcast %get3A_28 : vector<1x128xf32> to vector<1000x128xf32>
    %add3A_30 = arith.addf %add3A_25, %add3A_29 : vector<1000x128xf32>
    %logistic3A = arith.negf %add3A_30 : vector<1000x128xf32>
    %logistic3A_31 = math.exp %logistic3A : vector<1000x128xf32>
    %logistic3A_32 = arith.constant 1.000000e+00 : f32
    %logistic3A_33 = vector.broadcast %logistic3A_32 : f32 to vector<1000x128xf32>
    %logistic3A_34 = arith.addf %logistic3A_33, %logistic3A_31 : vector<1000x128xf32>
    %logistic3A_35 = arith.divf %logistic3A_33, %logistic3A_34 : vector<1000x128xf32>
    %mul3A = arith.mulf %add3A_30, %logistic3A_35 : vector<1000x128xf32>
    %get3A_36 = arith.constant 0 : index
    %get3A_37 = arith.constant 0 : index
    %get3A_38 = vector.load %arg9[%get3A_36, %get3A_37] : memref<128x128xf32, #tpu.memory_space<vmem>>, vector<128x128xf32>
    %dot_general3A_39 = arith.constant dense<0.000000e+00> : vector<1000x128xf32>
    %dot_general3A_40 = tpu.matmul %mul3A, %get3A_38, %dot_general3A_39 {dimension_numbers = #tpu.dot_dimension_numbers<[1], [0], [0], [1], [0, 0, 1, 1], [], []>, transpose_lhs_hint = false} : vector<1000x128xf32>, vector<128x128xf32>, vector<1000x128xf32> -> vector<1000x128xf32>
    %get3A_41 = arith.constant 0 : index
    %get3A_42 = arith.constant 0 : index
    %get3A_43 = vector.load %arg10[%get3A_41, %get3A_42] : memref<1x128xf32, #tpu.memory_space<vmem>>, vector<1x128xf32>
    %add3A_44 = vector.broadcast %get3A_43 : vector<1x128xf32> to vector<1000x128xf32>
    %add3A_45 = arith.addf %dot_general3A_40, %add3A_44 : vector<1000x128xf32>
    %swap3A = arith.constant 0 : index
    %swap3A_46 = arith.constant 0 : index
    %swap3A_47 = vector.load %arg11[%swap3A, %swap3A_46] : memref<1000x128xf32, #tpu.memory_space<vmem>>, vector<1000x128xf32>
    tpu.vector_store %arg11[%swap3A, %swap3A_46], %add3A_45 {strides = array<i32>} : memref<1000x128xf32, #tpu.memory_space<vmem>>, vector<1000x128xf32>,
    return
  }
  func.func @transform_0(%arg0: i32) -> (i32, i32) {
    %c0_i32 = arith.constant 0 : i32
    %c0_i32_0 = arith.constant 0 : i32
    return %arg0, %c0_i32 : i32, i32
  }
  func.func @transform_1(%arg0: i32) -> (i32, i32) {
    %c0_i32 = arith.constant 0 : i32
    %c0_i32_0 = arith.constant 0 : i32
    return %arg0, %c0_i32 : i32, i32
  }
  func.func @transform_2(%arg0: i32) -> (i32, i32) {
    %c0_i32 = arith.constant 0 : i32
    %c0_i32_0 = arith.constant 0 : i32
    return %arg0, %c0_i32 : i32, i32
  }
  func.func @transform_3(%arg0: i32) -> (i32, i32) {
    %c0_i32 = arith.constant 0 : i32
    %c0_i32_0 = arith.constant 0 : i32
    return %arg0, %c0_i32 : i32, i32
  }
  func.func @transform_4(%arg0: i32) -> (i32, i32) {
    %c0_i32 = arith.constant 0 : i32
    %c0_i32_0 = arith.constant 0 : i32
    return %arg0, %c0_i32 : i32, i32
  }
  func.func @transform_5(%arg0: i32) -> (i32, i32) {
    %c0_i32 = arith.constant 0 : i32
    %c0_i32_0 = arith.constant 0 : i32
    %c0_i32_1 = arith.constant 0 : i32
    return %c0_i32, %c0_i32_0 : i32, i32
  }
  func.func @transform_6(%arg0: i32) -> (i32, i32) {
    %c0_i32 = arith.constant 0 : i32
    %c0_i32_0 = arith.constant 0 : i32
    %c0_i32_1 = arith.constant 0 : i32
    return %c0_i32, %c0_i32_0 : i32, i32
  }
  func.func @transform_7(%arg0: i32) -> (i32, i32) {
    %c0_i32 = arith.constant 0 : i32
    %c0_i32_0 = arith.constant 0 : i32
    %c0_i32_1 = arith.constant 0 : i32
    return %c0_i32, %c0_i32_0 : i32, i32
  }
  func.func @transform_8(%arg0: i32) -> (i32, i32) {
    %c0_i32 = arith.constant 0 : i32
    %c0_i32_0 = arith.constant 0 : i32
    %c0_i32_1 = arith.constant 0 : i32
    return %c0_i32, %c0_i32_0 : i32, i32
  }
  func.func @transform_9(%arg0: i32) -> (i32, i32) {
    %c0_i32 = arith.constant 0 : i32
    %c0_i32_0 = arith.constant 0 : i32
    %c0_i32_1 = arith.constant 0 : i32
    return %c0_i32, %c0_i32_0 : i32, i32
  }
  func.func @transform_10(%arg0: i32) -> (i32, i32) {
    %c0_i32 = arith.constant 0 : i32
    %c0_i32_0 = arith.constant 0 : i32
    return %arg0, %c0_i32 : i32, i32
  }
}

</mosaic_0001>

<sc_bundles>
// kernel: kernel.10.cloned.1.call-start
scs
__scs_entry_jumppad:
0x0: {  	(pc) =	sbr.rel $0x88, $3  }
0x1: {  	(tag) =	ssettag $0x0;
	lr =	simm.s32 $0x1  }
0x2: {  	[smem:$0x3F96] =	sst lr;
	_ =	strace $0xD0000000  }
0x3: {  	_ = 	snop  }
0x4: {  	_ = 	snop  }
0x5: {  	_ = 	snop  }
0x6: {  	_ = 	snop  }
0x7: {  	_ = 	snop  }
__scs_overlays_trampoline_lowered:
0x8: {  	[smem:$0x3FA5] =	sst s0  }
0x9: {  	[smem:$0x3FA6] =	sst s1  }
0xa: {  	[smem:$0x3FA7] =	sst s2  }
0xb: {  	[smem:$0x3FA8] =	sst s3  }
0xc: {  	[smem:$0x3FA9] =	sst s4  }
0xd: {  	[smem:$0x3FAA] =	sst s5  }
0xe: {  	[smem:$0x3FAB] =	sst s6  }
0xf: {  	[smem:$0x3FAC] =	sst s7  }
0x10: {  	[smem:$0x3FAD] =	sst s8  }
0x11: {  	[smem:$0x3FAE] =	sst s9;
	s0 =	simm.s32 @!p0 $0x0  }
0x12: {  	s1 =	sld [smem:$0x3F94];
	s0 =	simm.s32 @p0 $0x1  }
0x13: {  	[smem:$0x3FAF] =	sst s0;
	s0 =	simm.s32 @!p1 $0x0  }
0x14: {  	s2 =	sld [smem:$0x3F93];
	s0 =	simm.s32 @p1 $0x1  }
0x15: {  	[smem:$0x3FB0] =	sst s0;
	s0 =	simm.s32 @!p2 $0x0  }
0x16: {  	s3 =	sld [smem:$0x3FDB];
	s0 =	simm.s32 @p2 $0x1  }
0x17: {  	s4 =	simm.s32 $0x1BF5;
	[smem:$0x3FB2] =	sst s0  }
0x18: {  	s0 =	sld [smem:$0x3F95];
	_ =	swait.ge [sflag:s4], $0x0  }
0x19: {  	s7 =	sld [smem:$0x3F96]  }
0x1a: {  	s8 =	sadd.s32 $0xFFFFE003, lr  }
0x1b: {  	s9 =	sadd.s32 $0xFFFFFEF7, lr;
	s5 =	simm.s32 $0xFFFFFFFF;
	p2 =	slt.u32 s8, $0xFFFFF086  }
0x1c: {  	p1 =	slt.u32 s9, $0xF7A;
	s5 =	simm.s32 @!p2 $0x0  }
0x1d: {  	s5 =	simm.s32 @p1 $0x1;
	p0 =	seq.s32 s7, s2  }
0x1e: {  	s7 =	smul.u32 @!p0 $0xF7A, s2;
	p2 =	seq.s32 @!p0 s5, $0x0  }
0x1f: {  	s9 =	smul.u32 $0xF7A, s1;
	s8 =	simm.s32 @!p0 $0x1BF5;
	p2 =	por !p2, p0  }
0x20: {  	[sflag:s8] =	ssyncset.s32 @!p0 $0xFFFFF086;
	s6 =	sadd.s32 @!p0 s3, s7;
	s7 =	simm.s32 @!p0 $0x108  }
0x21: {  	s3 =	sadd.s32 s3, s9;
	s6 =	sadd.s32 @!p0 $0x88, s6;
	s7 =	simm.s32 @p2 $0x1082  }
0x22: {  	[simem:s7], [sflag:s8] =	dma.local @!p0 [hbm:s6], $0xF7A  }
0x23: {  	s9 =	sor.u32 $0xD0000000, s2;
	s6 =	simm.s32 $0x108;
	_ =	swait.ge @!p0 [sflag:s8], $0x0  }
0x24: {  	s3 =	sadd.s32 $0x88, s3;
	s6 =	simm.s32 @!p1 $0x1082;
	[sflag:s4] =	ssyncset.s32 $0xFFFFF086  }
0x25: {  	[simem:s6], [sflag:s4] =	dma.local [hbm:s3], $0xF7A  }
0x26: {  	[smem:$0x3F96] =	sst s1;
	(tag) =	ssettag s2;
	_ =	strace s9  }
0x27: {  	s1 =	sld [smem:$0x3FA6]  }
0x28: {  	s2 =	sld [smem:$0x3FA7]  }
0x29: {  	s4 =	sld [smem:$0x3FA9]  }
0x2a: {  	p0 =	seq.s32 s5, $0x0;
	s5 =	sld [smem:$0x3FAA]  }
0x2b: {  	s6 =	sld [smem:$0x3FAB]  }
0x2c: {  	s7 =	sld [smem:$0x3FAC]  }
0x2d: {  	s3 =	simm.s32 $0x108;
	s8 =	sld [smem:$0x3FAD]  }
0x2e: {  	s3 =	simm.s32 @!p0 $0x1082;
	s9 =	sld [smem:$0x3FAE]  }
0x2f: {  	lr =	sadd.s32 s0, s3;
	s0 =	sld [smem:$0x3FA5]  }
0x30: {  	s3 =	sld [smem:$0x3FA8]  }
0x31: {  	[smem:$0x3FB1] =	sst s10  }
0x32: {  	s10 =	sld [smem:$0x3FAF];
	_ =	sdelay $0x3  }
0x33: {  	p0 =	seq.s32 s10, $0x1;
	s10 =	sld [smem:$0x3FB1];
	_ =	sdelay $0x3  }
0x34: {  	[smem:$0x3FB1] =	sst s10  }
0x35: {  	s10 =	sld [smem:$0x3FB0];
	_ =	sdelay $0x3  }
0x36: {  	p1 =	seq.s32 s10, $0x1;
	s10 =	sld [smem:$0x3FB1];
	_ =	sdelay $0x3  }
0x37: {  	[smem:$0x3FB1] =	sst s10  }
0x38: {  	s10 =	sld [smem:$0x3FB2]  }
0x39: {  	_ = 	snop;
	(pc) =	sbr.ind lr, $3  }
0x3a: {  	_ = 	snop  }
0x3b: {  	_ = 	snop  }
0x3c: {  	p2 =	seq.s32 s10, $0x1;
	s10 =	sld [smem:$0x3FB1]  }
0x3d: {  	_ =	shalt  }
0x3e: {  	_ =	shalt  }
0x3f: {  	_ =	shalt  }
0x40: {  	_ =	shalt  }
0x41: {  	_ =	shalt  }
0x42: {  	_ =	shalt  }
0x43: {  	_ =	shalt  }
0x44: {  	_ =	shalt  }
0x45: {  	_ =	shalt  }
0x46: {  	_ =	shalt  }
0x47: {  	_ =	shalt  }
0x48: {  	_ =	shalt  }
0x49: {  	_ =	shalt  }
0x4a: {  	_ =	shalt  }
0x4b: {  	_ =	shalt  }
0x4c: {  	_ =	shalt  }
0x4d: {  	_ =	shalt  }
0x4e: {  	_ =	shalt  }
0x4f: {  	_ =	shalt  }
0x50: {  	_ =	shalt  }
0x51: {  	_ =	shalt  }
0x52: {  	_ =	shalt  }
0x53: {  	_ =	shalt  }
0x54: {  	_ =	shalt  }
0x55: {  	_ =	shalt  }
0x56: {  	_ =	shalt  }
0x57: {  	_ =	shalt  }
0x58: {  	_ =	shalt  }
0x59: {  	_ =	shalt  }
0x5a: {  	_ =	shalt  }
0x5b: {  	_ =	shalt  }
0x5c: {  	_ =	shalt  }
0x5d: {  	_ =	shalt  }
0x5e: {  	_ =	shalt  }
0x5f: {  	_ =	shalt  }
0x60: {  	_ =	shalt  }
0x61: {  	_ =	shalt  }
0x62: {  	_ =	shalt  }
0x63: {  	_ =	shalt  }
0x64: {  	_ =	shalt  }
0x65: {  	_ =	shalt  }
0x66: {  	_ =	shalt  }
0x67: {  	_ =	shalt  }
0x68: {  	_ =	shalt  }
0x69: {  	_ =	shalt  }
0x6a: {  	_ =	shalt  }
0x6b: {  	_ =	shalt  }
0x6c: {  	_ =	shalt  }
0x6d: {  	_ =	shalt  }
0x6e: {  	_ =	shalt  }
0x6f: {  	_ =	shalt  }
0x70: {  	_ =	shalt  }
0x71: {  	_ =	shalt  }
0x72: {  	_ =	shalt  }
0x73: {  	_ =	shalt  }
0x74: {  	_ =	shalt  }
0x75: {  	_ =	shalt  }
0x76: {  	_ =	shalt  }
0x77: {  	_ =	shalt  }
0x78: {  	_ =	shalt  }
0x79: {  	_ =	shalt  }
0x7a: {  	_ =	shalt  }
0x7b: {  	_ =	shalt  }
0x7c: {  	_ =	shalt  }
0x7d: {  	_ =	shalt  }
0x7e: {  	_ =	shalt  }
0x7f: {  	_ =	shalt  }
0x80: {  	_ =	shalt  }
0x81: {  	_ =	shalt  }
0x82: {  	_ =	shalt  }
0x83: {  	_ =	shalt  }
0x84: {  	_ =	shalt  }
0x85: {  	_ =	shalt  }
0x86: {  	_ =	shalt  }
0x87: {  	_ =	shalt  }
.Lfunc_end0:
.L_simem_size_0:
called_computation_lowered:
.L_overlay_start_0:
0x88: {  	s2 =	sld [smem:$0x3FD9]  }
0x89: {  	s3 =	sld [smem:$0x3FFE];
	_ =	sdelay $0x1  }
0x8a: {  	s1 =	srdreg.scid  }
0x8b: {  	s0 =	sand.u32 $0x1, s1  }
0x8c: {  	s17 =	sshll.u32 s0, $0xA;
	s2 =	sadd.s32 s3, s2  }
0x8d: {  	s2 =	sadd.s32 s2, s17  }
0x8e: {  	[smem:$0x3FBD] =	sst s2  }
0x8f: {  	_ = 	snop  }
0x90: {  	s2 =	sld [smem:$0x3FD0];
	(tm) =	ssettm $0x1  }
0x91: {  	s18 =	sld [smem:$0x3FFB];
	_ =	sdelay $0x3  }
0x92: {  	_ =	strace s18  }
0x93: {  	s3 =	sld [smem:$0x3FFC];
	_ =	sdelay $0x3  }
0x94: {  	_ =	strace s3  }
0x95: {  	s3 =	sld [smem:$0x3FFD];
	_ =	sdelay $0x3  }
0x96: {  	_ =	strace s3  }
0x97: {  	_ =	strace $0x8FFFFFFF  }
0x98: {  	s19 =	sld [smem:$0x3FDB];
	_ =	sdelay $0x1  }
0x99: {  	s4 =	simm.s32 $_scs_section_size  }
0x9a: {  	s5 =	simm.s32 $_size__tile_overlayer_lowered;
	s6 =	simm.s32 $_tile_overlayer_lowered  }
0x9b: {  	s22 =	simm.s32 $0x1BFF;
	s21 =	sshll.u32 s6, $0x1;
	s3 =	sadd.s32 s4, s19  }
0x9c: {  	s7 =	simm.s32 $0x0;
	s20 =	sshll.u32 s5, $0x1;
	s5 =	sadd.s32 s21, s3  }
0x9d: {  	[timem:s7], [sflag:s22] =	dma.local [hbm:s5], s20  }
0x9e: {  	_ =	swait.ge [sflag:s22], s20  }
0x9f: {  	s4 =	ssub.s32 $0x0, s20;
	[sflag:s22] =	ssyncset.done $0x0  }
0xa0: {  	[sflag:s22] =	ssyncadd.s32 s4;
	_ =	sdelay $0x1  }
0xa1: {  	s23 =	simm.s32 $0x1B8B  }
0xa2: {  	_ =	swait.ge [sflag:s23], $0x1  }
0xa3: {  	[sflag:s23] =	ssyncset.done $0x0  }
0xa4: {  	s25 =	simm.s32 $0x1B8E;
	s24 =	sld [smem:$0x3FFE];
	[sflag:s23] =	ssyncadd.s32 $0xFFFFFFFF  }
0xa5: {  	s26 =	simm.s32 $execute0_lowered;
	[smem:$0x3FD2] =	sst s25  }
0xa6: {  	s5 =	sshll.u32 s26, $0x1;
	_ =	strace $0x80000046;
	[dreg:$0x1] =	wrdreg $0xFFFFFFFF  }
0xa7: {  	s28 =	simm.s32 $_size_execute0_lowered;
	s3 =	sadd.s32 s3, s5;
	[dreg:$0x0] =	wrdreg $0x0  }
0xa8: {  	s5 =	sshll.u32 s28, $0x1;
	[dreg:$0x2] =	wrdreg s3  }
0xa9: {  	[dreg:$0x3] =	wrdreg s5  }
0xaa: {  	[dreg:$0x4] =	wrdreg $0xC0  }
0xab: {  	_ =	task [dreg:s7], $0x5FFFF  }
0xac: {  	[dreg:$0x1] =	wrdreg $0xFFFFFFFF  }
0xad: {  	[dreg:$0x0] =	wrdreg $0x60  }
0xae: {  	[dreg:$0x2] =	wrdreg s24  }
0xaf: {  	[dreg:$0x3] =	wrdreg s2  }
0xb0: {  	[dreg:$0x4] =	wrdreg $0x9  }
0xb1: {  	_ =	task.clear_ibuf [dreg:s7], $0x5FFFF;
	_ =	strace $0x90000046  }
0xb2: {  	s29 =	simm.s32 $0x9;
	_ =	strace $0x80000048  }
0xb3: {  	_ =	swait.ge [sflag:s29], $0x1  }
0xb4: {  	[sflag:s29] =	ssyncadd.s32 $0xFFFFFFFF  }
0xb5: {  	_ =	strace $0x90000048  }
0xb6: {  	_ =	sfence  }
0xb7: {  	s30 =	sld [smem:$0x0];
	_ =	sdelay $0x2  }
0xb8: {  	s31 =	sshll.u32 s1, $0xD;
	s1 =	sshrl.u32 s1, $0x2  }
0xb9: {  	s3 =	sand.u32 $0x4000, s31;
	s1 =	sadd.s32 s1, s30  }
0xba: {  	s0 =	sor.u32 s3, s0;
	s1 =	sshll.u32 s1, $0x11  }
0xbb: {  	s0 =	sor.u32 s1, s0  }
0xbc: {  	s0 =	sadd.s32 $0x8F2B, s0  }
0xbd: {  	[sflag:s0] =	ssyncadd.remote.s32 $0x1  }
0xbe: {  	_ =	sfence.sel $0xFFFF  }
0xbf: {  	[dreg:$0x0] =	wrdreg $0xFFFFFFFF;
	(pc) =	sbr.abs _section_cstart, $3  }
0xc0: {  	[dreg:$0x1] =	wrdreg $0xFFFFFFFF  }
0xc1: {  	_ =	task.clear_ibuf [dreg:s7], $0x2FFFF;
	_ =	strace $0x9FFFFFFF  }
0xc2: {  	(tm) =	ssettm $0x7FFFFFFF  }
0xc3: {  	_ =	shalt  }
tec
execute0_lowered:
.L_overlay_start_1:
0x0: {  	(tag) =	ssettag $0x1  }
0x1: {  	s0 =	rddreg [dreg:$0x0]  }
0x2: {  	s1 =	rddreg [dreg:$0x1];
	s2 =	simm.s32 $0x0  }
0x3: {  	s3 =	srdreg.scid;
	s7 =	stileid.u32;
	s11 =	simm.s32 $0x5  }
0x4: {  	s12 =	simm.s32 $0x40;
	s13 =	simm.s32 $0x80;
	s14 =	simm.s32 $0x2480  }
0x5: {  	s15 =	simm.s32 $0x6C80;
	s16 =	simm.s32 $0x6CC0;
	s17 =	simm.s32 $0x6D00  }
0x6: {  	s18 =	simm.s32 $0x9100;
	s19 =	simm.s32 $0x1;
	s20 =	simm.s32 $0x4880  }
0x7: {  	s21 =	simm.s32 $0x6880;
	s22 =	simm.s32 $0x2;
	s23 =	simm.s32 $0xB500  }
0x8: {  	s24 =	simm.s32 $0xD500;
	[smem:$0x7FF] =	sst s2;
	s3 =	sand.u32 $0x1, s3  }
0x9: {  	s4 =	sadd.s32 $0x57800, s0;
	s5 =	sadd.s32 $0x9600, s0;
	s9 =	ssub.s32 $0x2, s3  }
0xa: {  	s6 =	sadd.s32 $0x4600, s0;
	s8 =	sshll.u32 s7, $0x1;
	s10 =	sshrl.u32 s9, $0x1  }
0xb: {  	s7 =	sadd.s32 $0xD3800, s0;
	_ =	strace $0x80000047;
	s31 =	ssub.s32 s9, s10  }
0xc: {  	s3 =	sor.u32 s3, s8;
	s8 =	sadd.s32 $0x83800, s0;
	s0 =	smax.u32 s31, $0x1  }
0xd: {  	s9 =	smul.u32 $0x1400, s3;
	s10 =	simm.s32 $0x0;
	[dreg:$0x3] =	wrdreg s0  }
.LBB2_1:
0xe: {  	[dreg:$0x4] =	wrdreg s10;
	s29 =	simm.s32 $0x0  }
.LBB2_2:
0xf: {  	p0 =	seq.s32 s29, $0x0  }
0x10: {  	s0 =	simm.s32 @!p0 $0x3  }
0x11: {  	_ =	swait.ge @!p0 [sflag:s0], $0x2000  }
0x12: {  	[sflag:s0] =	ssyncset.done @!p0 $0x0  }
0x13: {  	[sflag:s0] =	ssyncadd.s32 @!p0 $0xFFFFE000  }
0x14: {  	_ =	swait.ge @!p0 [sflag:s0], $0x400  }
0x15: {  	[sflag:s0] =	ssyncset.done @!p0 $0x0  }
0x16: {  	[sflag:s0] =	ssyncadd.s32 @!p0 $0xFFFFFC00;
	s0 =	simm.s32 @!p0 $0x4  }
0x17: {  	_ =	swait.ge @!p0 [sflag:s0], $0x2000  }
0x18: {  	[sflag:s0] =	ssyncset.done @!p0 $0x0  }
0x19: {  	s3 =	sshll.u32 s29, $0x7;
	[sflag:s0] =	ssyncadd.s32 @!p0 $0xFFFFE000  }
0x1a: {  	s31 =	sadd.s32 s9, s3;
	_ =	swait.ge @!p0 [sflag:s0], $0x400  }
0x1b: {  	s3 =	sshrl.u32 s31, $0x3;
	[sflag:s0] =	ssyncset.done @!p0 $0x0  }
0x1c: {  	s10 =	simm.s32 $0x0;
	s28 =	sadd.s32 s1, s3;
	[sflag:s0] =	ssyncadd.s32 @!p0 $0xFFFFFC00  }
0x1d: {  	[tilespmem:s10], [sflag:$0x5] =	stream.linear.gather [hbm4b:s28+s10], $0x40, $0x38;
	[tilespmem:$0xD900] =	vst v63  }
0x1e: {  	_ =	swait.ge [sflag:s11], $0x40  }
0x1f: {  	[sflag:s11] =	ssyncset.done $0x0  }
0x20: {  	s25 =	sadd.s32 s6, s3;
	[sflag:s11] =	ssyncadd.s32 $0xFFFFFFC0  }
0x21: {  	[tilespmem:s12], [sflag:$0x5] =	stream.linear.gather [hbm4b:s25+s10], $0x40, $0x38;
	[tilespmem:$0xD900] =	vst v63  }
0x22: {  	_ =	swait.ge [sflag:s11], $0x40  }
0x23: {  	[sflag:s11] =	ssyncset.done $0x0  }
0x24: {  	s30 =	sor.u32 $0x40, s31;
	[sflag:s11] =	ssyncadd.s32 $0xFFFFFFC0  }
0x25: {  	[tilespmem:s13], [sflag:$0x1] =	stream.indirect.gather [hbm4b:s4+s12], $0x90, s10, s12, $0xb8;
	[tilespmem:$0xD900] =	vst v63  }
0x26: {  	s26 =	sshrl.u32 s30, $0x3  }
0x27: {  	[tilespmem:s14], [sflag:$0x1] =	stream.indirect.gather [hbm4b:s5+s12], $0x90, s12, s12, $0xb8;
	[tilespmem:$0xD900] =	vst v63  }
0x28: {  	s28 =	sadd.s32 s1, s26  }
0x29: {  	[tilespmem:s15], [sflag:$0x5] =	stream.linear.gather [hbm4b:s28+s10], $0x40, $0x38;
	[tilespmem:$0xD900] =	vst v63  }
0x2a: {  	_ =	swait.ge [sflag:s11], $0x40  }
0x2b: {  	[sflag:s11] =	ssyncset.done $0x0  }
0x2c: {  	s0 =	sadd.s32 s6, s26;
	[sflag:s11] =	ssyncadd.s32 $0xFFFFFFC0  }
0x2d: {  	[tilespmem:s16], [sflag:$0x5] =	stream.linear.gather [hbm4b:s0+s10], $0x40, $0x38;
	[tilespmem:$0xD900] =	vst v63  }
0x2e: {  	_ =	swait.ge [sflag:s11], $0x40  }
0x2f: {  	[sflag:s11] =	ssyncset.done $0x0  }
0x30: {  	[sflag:s11] =	ssyncadd.s32 $0xFFFFFFC0  }
0x31: {  	[tilespmem:s17], [sflag:$0x2] =	stream.indirect.gather [hbm4b:s4+s12], $0x90, s15, s12, $0xb8;
	[tilespmem:$0xD900] =	vst v63  }
0x32: {  	_ = 	snop  }
0x33: {  	[tilespmem:s18], [sflag:$0x2] =	stream.indirect.gather [hbm4b:s5+s12], $0x90, s16, s12, $0xb8;
	[tilespmem:$0xD900] =	vst v63  }
0x34: {  	_ =	swait.ge [sflag:s19], $0x2400  }
0x35: {  	[sflag:s19] =	ssyncset.done $0x0  }
0x36: {  	[sflag:s19] =	ssyncadd.s32 $0xFFFFDC00  }
0x37: {  	_ =	swait.ge [sflag:s19], $0x2400  }
0x38: {  	[sflag:s19] =	ssyncset.done $0x0  }
0x39: {  	s3 =	simm.s32 $0x0;
	[sflag:s19] =	ssyncadd.s32 $0xFFFFDC00  }
0x3a: {  	v0 =	vld [tilespmem:s3+$0x80]  }
0x3b: {  	v1 =	vld [tilespmem:s3+$0x2480];
	_ =	sdelay $0x4  }
0x3c: {  	v0 =	vadd.f32 v1, v0  }
0x3d: {  	s0 =	simm.s32 $0x48C0  }
0x3e: {  	[tilespmem:s0+$0xFFFFFFC0] =	vst v0  }
0x3f: {  	v0 =	vld [tilespmem:s3+$0x90]  }
0x40: {  	v1 =	vld [tilespmem:s3+$0x2490];
	_ =	sdelay $0x4  }
0x41: {  	v0 =	vadd.f32 v1, v0;
	_ =	sdelay $0x1  }
0x42: {  	[tilespmem:s0+$0xFFFFFFD0] =	vst v0  }
0x43: {  	v0 =	vld [tilespmem:s3+$0xA0]  }
0x44: {  	v1 =	vld [tilespmem:s3+$0x24A0];
	_ =	sdelay $0x4  }
0x45: {  	v0 =	vadd.f32 v1, v0;
	_ =	sdelay $0x1  }
0x46: {  	[tilespmem:s0+$0xFFFFFFE0] =	vst v0  }
0x47: {  	v0 =	vld [tilespmem:s3+$0xB0]  }
0x48: {  	v1 =	vld [tilespmem:s3+$0x24B0];
	_ =	sdelay $0x4  }
0x49: {  	v0 =	vadd.f32 v1, v0;
	_ =	sdelay $0x1  }
0x4a: {  	[tilespmem:s0+$0xFFFFFFF0] =	vst v0  }
0x4b: {  	v0 =	vld [tilespmem:s3+$0xC0]  }
0x4c: {  	v1 =	vld [tilespmem:s3+$0x24C0];
	_ =	sdelay $0x4  }
0x4d: {  	v0 =	vadd.f32 v1, v0;
	_ =	sdelay $0x1  }
0x4e: {  	[tilespmem:s0+$0x0] =	vst v0  }
0x4f: {  	v0 =	vld [tilespmem:s3+$0xD0]  }
0x50: {  	v1 =	vld [tilespmem:s3+$0x24D0];
	_ =	sdelay $0x4  }
0x51: {  	v0 =	vadd.f32 v1, v0;
	_ =	sdelay $0x1  }
0x52: {  	[tilespmem:s0+$0x10] =	vst v0  }
0x53: {  	v0 =	vld [tilespmem:s3+$0xE0]  }
0x54: {  	v1 =	vld [tilespmem:s3+$0x24E0];
	_ =	sdelay $0x4  }
0x55: {  	v0 =	vadd.f32 v1, v0;
	_ =	sdelay $0x1  }
0x56: {  	[tilespmem:s0+$0x20] =	vst v0  }
0x57: {  	v0 =	vld [tilespmem:s3+$0xF0]  }
0x58: {  	v1 =	vld [tilespmem:s3+$0x24F0];
	_ =	sdelay $0x4  }
0x59: {  	s26 =	simm.s32 $0x240;
	s25 =	simm.s32 $0x6880;
	s10 =	simm.s32 $0x6880;
	v0 =	vadd.f32 v1, v0  }
.LBB2_3:
0x5a: {  	_ = 	snop  }
0x5b: {  	p0 =	sne.s32 s26, $0x8DC0;
	s25 =	sadd.s32 $0x10, s25;
	[tilespmem:s0+$0x30] =	vst v0;
	s0 =	sadd.s32 $0x80, s0  }
0x5c: {  	s28 =	smov.u32 s26;
	s26 =	sadd.s32 $0x240, s26;
	v0 =	vld [tilespmem:s3+$0x100]  }
0x5d: {  	v1 =	vld [tilespmem:s3+$0x2500];
	_ =	sdelay $0x4  }
0x5e: {  	v0 =	vadd.f32 v1, v0;
	_ =	sdelay $0x1  }
0x5f: {  	s3 =	sshra.s32 s28, $0x2;
	[tilespmem:s10+$0x0] =	vst v0;
	s10 =	smov.u32 s25  }
0x60: {  	v0 =	vld [tilespmem:s3+$0x80]  }
0x61: {  	v1 =	vld [tilespmem:s3+$0x2480];
	_ =	sdelay $0x4  }
0x62: {  	v0 =	vadd.f32 v1, v0;
	_ =	sdelay $0x1  }
0x63: {  	[tilespmem:s0+$0xFFFFFFC0] =	vst v0  }
0x64: {  	v0 =	vld [tilespmem:s3+$0x90]  }
0x65: {  	v1 =	vld [tilespmem:s3+$0x2490];
	_ =	sdelay $0x4  }
0x66: {  	v0 =	vadd.f32 v1, v0;
	_ =	sdelay $0x1  }
0x67: {  	[tilespmem:s0+$0xFFFFFFD0] =	vst v0  }
0x68: {  	v0 =	vld [tilespmem:s3+$0xA0]  }
0x69: {  	v1 =	vld [tilespmem:s3+$0x24A0];
	_ =	sdelay $0x4  }
0x6a: {  	v0 =	vadd.f32 v1, v0;
	_ =	sdelay $0x1  }
0x6b: {  	[tilespmem:s0+$0xFFFFFFE0] =	vst v0  }
0x6c: {  	v0 =	vld [tilespmem:s3+$0xB0]  }
0x6d: {  	v1 =	vld [tilespmem:s3+$0x24B0];
	_ =	sdelay $0x4  }
0x6e: {  	v0 =	vadd.f32 v1, v0;
	_ =	sdelay $0x1  }
0x6f: {  	[tilespmem:s0+$0xFFFFFFF0] =	vst v0  }
0x70: {  	v0 =	vld [tilespmem:s3+$0xC0]  }
0x71: {  	v1 =	vld [tilespmem:s3+$0x24C0];
	_ =	sdelay $0x4  }
0x72: {  	v0 =	vadd.f32 v1, v0;
	_ =	sdelay $0x1  }
0x73: {  	[tilespmem:s0+$0x0] =	vst v0  }
0x74: {  	v0 =	vld [tilespmem:s3+$0xD0]  }
0x75: {  	v1 =	vld [tilespmem:s3+$0x24D0];
	_ =	sdelay $0x4  }
0x76: {  	v0 =	vadd.f32 v1, v0;
	_ =	sdelay $0x1  }
0x77: {  	[tilespmem:s0+$0x10] =	vst v0  }
0x78: {  	v0 =	vld [tilespmem:s3+$0xE0]  }
0x79: {  	v1 =	vld [tilespmem:s3+$0x24E0];
	_ =	sdelay $0x4  }
0x7a: {  	v0 =	vadd.f32 v1, v0;
	_ =	sdelay $0x1  }
0x7b: {  	[tilespmem:s0+$0x20] =	vst v0  }
0x7c: {  	v0 =	vld [tilespmem:s3+$0xF0]  }
0x7d: {  	v1 =	vld [tilespmem:s3+$0x24F0]  }
.Ltmp0:
0x7e: {  	(pc) =	sbr.rel @p0 .LBB2_3-.Ltmp0, $2  }
0x7f: {  	_ =	sdelay $0x2  }
0x80: {  	v0 =	vadd.f32 v1, v0  }
0x81: {  	_ = 	snop  }
0x82: {  	[tilespmem:s0+$0x30] =	vst v0  }
0x83: {  	v0 =	vld [tilespmem:s3+$0x100]  }
0x84: {  	v1 =	vld [tilespmem:s3+$0x2500];
	_ =	sdelay $0x4  }
0x85: {  	v0 =	vadd.f32 v1, v0  }
0x86: {  	s25 =	sshll.u32 s31, $0x4  }
0x87: {  	s26 =	simm.s32 $0x0;
	s28 =	sshll.u32 s31, $0x1;
	s0 =	sadd.s32 s7, s25;
	[tilespmem:s10+$0x0] =	vst v0  }
0x88: {  	[hbm4b:s0+s26] =	stream.linear.scatter [tilespmem:s20], [sflag:$0x3], $0x2000, $0x38;
	[tilespmem:$0xD900] =	vst v63  }
0x89: {  	s0 =	sadd.s32 s8, s28  }
0x8a: {  	[hbm4b:s0+s26] =	stream.linear.scatter [tilespmem:s21], [sflag:$0x3], $0x400, $0x38;
	[tilespmem:$0xD900] =	vst v63  }
0x8b: {  	_ =	swait.ge [sflag:s22], $0x2400  }
0x8c: {  	[sflag:s22] =	ssyncset.done $0x0  }
0x8d: {  	[sflag:s22] =	ssyncadd.s32 $0xFFFFDC00  }
0x8e: {  	_ =	swait.ge [sflag:s22], $0x2400  }
0x8f: {  	[sflag:s22] =	ssyncset.done $0x0  }
0x90: {  	s3 =	simm.s32 $0x0;
	[sflag:s22] =	ssyncadd.s32 $0xFFFFDC00  }
0x91: {  	v0 =	vld [tilespmem:s3+$0x6D00]  }
0x92: {  	v1 =	vld [tilespmem:s3+$0x9100];
	_ =	sdelay $0x4  }
0x93: {  	v0 =	vadd.f32 v1, v0  }
0x94: {  	s0 =	simm.s32 $0xB540  }
0x95: {  	[tilespmem:s0+$0xFFFFFFC0] =	vst v0  }
0x96: {  	v0 =	vld [tilespmem:s3+$0x6D10]  }
0x97: {  	v1 =	vld [tilespmem:s3+$0x9110];
	_ =	sdelay $0x4  }
0x98: {  	v0 =	vadd.f32 v1, v0;
	_ =	sdelay $0x1  }
0x99: {  	[tilespmem:s0+$0xFFFFFFD0] =	vst v0  }
0x9a: {  	v0 =	vld [tilespmem:s3+$0x6D20]  }
0x9b: {  	v1 =	vld [tilespmem:s3+$0x9120];
	_ =	sdelay $0x4  }
0x9c: {  	v0 =	vadd.f32 v1, v0;
	_ =	sdelay $0x1  }
0x9d: {  	[tilespmem:s0+$0xFFFFFFE0] =	vst v0  }
0x9e: {  	v0 =	vld [tilespmem:s3+$0x6D30]  }
0x9f: {  	v1 =	vld [tilespmem:s3+$0x9130];
	_ =	sdelay $0x4  }
0xa0: {  	v0 =	vadd.f32 v1, v0;
	_ =	sdelay $0x1  }
0xa1: {  	[tilespmem:s0+$0xFFFFFFF0] =	vst v0  }
0xa2: {  	v0 =	vld [tilespmem:s3+$0x6D40]  }
0xa3: {  	v1 =	vld [tilespmem:s3+$0x9140];
	_ =	sdelay $0x4  }
0xa4: {  	v0 =	vadd.f32 v1, v0;
	_ =	sdelay $0x1  }
0xa5: {  	[tilespmem:s0+$0x0] =	vst v0  }
0xa6: {  	v0 =	vld [tilespmem:s3+$0x6D50]  }
0xa7: {  	v1 =	vld [tilespmem:s3+$0x9150];
	_ =	sdelay $0x4  }
0xa8: {  	v0 =	vadd.f32 v1, v0;
	_ =	sdelay $0x1  }
0xa9: {  	[tilespmem:s0+$0x10] =	vst v0  }
0xaa: {  	v0 =	vld [tilespmem:s3+$0x6D60]  }
0xab: {  	v1 =	vld [tilespmem:s3+$0x9160];
	_ =	sdelay $0x4  }
0xac: {  	v0 =	vadd.f32 v1, v0;
	_ =	sdelay $0x1  }
0xad: {  	[tilespmem:s0+$0x20] =	vst v0  }
0xae: {  	v0 =	vld [tilespmem:s3+$0x6D70]  }
0xaf: {  	v1 =	vld [tilespmem:s3+$0x9170];
	_ =	sdelay $0x4  }
0xb0: {  	s31 =	simm.s32 $0xD500;
	s25 =	simm.s32 $0x240;
	s10 =	simm.s32 $0xD500;
	v0 =	vadd.f32 v1, v0  }
.LBB2_5:
0xb1: {  	_ = 	snop  }
0xb2: {  	p0 =	sne.s32 s25, $0x8DC0;
	s10 =	sadd.s32 $0x10, s10;
	[tilespmem:s0+$0x30] =	vst v0;
	s0 =	sadd.s32 $0x80, s0  }
0xb3: {  	s26 =	smov.u32 s25;
	s25 =	sadd.s32 $0x240, s25;
	v0 =	vld [tilespmem:s3+$0x6D80]  }
0xb4: {  	v1 =	vld [tilespmem:s3+$0x9180];
	_ =	sdelay $0x4  }
0xb5: {  	v0 =	vadd.f32 v1, v0;
	_ =	sdelay $0x1  }
0xb6: {  	s3 =	sshra.s32 s26, $0x2;
	[tilespmem:s31+$0x0] =	vst v0;
	s31 =	smov.u32 s10  }
0xb7: {  	v0 =	vld [tilespmem:s3+$0x6D00]  }
0xb8: {  	v1 =	vld [tilespmem:s3+$0x9100];
	_ =	sdelay $0x4  }
0xb9: {  	v0 =	vadd.f32 v1, v0;
	_ =	sdelay $0x1  }
0xba: {  	[tilespmem:s0+$0xFFFFFFC0] =	vst v0  }
0xbb: {  	v0 =	vld [tilespmem:s3+$0x6D10]  }
0xbc: {  	v1 =	vld [tilespmem:s3+$0x9110];
	_ =	sdelay $0x4  }
0xbd: {  	v0 =	vadd.f32 v1, v0;
	_ =	sdelay $0x1  }
0xbe: {  	[tilespmem:s0+$0xFFFFFFD0] =	vst v0  }
0xbf: {  	v0 =	vld [tilespmem:s3+$0x6D20]  }
0xc0: {  	v1 =	vld [tilespmem:s3+$0x9120];
	_ =	sdelay $0x4  }
0xc1: {  	v0 =	vadd.f32 v1, v0;
	_ =	sdelay $0x1  }
0xc2: {  	[tilespmem:s0+$0xFFFFFFE0] =	vst v0  }
0xc3: {  	v0 =	vld [tilespmem:s3+$0x6D30]  }
0xc4: {  	v1 =	vld [tilespmem:s3+$0x9130];
	_ =	sdelay $0x4  }
0xc5: {  	v0 =	vadd.f32 v1, v0;
	_ =	sdelay $0x1  }
0xc6: {  	[tilespmem:s0+$0xFFFFFFF0] =	vst v0  }
0xc7: {  	v0 =	vld [tilespmem:s3+$0x6D40]  }
0xc8: {  	v1 =	vld [tilespmem:s3+$0x9140];
	_ =	sdelay $0x4  }
0xc9: {  	v0 =	vadd.f32 v1, v0;
	_ =	sdelay $0x1  }
0xca: {  	[tilespmem:s0+$0x0] =	vst v0  }
0xcb: {  	v0 =	vld [tilespmem:s3+$0x6D50]  }
0xcc: {  	v1 =	vld [tilespmem:s3+$0x9150];
	_ =	sdelay $0x4  }
0xcd: {  	v0 =	vadd.f32 v1, v0;
	_ =	sdelay $0x1  }
0xce: {  	[tilespmem:s0+$0x10] =	vst v0  }
0xcf: {  	v0 =	vld [tilespmem:s3+$0x6D60]  }
0xd0: {  	v1 =	vld [tilespmem:s3+$0x9160];
	_ =	sdelay $0x4  }
0xd1: {  	v0 =	vadd.f32 v1, v0;
	_ =	sdelay $0x1  }
0xd2: {  	[tilespmem:s0+$0x20] =	vst v0  }
0xd3: {  	v0 =	vld [tilespmem:s3+$0x6D70]  }
0xd4: {  	v1 =	vld [tilespmem:s3+$0x9170]  }
.Ltmp1:
0xd5: {  	(pc) =	sbr.rel @p0 .LBB2_5-.Ltmp1, $2  }
0xd6: {  	_ =	sdelay $0x2  }
0xd7: {  	v0 =	vadd.f32 v1, v0  }
0xd8: {  	_ = 	snop  }
0xd9: {  	[tilespmem:s0+$0x30] =	vst v0  }
0xda: {  	v0 =	vld [tilespmem:s3+$0x6D80]  }
0xdb: {  	v1 =	vld [tilespmem:s3+$0x9180];
	_ =	sdelay $0x4  }
0xdc: {  	s28 =	sshll.u32 s30, $0x4;
	s29 =	sadd.s32 $0x1, s29;
	v0 =	vadd.f32 v1, v0  }
0xdd: {  	s0 =	sand.u32 $0x1FFFFC00, s28;
	p0 =	sne.s32 s29, $0x28  }
.Ltmp2:
0xde: {  	s0 =	sadd.s32 s7, s0;
	[tilespmem:s31+$0x0] =	vst v0;
	s31 =	sshll.u32 s30, $0x1;
	(pc) =	sbr.rel @p0 .LBB2_2-.Ltmp2, $4  }
0xdf: {  	[hbm4b:s0+s2] =	stream.linear.scatter [tilespmem:s23], [sflag:$0x4], $0x2000, $0x38;
	[tilespmem:$0xD900] =	vst v63  }
0xe0: {  	s0 =	sand.u32 $0x1FFFFF80, s31  }
0xe1: {  	s0 =	sadd.s32 s8, s0  }
0xe2: {  	[hbm4b:s0+s2] =	stream.linear.scatter [tilespmem:s24], [sflag:$0x4], $0x400, $0x38;
	[tilespmem:$0xD900] =	vst v63  }
0xe3: {  	s0 =	simm.s32 $0x3  }
0xe4: {  	_ =	swait.ge [sflag:s0], $0x2000  }
0xe5: {  	[sflag:s0] =	ssyncset.done $0x0  }
0xe6: {  	[sflag:s0] =	ssyncadd.s32 $0xFFFFE000  }
0xe7: {  	_ =	swait.ge [sflag:s0], $0x400  }
0xe8: {  	[sflag:s0] =	ssyncset.done $0x0  }
0xe9: {  	s3 =	simm.s32 $0x4;
	[sflag:s0] =	ssyncadd.s32 $0xFFFFFC00  }
0xea: {  	_ =	swait.ge [sflag:s3], $0x2000  }
0xeb: {  	[sflag:s3] =	ssyncset.done $0x0  }
0xec: {  	[sflag:s3] =	ssyncadd.s32 $0xFFFFE000  }
0xed: {  	_ =	swait.ge [sflag:s3], $0x400  }
0xee: {  	s10 =	rddreg [dreg:$0x4]  }
0xef: {  	s31 =	rddreg [dreg:$0x3];
	s10 =	sadd.s32 $0x1, s10  }
0xf0: {  	p0 =	sne.s32 s10, s31  }
.Ltmp3:
0xf1: {  	_ = 	snop;
	(pc) =	sbr.rel @p0 .LBB2_1-.Ltmp3, $3  }
0xf2: {  	_ =	sdelay $0x1  }
0xf3: {  	[sflag:s3] =	ssyncset.done $0x0  }
0xf4: {  	[sflag:s3] =	ssyncadd.s32 $0xFFFFFC00  }
0xf5: {  	_ =	sfence.sel $0x180000  }
0xf6: {  	[bflag:$0x0] =	sbarrier.arrive $0xFFFF  }
0xf7: {  	_ =	strace $0x90000047  }
0xf8: {  	s0 =	stileid.u32;
	[bflag:$0x2] =	sbarrier.arrive $0xFFFF  }
0xf9: {  	p0 =	sne.s32 s0, $0x0;
	s0 =	rddreg [dreg:$0x2]  }
0xfa: {  	s0 =	sadd.s32 @!p0 $0x100000, s0  }
0xfb: {  	[sflag:s0] =	ssyncadd.tile.s32 @!p0 $0x1;
	_ =	shalt  }
.Lfunc_end2:
_tile_overlayer_lowered:
.L_overlay_start_2:
0xfc: {  	(tag) =	ssettag $0x2  }
0xfd: {  	s0 =	rddreg [dreg:$0x0];
	s2 =	stileid.u32  }
0xfe: {  	s1 =	rddreg [dreg:$0x1];
	p0 =	sne.s32 s2, $0x0  }
0xff: {  	s3 =	rddreg [dreg:$0x2];
	[bflag:$0x3] =	sbarrier.arrive $0xFFFF;
	s2 =	simm.s32 @!p0 $0x1C05  }
0x100: {  	[timem:s3], [sflag:s2] =	dma.local @!p0 [hbm:s0], s1  }
0x101: {  	s0 =	simm.s32 @!p0 $0x5  }
0x102: {  	_ =	swait.ge @!p0 [sflag:s0], s1  }
0x103: {  	s1 =	ssub.s32 @!p0 $0x0, s1;
	[sflag:s0] =	ssyncset.done @!p0 $0x0  }
0x104: {  	[sflag:s0] =	ssyncadd.s32 @!p0 s1  }
0x105: {  	[bflag:$0x3] =	sbarrier.arrive $0xFFFF  }
0x106: {  	_ =	shalt  }

// kernel: kernel.13.cloned.1.call-start
scs
__scs_entry_jumppad:
0x0: {  	(pc) =	sbr.rel $0x88, $3  }
0x1: {  	(tag) =	ssettag $0x0;
	lr =	simm.s32 $0x1  }
0x2: {  	[smem:$0x3F96] =	sst lr;
	_ =	strace $0xD0000000  }
0x3: {  	_ = 	snop  }
0x4: {  	_ = 	snop  }
0x5: {  	_ = 	snop  }
0x6: {  	_ = 	snop  }
0x7: {  	_ = 	snop  }
__scs_overlays_trampoline_lowered:
0x8: {  	[smem:$0x3FA5] =	sst s0  }
0x9: {  	[smem:$0x3FA6] =	sst s1  }
0xa: {  	[smem:$0x3FA7] =	sst s2  }
0xb: {  	[smem:$0x3FA8] =	sst s3  }
0xc: {  	[smem:$0x3FA9] =	sst s4  }
0xd: {  	[smem:$0x3FAA] =	sst s5  }
0xe: {  	[smem:$0x3FAB] =	sst s6  }
0xf: {  	[smem:$0x3FAC] =	sst s7  }
0x10: {  	[smem:$0x3FAD] =	sst s8  }
0x11: {  	[smem:$0x3FAE] =	sst s9;
	s0 =	simm.s32 @!p0 $0x0  }
0x12: {  	s1 =	sld [smem:$0x3F94];
	s0 =	simm.s32 @p0 $0x1  }
0x13: {  	[smem:$0x3FAF] =	sst s0;
	s0 =	simm.s32 @!p1 $0x0  }
0x14: {  	s2 =	sld [smem:$0x3F93];
	s0 =	simm.s32 @p1 $0x1  }
0x15: {  	[smem:$0x3FB0] =	sst s0;
	s0 =	simm.s32 @!p2 $0x0  }
0x16: {  	s3 =	sld [smem:$0x3FDB];
	s0 =	simm.s32 @p2 $0x1  }
0x17: {  	s4 =	simm.s32 $0x1BF5;
	[smem:$0x3FB2] =	sst s0  }
0x18: {  	s0 =	sld [smem:$0x3F95];
	_ =	swait.ge [sflag:s4], $0x0  }
0x19: {  	s7 =	sld [smem:$0x3F96]  }
0x1a: {  	s8 =	sadd.s32 $0xFFFFE003, lr  }
0x1b: {  	s9 =	sadd.s32 $0xFFFFFEF7, lr;
	s5 =	simm.s32 $0xFFFFFFFF;
	p2 =	slt.u32 s8, $0xFFFFF086  }
0x1c: {  	p1 =	slt.u32 s9, $0xF7A;
	s5 =	simm.s32 @!p2 $0x0  }
0x1d: {  	s5 =	simm.s32 @p1 $0x1;
	p0 =	seq.s32 s7, s2  }
0x1e: {  	s7 =	smul.u32 @!p0 $0xF7A, s2;
	p2 =	seq.s32 @!p0 s5, $0x0  }
0x1f: {  	s9 =	smul.u32 $0xF7A, s1;
	s8 =	simm.s32 @!p0 $0x1BF5;
	p2 =	por !p2, p0  }
0x20: {  	[sflag:s8] =	ssyncset.s32 @!p0 $0xFFFFF086;
	s6 =	sadd.s32 @!p0 s3, s7;
	s7 =	simm.s32 @!p0 $0x108  }
0x21: {  	s3 =	sadd.s32 s3, s9;
	s6 =	sadd.s32 @!p0 $0x88, s6;
	s7 =	simm.s32 @p2 $0x1082  }
0x22: {  	[simem:s7], [sflag:s8] =	dma.local @!p0 [hbm:s6], $0xF7A  }
0x23: {  	s9 =	sor.u32 $0xD0000000, s2;
	s6 =	simm.s32 $0x108;
	_ =	swait.ge @!p0 [sflag:s8], $0x0  }
0x24: {  	s3 =	sadd.s32 $0x88, s3;
	s6 =	simm.s32 @!p1 $0x1082;
	[sflag:s4] =	ssyncset.s32 $0xFFFFF086  }
0x25: {  	[simem:s6], [sflag:s4] =	dma.local [hbm:s3], $0xF7A  }
0x26: {  	[smem:$0x3F96] =	sst s1;
	(tag) =	ssettag s2;
	_ =	strace s9  }
0x27: {  	s1 =	sld [smem:$0x3FA6]  }
0x28: {  	s2 =	sld [smem:$0x3FA7]  }
0x29: {  	s4 =	sld [smem:$0x3FA9]  }
0x2a: {  	p0 =	seq.s32 s5, $0x0;
	s5 =	sld [smem:$0x3FAA]  }
0x2b: {  	s6 =	sld [smem:$0x3FAB]  }
0x2c: {  	s7 =	sld [smem:$0x3FAC]  }
0x2d: {  	s3 =	simm.s32 $0x108;
	s8 =	sld [smem:$0x3FAD]  }
0x2e: {  	s3 =	simm.s32 @!p0 $0x1082;
	s9 =	sld [smem:$0x3FAE]  }
0x2f: {  	lr =	sadd.s32 s0, s3;
	s0 =	sld [smem:$0x3FA5]  }
0x30: {  	s3 =	sld [smem:$0x3FA8]  }
0x31: {  	[smem:$0x3FB1] =	sst s10  }
0x32: {  	s10 =	sld [smem:$0x3FAF];
	_ =	sdelay $0x3  }
0x33: {  	p0 =	seq.s32 s10, $0x1;
	s10 =	sld [smem:$0x3FB1];
	_ =	sdelay $0x3  }
0x34: {  	[smem:$0x3FB1] =	sst s10  }
0x35: {  	s10 =	sld [smem:$0x3FB0];
	_ =	sdelay $0x3  }
0x36: {  	p1 =	seq.s32 s10, $0x1;
	s10 =	sld [smem:$0x3FB1];
	_ =	sdelay $0x3  }
0x37: {  	[smem:$0x3FB1] =	sst s10  }
0x38: {  	s10 =	sld [smem:$0x3FB2]  }
0x39: {  	_ = 	snop;
	(pc) =	sbr.ind lr, $3  }
0x3a: {  	_ = 	snop  }
0x3b: {  	_ = 	snop  }
0x3c: {  	p2 =	seq.s32 s10, $0x1;
	s10 =	sld [smem:$0x3FB1]  }
0x3d: {  	_ =	shalt  }
0x3e: {  	_ =	shalt  }
0x3f: {  	_ =	shalt  }
0x40: {  	_ =	shalt  }
0x41: {  	_ =	shalt  }
0x42: {  	_ =	shalt  }
0x43: {  	_ =	shalt  }
0x44: {  	_ =	shalt  }
0x45: {  	_ =	shalt  }
0x46: {  	_ =	shalt  }
0x47: {  	_ =	shalt  }
0x48: {  	_ =	shalt  }
0x49: {  	_ =	shalt  }
0x4a: {  	_ =	shalt  }
0x4b: {  	_ =	shalt  }
0x4c: {  	_ =	shalt  }
0x4d: {  	_ =	shalt  }
0x4e: {  	_ =	shalt  }
0x4f: {  	_ =	shalt  }
0x50: {  	_ =	shalt  }
0x51: {  	_ =	shalt  }
0x52: {  	_ =	shalt  }
0x53: {  	_ =	shalt  }
0x54: {  	_ =	shalt  }
0x55: {  	_ =	shalt  }
0x56: {  	_ =	shalt  }
0x57: {  	_ =	shalt  }
0x58: {  	_ =	shalt  }
0x59: {  	_ =	shalt  }
0x5a: {  	_ =	shalt  }
0x5b: {  	_ =	shalt  }
0x5c: {  	_ =	shalt  }
0x5d: {  	_ =	shalt  }
0x5e: {  	_ =	shalt  }
0x5f: {  	_ =	shalt  }
0x60: {  	_ =	shalt  }
0x61: {  	_ =	shalt  }
0x62: {  	_ =	shalt  }
0x63: {  	_ =	shalt  }
0x64: {  	_ =	shalt  }
0x65: {  	_ =	shalt  }
0x66: {  	_ =	shalt  }
0x67: {  	_ =	shalt  }
0x68: {  	_ =	shalt  }
0x69: {  	_ =	shalt  }
0x6a: {  	_ =	shalt  }
0x6b: {  	_ =	shalt  }
0x6c: {  	_ =	shalt  }
0x6d: {  	_ =	shalt  }
0x6e: {  	_ =	shalt  }
0x6f: {  	_ =	shalt  }
0x70: {  	_ =	shalt  }
0x71: {  	_ =	shalt  }
0x72: {  	_ =	shalt  }
0x73: {  	_ =	shalt  }
0x74: {  	_ =	shalt  }
0x75: {  	_ =	shalt  }
0x76: {  	_ =	shalt  }
0x77: {  	_ =	shalt  }
0x78: {  	_ =	shalt  }
0x79: {  	_ =	shalt  }
0x7a: {  	_ =	shalt  }
0x7b: {  	_ =	shalt  }
0x7c: {  	_ =	shalt  }
0x7d: {  	_ =	shalt  }
0x7e: {  	_ =	shalt  }
0x7f: {  	_ =	shalt  }
0x80: {  	_ =	shalt  }
0x81: {  	_ =	shalt  }
0x82: {  	_ =	shalt  }
0x83: {  	_ =	shalt  }
0x84: {  	_ =	shalt  }
0x85: {  	_ =	shalt  }
0x86: {  	_ =	shalt  }
0x87: {  	_ =	shalt  }
.Lfunc_end0:
.L_simem_size_0:
called_computation.1_lowered:
.L_overlay_start_0:
0x88: {  	s2 =	sld [smem:$0x3FD9]  }
0x89: {  	s3 =	sld [smem:$0x3FFE];
	_ =	sdelay $0x1  }
0x8a: {  	s1 =	srdreg.scid  }
0x8b: {  	s0 =	sand.u32 $0x1, s1  }
0x8c: {  	s17 =	sshll.u32 s0, $0xA;
	s2 =	sadd.s32 s3, s2  }
0x8d: {  	s2 =	sadd.s32 s2, s17  }
0x8e: {  	[smem:$0x3FBD] =	sst s2  }
0x8f: {  	_ = 	snop  }
0x90: {  	(tm) =	ssettm $0x1  }
0x91: {  	s18 =	sld [smem:$0x3FFB];
	_ =	sdelay $0x3  }
0x92: {  	_ =	strace s18  }
0x93: {  	s2 =	sld [smem:$0x3FFC];
	_ =	sdelay $0x3  }
0x94: {  	_ =	strace s2  }
0x95: {  	s2 =	sld [smem:$0x3FFD];
	_ =	sdelay $0x3  }
0x96: {  	_ =	strace s2  }
0x97: {  	_ =	strace $0x8FFFFFFF  }
0x98: {  	s19 =	sld [smem:$0x3FDB];
	_ =	sdelay $0x1  }
0x99: {  	s20 =	simm.s32 $_scs_section_size  }
0x9a: {  	s4 =	simm.s32 $_size__tile_overlayer_lowered;
	s5 =	simm.s32 $_tile_overlayer_lowered  }
0x9b: {  	s6 =	simm.s32 $0x1BFF;
	s21 =	sshll.u32 s5, $0x1;
	s3 =	sadd.s32 s20, s19  }
0x9c: {  	s22 =	simm.s32 $0x0;
	s4 =	sshll.u32 s4, $0x1;
	s5 =	sadd.s32 s21, s3  }
0x9d: {  	[timem:s22], [sflag:s6] =	dma.local [hbm:s5], s4  }
0x9e: {  	_ =	swait.ge [sflag:s6], s4  }
0x9f: {  	s4 =	ssub.s32 $0x0, s4;
	[sflag:s6] =	ssyncset.done $0x0  }
0xa0: {  	[sflag:s6] =	ssyncadd.s32 s4;
	_ =	sdelay $0x1  }
0xa1: {  	s23 =	simm.s32 $0x1B8B  }
0xa2: {  	_ =	swait.ge [sflag:s23], $0x1  }
0xa3: {  	[sflag:s23] =	ssyncset.done $0x0  }
0xa4: {  	[sflag:s23] =	ssyncadd.s32 $0xFFFFFFFF  }
0xa5: {  	s4 =	sld [smem:$0x0]  }
0xa6: {  	s5 =	sand.u32 $0xFFFFFFFE, s1  }
0xa7: {  	p0 =	sne.s32 s1, s5  }
0xa8: {  	s5 =	sshll.u32 @p0 s5, $0xE  }
0xa9: {  	s5 =	sadd.s32 @p0 $0x11B8D, s5;
	s6 =	sshll.u32 @p0 s4, $0x11  }
0xaa: {  	s5 =	sor.u32 @p0 s6, s5  }
0xab: {  	[sflag:s5] =	ssyncadd.remote.s32 @p0 $0x1;
	_ =	sdelay $0x1  }
0xac: {  	s5 =	simm.s32 @p0 $0x1B8D  }
0xad: {  	_ =	swait.eq @p0 [sflag:s5], $0x1  }
0xae: {  	[sflag:s5] =	ssyncadd.s32 @p0 $0xFFFFFFFF  }
0xaf: {  	s6 =	sshll.u32 @!p0 s1, $0xE  }
0xb0: {  	s6 =	sor.u32 @!p0 $0x4000, s6;
	s5 =	simm.s32 @!p0 $0x1B8D  }
0xb1: {  	s4 =	sshll.u32 @!p0 s4, $0x11;
	s6 =	sadd.s32 @!p0 $0x11B8D, s6;
	_ =	swait.eq @!p0 [sflag:s5], $0x1  }
0xb2: {  	s4 =	sor.u32 @!p0 s4, s6;
	[sflag:s5] =	ssyncadd.s32 @!p0 $0xFFFFFFFF  }
0xb3: {  	s25 =	simm.s32 $0x1B8E;
	s24 =	sld [smem:$0x3FFE];
	[sflag:s4] =	ssyncadd.remote.s32 @!p0 $0x1  }
0xb4: {  	s26 =	simm.s32 $execute0_lowered;
	[smem:$0x3FD2] =	sst s25  }
0xb5: {  	s5 =	sshll.u32 s26, $0x1;
	_ =	strace $0x8000004C;
	[dreg:$0x1] =	wrdreg $0xFFFFFFFF  }
0xb6: {  	s28 =	simm.s32 $_size_execute0_lowered;
	s3 =	sadd.s32 s3, s5;
	[dreg:$0x0] =	wrdreg $0x0  }
0xb7: {  	s5 =	sshll.u32 s28, $0x1;
	[dreg:$0x2] =	wrdreg s3  }
0xb8: {  	[dreg:$0x3] =	wrdreg s5  }
0xb9: {  	[dreg:$0x4] =	wrdreg $0xC0  }
0xba: {  	_ =	task [dreg:s22], $0x5FFFF  }
0xbb: {  	[dreg:$0x1] =	wrdreg $0xFFFFFFFF  }
0xbc: {  	[dreg:$0x0] =	wrdreg $0x60  }
0xbd: {  	[dreg:$0x2] =	wrdreg s24  }
0xbe: {  	[dreg:$0x3] =	wrdreg $0x81000  }
0xbf: {  	[dreg:$0x4] =	wrdreg $0x9  }
0xc0: {  	_ =	task.clear_ibuf [dreg:s22], $0x5FFFF;
	_ =	strace $0x9000004C  }
0xc1: {  	s29 =	simm.s32 $0x9;
	_ =	strace $0x8000004E  }
0xc2: {  	_ =	swait.ge [sflag:s29], $0x1  }
0xc3: {  	[sflag:s29] =	ssyncadd.s32 $0xFFFFFFFF  }
0xc4: {  	_ =	strace $0x9000004E  }
0xc5: {  	_ =	sfence  }
0xc6: {  	s30 =	sld [smem:$0x0];
	_ =	sdelay $0x2  }
0xc7: {  	s31 =	sshll.u32 s1, $0xD;
	s1 =	sshrl.u32 s1, $0x2  }
0xc8: {  	s4 =	sand.u32 $0x4000, s31;
	s1 =	sadd.s32 s1, s30  }
0xc9: {  	s0 =	sor.u32 s4, s0;
	s1 =	sshll.u32 s1, $0x11  }
0xca: {  	s0 =	sor.u32 s1, s0  }
0xcb: {  	s0 =	sadd.s32 $0x8F2B, s0  }
0xcc: {  	[sflag:s0] =	ssyncadd.remote.s32 $0x1  }
0xcd: {  	_ =	sfence.sel $0xFFFF  }
0xce: {  	[dreg:$0x0] =	wrdreg $0xFFFFFFFF;
	(pc) =	sbr.abs _section_cstart, $3  }
0xcf: {  	[dreg:$0x1] =	wrdreg $0xFFFFFFFF  }
0xd0: {  	_ =	task.clear_ibuf [dreg:s22], $0x2FFFF;
	_ =	strace $0x9FFFFFFF  }
0xd1: {  	(tm) =	ssettm $0x7FFFFFFF  }
tec
execute0_lowered:
.L_overlay_start_1:
0x0: {  	(tag) =	ssettag $0x1  }
0x1: {  	s0 =	rddreg [dreg:$0x0]  }
0x2: {  	s2 =	rddreg [dreg:$0x1]  }
0x3: {  	s3 =	simm.s32 $0x0;
	s1 =	srdreg.scid;
	s12 =	stileid.u32  }
0x4: {  	s28 =	simm.s32 $0x5;
	s29 =	simm.s32 $0x4080;
	s30 =	simm.s32 $0x4100  }
0x5: {  	s31 =	simm.s32 $0x1;
	[smem:$0x7FF] =	sst s3;
	s4 =	smul.u32 $0x50000, s12  }
0x6: {  	s1 =	sand.u32 $0x1, s1;
	s7 =	sadd.s32 $0x4600, s0;
	s11 =	smul.u32 $0x14000, s12  }
0x7: {  	s14 =	sadd.s32 $0x623800, s0;
	s0 =	sadd.s32 $0x83800, s0;
	s16 =	smul.u32 $0x28000, s12  }
0x8: {  	s20 =	sshll.u32 s12, $0x1;
	s18 =	smul.u32 $0x2800, s12;
	s5 =	ssub.s32 $0x2, s1  }
0x9: {  	_ =	strace $0x8000004D;
	s6 =	smul.u32 $0x140000, s1;
	s8 =	sshrl.u32 s5, $0x1  }
0xa: {  	s4 =	sshrl.u32 s4, $0x2;
	s26 =	sadd.s32 $0xC000, s11;
	s19 =	sadd.s32 s16, s14  }
0xb: {  	s5 =	ssub.s32 s5, s8;
	s9 =	sadd.s32 s6, s11;
	s8 =	sor.u32 s1, s20  }
0xc: {  	s4 =	sadd.s32 s4, s2;
	s9 =	sshrl.u32 s9, $0x3;
	s15 =	smul.u32 $0x1400, s8  }
0xd: {  	s5 =	smax.u32 s5, $0x1;
	s21 =	sadd.s32 $0x4000, s4;
	s22 =	smul.u32 $0x14000, s8  }
0xe: {  	s8 =	sadd.s32 $0x4000, s11;
	s9 =	sadd.s32 s0, s9;
	[dreg:$0x4] =	wrdreg s5  }
0xf: {  	[dreg:$0x5] =	wrdreg s21;
	s23 =	sadd.s32 s6, s8;
	s21 =	sadd.s32 $0x8000, s11  }
0x10: {  	[dreg:$0x3] =	wrdreg s9;
	s17 =	sor.u32 $0x80, s15;
	s5 =	sadd.s32 s14, s22  }
0x11: {  	s24 =	sshrl.u32 s23, $0x3;
	s10 =	sadd.s32 s6, s21;
	s22 =	sadd.s32 $0x10000, s11  }
0x12: {  	s9 =	sadd.s32 s6, s26;
	s20 =	sshrl.u32 s15, $0x3;
	s15 =	sadd.s32 $0xC000, s4  }
0x13: {  	[dreg:$0x6] =	wrdreg s5;
	s13 =	sshll.u32 s17, $0x4;
	s5 =	sadd.s32 s0, s24  }
0x14: {  	s25 =	sshrl.u32 s10, $0x3;
	s6 =	sadd.s32 s6, s22;
	s10 =	smul.u32 $0x1400, s1  }
0x15: {  	s11 =	sshrl.u32 s9, $0x3;
	s1 =	smul.u32 $0x14000, s1;
	s16 =	sadd.s32 s7, s20  }
0x16: {  	s17 =	sshrl.u32 s17, $0x3;
	s20 =	sadd.s32 $0x10000, s4;
	s24 =	sadd.s32 s8, s2  }
0x17: {  	[dreg:$0x7] =	wrdreg s5;
	s5 =	sadd.s32 s0, s25;
	s6 =	sshrl.u32 s6, $0x3  }
0x18: {  	s11 =	sadd.s32 s0, s11;
	s13 =	sadd.s32 s14, s13;
	s14 =	sadd.s32 $0x8000, s4  }
0x19: {  	s17 =	sadd.s32 s7, s17;
	s25 =	sadd.s32 s21, s2;
	[dreg:$0x8] =	wrdreg s5  }
0x1a: {  	s12 =	sadd.s32 s0, s6;
	s0 =	sadd.s32 s10, s18;
	s1 =	sadd.s32 s1, s19  }
0x1b: {  	s5 =	sadd.s32 s26, s2;
	s26 =	sadd.s32 s22, s2;
	s22 =	sshrl.u32 s24, $0x3  }
0x1c: {  	s23 =	sor.u32 $0x100, s0;
	s0 =	sor.u32 $0x180, s0;
	s21 =	sadd.s32 $0x1000, s1  }
0x1d: {  	s24 =	sshrl.u32 s5, $0x3;
	s1 =	simm.s32 $0x3;
	s5 =	simm.s32 $0x4  }
0x1e: {  	s6 =	sshrl.u32 s23, $0x3;
	s0 =	sshrl.u32 s0, $0x3;
	s23 =	sshrl.u32 s25, $0x3  }
0x1f: {  	s25 =	sshrl.u32 s26, $0x3;
	s26 =	simm.s32 $0x80;
	s18 =	sadd.s32 s6, s7  }
0x20: {  	v0 =	vimm.f32 $0.0e+00;
	s19 =	sadd.s32 s0, s7;
	s0 =	simm.s32 $0x2;
	s6 =	simm.s32 $0x0  }
.LBB2_1:
0x21: {  	s7 =	simm.s32 $0x0;
	s8 =	simm.s32 $0x200  }
.LBB2_2:
0x22: {  	p0 =	sne.s32 s8, $0xFE00;
	[tilespmem:s7+$0xF0] =	vst v0  }
0x23: {  	[tilespmem:s7+$0x80] =	vst v0  }
0x24: {  	[tilespmem:s7+$0x90] =	vst v0  }
.Ltmp0:
0x25: {  	[tilespmem:s7+$0xA0] =	vst v0;
	(pc) =	sbr.rel @p0 .LBB2_2-.Ltmp0, $4  }
0x26: {  	[tilespmem:s7+$0xB0] =	vst v0  }
0x27: {  	[tilespmem:s7+$0xC0] =	vst v0  }
0x28: {  	[tilespmem:s7+$0xD0] =	vst v0  }
0x29: {  	[tilespmem:s7+$0xE0] =	vst v0;
	s7 =	sshra.s32 s8, $0x2;
	s8 =	sadd.s32 $0x200, s8  }
0x2a: {  	[tilespmem:s7+$0xF0] =	vst v0  }
0x2b: {  	[tilespmem:s7+$0x80] =	vst v0  }
0x2c: {  	[tilespmem:s7+$0x90] =	vst v0  }
0x2d: {  	[tilespmem:s7+$0xA0] =	vst v0  }
0x2e: {  	[tilespmem:s7+$0xB0] =	vst v0  }
0x2f: {  	[tilespmem:s7+$0xC0] =	vst v0  }
0x30: {  	[tilespmem:s7+$0xD0] =	vst v0  }
0x31: {  	[tilespmem:s7+$0xE0] =	vst v0  }
0x32: {  	[spmem:s4] =	stream.linear.scatter [tilespmem:s26], [sflag:$0x5], $0x4000, $0x38;
	[tilespmem:$0x1C100] =	vst v63  }
0x33: {  	_ =	swait.ge [sflag:s28], $0x4000  }
0x34: {  	[sflag:s28] =	ssyncset.done $0x0  }
0x35: {  	s9 =	rddreg [dreg:$0x5];
	[sflag:s28] =	ssyncadd.s32 $0xFFFFC000  }
0x36: {  	[spmem:s9] =	stream.linear.scatter [tilespmem:s26], [sflag:$0x5], $0x4000, $0x38;
	[tilespmem:$0x1C100] =	vst v63  }
0x37: {  	_ =	swait.ge [sflag:s28], $0x4000  }
0x38: {  	[sflag:s28] =	ssyncset.done $0x0  }
0x39: {  	[sflag:s28] =	ssyncadd.s32 $0xFFFFC000  }
0x3a: {  	[spmem:s14] =	stream.linear.scatter [tilespmem:s26], [sflag:$0x5], $0x4000, $0x38;
	[tilespmem:$0x1C100] =	vst v63  }
0x3b: {  	_ =	swait.ge [sflag:s28], $0x4000  }
0x3c: {  	[sflag:s28] =	ssyncset.done $0x0  }
0x3d: {  	[sflag:s28] =	ssyncadd.s32 $0xFFFFC000  }
0x3e: {  	[spmem:s15] =	stream.linear.scatter [tilespmem:s26], [sflag:$0x5], $0x4000, $0x38;
	[tilespmem:$0x1C100] =	vst v63  }
0x3f: {  	_ =	swait.ge [sflag:s28], $0x4000  }
0x40: {  	[sflag:s28] =	ssyncset.done $0x0  }
0x41: {  	[sflag:s28] =	ssyncadd.s32 $0xFFFFC000  }
0x42: {  	[spmem:s20] =	stream.linear.scatter [tilespmem:s26], [sflag:$0x5], $0x4000, $0x38;
	[tilespmem:$0x1C100] =	vst v63  }
0x43: {  	_ =	swait.ge [sflag:s28], $0x4000  }
0x44: {  	[sflag:s28] =	ssyncset.done $0x0  }
0x45: {  	[sflag:s28] =	ssyncadd.s32 $0xFFFFC000  }
0x46: {  	s10 =	simm.s32 $0x0;
	[bflag:$0x0] =	sbarrier.arrive $0xFFFF  }
0x47: {  	[tilespmem:s10], [sflag:$0x5] =	stream.linear.gather [hbm4b:s16+s10], $0x80, $0x38;
	[tilespmem:$0x1C100] =	vst v63  }
0x48: {  	_ =	swait.ge [sflag:s28], $0x80  }
0x49: {  	[sflag:s28] =	ssyncset.done $0x0  }
0x4a: {  	s8 =	rddreg [dreg:$0x6];
	[sflag:s28] =	ssyncadd.s32 $0xFFFFFF80  }
0x4b: {  	[tilespmem:s26], [sflag:$0x1] =	stream.linear.gather [hbm4b:s8+s10], $0x4000, $0x38;
	[tilespmem:$0x1C100] =	vst v63  }
0x4c: {  	_ = 	snop  }
0x4d: {  	[tilespmem:s29], [sflag:$0x5] =	stream.linear.gather [hbm4b:s17+s10], $0x80, $0x38;
	[tilespmem:$0x1C100] =	vst v63  }
0x4e: {  	_ =	swait.ge [sflag:s28], $0x80  }
0x4f: {  	[sflag:s28] =	ssyncset.done $0x0  }
0x50: {  	[sflag:s28] =	ssyncadd.s32 $0xFFFFFF80  }
0x51: {  	[tilespmem:s30], [sflag:$0x2] =	stream.linear.gather [hbm4b:s13+s10], $0x4000, $0x38;
	[tilespmem:$0x1C100] =	vst v63  }
0x52: {  	_ =	swait.ge [sflag:s31], $0x4000  }
0x53: {  	[sflag:s31] =	ssyncset.done $0x0  }
0x54: {  	[sflag:s31] =	ssyncadd.s32 $0xFFFFC000  }
0x55: {  	[spmem:s2] =	stream.indirect.scatter.add.f32 [tilespmem:s26], [sflag:$0x3], $0x80, s10, s26, $0xb8;
	[tilespmem:$0x1C100] =	vst v63  }
0x56: {  	_ =	swait.ge [sflag:s0], $0x4000  }
0x57: {  	[sflag:s0] =	ssyncset.done $0x0  }
0x58: {  	[sflag:s0] =	ssyncadd.s32 $0xFFFFC000  }
0x59: {  	[spmem:s2] =	stream.indirect.scatter.add.f32 [tilespmem:s30], [sflag:$0x4], $0x80, s29, s26, $0xb8;
	[tilespmem:$0x1C100] =	vst v63  }
0x5a: {  	_ =	swait.ge [sflag:s1], $0x4000  }
0x5b: {  	[sflag:s1] =	ssyncset.done $0x0  }
0x5c: {  	[sflag:s1] =	ssyncadd.s32 $0xFFFFC000  }
0x5d: {  	_ =	swait.ge [sflag:s5], $0x4000  }
0x5e: {  	[sflag:s5] =	ssyncset.done $0x0  }
0x5f: {  	s8 =	sadd.s32 $0x0, s18;
	[sflag:s5] =	ssyncadd.s32 $0xFFFFC000  }
0x60: {  	[tilespmem:s3], [sflag:$0x5] =	stream.linear.gather [hbm4b:s8+s3], $0x80, $0x38;
	[tilespmem:$0x1C100] =	vst v63  }
0x61: {  	_ =	swait.ge [sflag:s28], $0x80  }
0x62: {  	[sflag:s28] =	ssyncset.done $0x0  }
0x63: {  	[sflag:s28] =	ssyncadd.s32 $0xFFFFFF80  }
0x64: {  	[tilespmem:s26], [sflag:$0x1] =	stream.linear.gather [hbm4b:s21+s3], $0x4000, $0x38;
	[tilespmem:$0x1C100] =	vst v63  }
0x65: {  	s9 =	sadd.s32 $0x0, s19  }
0x66: {  	[tilespmem:s29], [sflag:$0x5] =	stream.linear.gather [hbm4b:s9+s3], $0x80, $0x38;
	[tilespmem:$0x1C100] =	vst v63  }
0x67: {  	_ =	swait.ge [sflag:s28], $0x80  }
0x68: {  	[sflag:s28] =	ssyncset.done $0x0  }
0x69: {  	s10 =	sadd.s32 $0x800, s21;
	[sflag:s28] =	ssyncadd.s32 $0xFFFFFF80  }
0x6a: {  	[tilespmem:s30], [sflag:$0x2] =	stream.linear.gather [hbm4b:s10+s3], $0x4000, $0x38;
	[tilespmem:$0x1C100] =	vst v63  }
0x6b: {  	_ =	swait.ge [sflag:s31], $0x4000  }
0x6c: {  	[sflag:s31] =	ssyncset.done $0x0  }
0x6d: {  	[sflag:s31] =	ssyncadd.s32 $0xFFFFC000  }
0x6e: {  	[spmem:s2] =	stream.indirect.scatter.add.f32 [tilespmem:s26], [sflag:$0x3], $0x80, s3, s26, $0xb8;
	[tilespmem:$0x1C100] =	vst v63  }
0x6f: {  	_ =	swait.ge [sflag:s0], $0x4000  }
0x70: {  	[sflag:s0] =	ssyncset.done $0x0  }
0x71: {  	s7 =	simm.s32 $0x20;
	s8 =	sadd.s32 $0x1000, s21;
	[sflag:s0] =	ssyncadd.s32 $0xFFFFC000  }
.LBB2_4:
0x72: {  	[spmem:s2] =	stream.indirect.scatter.add.f32 [tilespmem:s30], [sflag:$0x4], $0x80, s29, s26, $0xb8;
	[tilespmem:$0x1C100] =	vst v63  }
0x73: {  	s9 =	smov.u32 s7  }
0x74: {  	p0 =	sne.s32 s7, $0x240;
	s7 =	sadd.s32 $0x20, s7;
	_ =	swait.ge [sflag:s1], $0x4000  }
0x75: {  	[sflag:s1] =	ssyncset.done $0x0  }
0x76: {  	[sflag:s1] =	ssyncadd.s32 $0xFFFFC000  }
0x77: {  	_ =	swait.ge [sflag:s5], $0x4000  }
0x78: {  	[sflag:s5] =	ssyncset.done $0x0  }
0x79: {  	s10 =	sadd.s32 s9, s18;
	[sflag:s5] =	ssyncadd.s32 $0xFFFFC000  }
0x7a: {  	[tilespmem:s3], [sflag:$0x5] =	stream.linear.gather [hbm4b:s10+s3], $0x80, $0x38;
	[tilespmem:$0x1C100] =	vst v63  }
0x7b: {  	_ =	swait.ge [sflag:s28], $0x80  }
0x7c: {  	[sflag:s28] =	ssyncset.done $0x0  }
0x7d: {  	[sflag:s28] =	ssyncadd.s32 $0xFFFFFF80  }
0x7e: {  	[tilespmem:s26], [sflag:$0x1] =	stream.linear.gather [hbm4b:s8+s3], $0x4000, $0x38;
	[tilespmem:$0x1C100] =	vst v63  }
0x7f: {  	s9 =	sadd.s32 s9, s19  }
0x80: {  	[tilespmem:s29], [sflag:$0x5] =	stream.linear.gather [hbm4b:s9+s3], $0x80, $0x38;
	[tilespmem:$0x1C100] =	vst v63  }
0x81: {  	_ =	swait.ge [sflag:s28], $0x80  }
0x82: {  	[sflag:s28] =	ssyncset.done $0x0  }
0x83: {  	s9 =	sadd.s32 $0x800, s8;
	[sflag:s28] =	ssyncadd.s32 $0xFFFFFF80  }
0x84: {  	[tilespmem:s30], [sflag:$0x2] =	stream.linear.gather [hbm4b:s9+s3], $0x4000, $0x38;
	[tilespmem:$0x1C100] =	vst v63  }
0x85: {  	_ =	swait.ge [sflag:s31], $0x4000  }
0x86: {  	[sflag:s31] =	ssyncset.done $0x0  }
.Ltmp1:
0x87: {  	[sflag:s31] =	ssyncadd.s32 $0xFFFFC000;
	(pc) =	sbr.rel @p0 .LBB2_4-.Ltmp1, $4  }
0x88: {  	[spmem:s2] =	stream.indirect.scatter.add.f32 [tilespmem:s26], [sflag:$0x3], $0x80, s3, s26, $0xb8;
	[tilespmem:$0x1C100] =	vst v63  }
0x89: {  	_ =	swait.ge [sflag:s0], $0x4000  }
0x8a: {  	[sflag:s0] =	ssyncset.done $0x0  }
0x8b: {  	s8 =	sadd.s32 $0x1000, s8;
	[sflag:s0] =	ssyncadd.s32 $0xFFFFC000  }
0x8c: {  	[spmem:s2] =	stream.indirect.scatter.add.f32 [tilespmem:s30], [sflag:$0x4], $0x80, s29, s26, $0xb8;
	[tilespmem:$0x1C100] =	vst v63  }
0x8d: {  	_ =	swait.ge [sflag:s1], $0x4000  }
0x8e: {  	[sflag:s1] =	ssyncset.done $0x0  }
0x8f: {  	[sflag:s1] =	ssyncadd.s32 $0xFFFFC000  }
0x90: {  	_ =	swait.ge [sflag:s5], $0x4000  }
0x91: {  	[sflag:s5] =	ssyncset.done $0x0  }
0x92: {  	s7 =	stileid.u32;
	[sflag:s5] =	ssyncadd.s32 $0xFFFFC000  }
0x93: {  	s7 =	sshll.u32 s7, $0x6;
	[bflag:$0x0] =	sbarrier.arrive $0xFFFF  }
0x94: {  	s8 =	sshrl.u32 s4, $0x3;
	s7 =	sor.u32 $0x1C05, s7;
	s9 =	rddreg [dreg:$0x3]  }
0x95: {  	[hbm:s9], [sflag:s7] =	dma.local [spmem:s8], $0x800  }
0x96: {  	_ =	swait.ge [sflag:s28], $0x800  }
0x97: {  	[sflag:s28] =	ssyncset.done $0x0  }
0x98: {  	s10 =	rddreg [dreg:$0x7];
	[sflag:s28] =	ssyncadd.s32 $0xFFFFF800  }
0x99: {  	[hbm:s10], [sflag:s7] =	dma.local [spmem:s22], $0x800  }
0x9a: {  	_ =	swait.ge [sflag:s28], $0x800  }
0x9b: {  	[sflag:s28] =	ssyncset.done $0x0  }
0x9c: {  	s9 =	rddreg [dreg:$0x8];
	[sflag:s28] =	ssyncadd.s32 $0xFFFFF800  }
0x9d: {  	[hbm:s9], [sflag:s7] =	dma.local [spmem:s23], $0x800  }
0x9e: {  	_ =	swait.ge [sflag:s28], $0x800  }
0x9f: {  	[sflag:s28] =	ssyncset.done $0x0  }
0xa0: {  	[sflag:s28] =	ssyncadd.s32 $0xFFFFF800  }
0xa1: {  	[hbm:s11], [sflag:s7] =	dma.local [spmem:s24], $0x800  }
0xa2: {  	_ =	swait.ge [sflag:s28], $0x800  }
0xa3: {  	[sflag:s28] =	ssyncset.done $0x0  }
0xa4: {  	[sflag:s28] =	ssyncadd.s32 $0xFFFFF800  }
0xa5: {  	[hbm:s12], [sflag:s7] =	dma.local [spmem:s25], $0x800  }
0xa6: {  	_ =	swait.ge [sflag:s28], $0x800  }
0xa7: {  	s6 =	sadd.s32 $0x1, s6;
	s10 =	rddreg [dreg:$0x4]  }
0xa8: {  	p0 =	sne.s32 s6, s10  }
.Ltmp2:
0xa9: {  	_ = 	snop;
	(pc) =	sbr.rel @p0 .LBB2_1-.Ltmp2, $3  }
0xaa: {  	_ =	sdelay $0x1  }
0xab: {  	[sflag:s28] =	ssyncset.done $0x0  }
0xac: {  	[sflag:s28] =	ssyncadd.s32 $0xFFFFF800  }
0xad: {  	_ =	sfence.sel $0x180000  }
0xae: {  	[bflag:$0x0] =	sbarrier.arrive $0xFFFF  }
0xaf: {  	_ =	strace $0x9000004D  }
0xb0: {  	s0 =	stileid.u32;
	[bflag:$0x2] =	sbarrier.arrive $0xFFFF  }
0xb1: {  	p0 =	sne.s32 s0, $0x0;
	s0 =	rddreg [dreg:$0x2]  }
0xb2: {  	s0 =	sadd.s32 @!p0 $0x100000, s0  }
0xb3: {  	[sflag:s0] =	ssyncadd.tile.s32 @!p0 $0x1;
	_ =	shalt  }
.Lfunc_end2:
_tile_overlayer_lowered:
.L_overlay_start_2:
0xb4: {  	(tag) =	ssettag $0x2  }
0xb5: {  	s0 =	rddreg [dreg:$0x0];
	s2 =	stileid.u32  }
0xb6: {  	s1 =	rddreg [dreg:$0x1];
	p0 =	sne.s32 s2, $0x0  }
0xb7: {  	s3 =	rddreg [dreg:$0x2];
	[bflag:$0x3] =	sbarrier.arrive $0xFFFF;
	s2 =	simm.s32 @!p0 $0x1C05  }
0xb8: {  	[timem:s3], [sflag:s2] =	dma.local @!p0 [hbm:s0], s1  }
0xb9: {  	s0 =	simm.s32 @!p0 $0x5  }
0xba: {  	_ =	swait.ge @!p0 [sflag:s0], s1  }
0xbb: {  	s1 =	ssub.s32 @!p0 $0x0, s1;
	[sflag:s0] =	ssyncset.done @!p0 $0x0  }
0xbc: {  	[sflag:s0] =	ssyncadd.s32 @!p0 s1  }
0xbd: {  	[bflag:$0x3] =	sbarrier.arrive $0xFFFF  }
0xbe: {  	_ =	shalt  }

// kernel: kernel.16.cloned.1.call-start
scs
__scs_entry_jumppad:
0x0: {  	(pc) =	sbr.rel $0x88, $3  }
0x1: {  	(tag) =	ssettag $0x0;
	lr =	simm.s32 $0x1  }
0x2: {  	[smem:$0x3F96] =	sst lr;
	_ =	strace $0xD0000000  }
0x3: {  	_ = 	snop  }
0x4: {  	_ = 	snop  }
0x5: {  	_ = 	snop  }
0x6: {  	_ = 	snop  }
0x7: {  	_ = 	snop  }
__scs_overlays_trampoline_lowered:
0x8: {  	[smem:$0x3FA5] =	sst s0  }
0x9: {  	[smem:$0x3FA6] =	sst s1  }
0xa: {  	[smem:$0x3FA7] =	sst s2  }
0xb: {  	[smem:$0x3FA8] =	sst s3  }
0xc: {  	[smem:$0x3FA9] =	sst s4  }
0xd: {  	[smem:$0x3FAA] =	sst s5  }
0xe: {  	[smem:$0x3FAB] =	sst s6  }
0xf: {  	[smem:$0x3FAC] =	sst s7  }
0x10: {  	[smem:$0x3FAD] =	sst s8  }
0x11: {  	[smem:$0x3FAE] =	sst s9;
	s0 =	simm.s32 @!p0 $0x0  }
0x12: {  	s1 =	sld [smem:$0x3F94];
	s0 =	simm.s32 @p0 $0x1  }
0x13: {  	[smem:$0x3FAF] =	sst s0;
	s0 =	simm.s32 @!p1 $0x0  }
0x14: {  	s2 =	sld [smem:$0x3F93];
	s0 =	simm.s32 @p1 $0x1  }
0x15: {  	[smem:$0x3FB0] =	sst s0;
	s0 =	simm.s32 @!p2 $0x0  }
0x16: {  	s3 =	sld [smem:$0x3FDB];
	s0 =	simm.s32 @p2 $0x1  }
0x17: {  	s4 =	simm.s32 $0x1BF5;
	[smem:$0x3FB2] =	sst s0  }
0x18: {  	s0 =	sld [smem:$0x3F95];
	_ =	swait.ge [sflag:s4], $0x0  }
0x19: {  	s7 =	sld [smem:$0x3F96]  }
0x1a: {  	s8 =	sadd.s32 $0xFFFFE003, lr  }
0x1b: {  	s9 =	sadd.s32 $0xFFFFFEF7, lr;
	s5 =	simm.s32 $0xFFFFFFFF;
	p2 =	slt.u32 s8, $0xFFFFF086  }
0x1c: {  	p1 =	slt.u32 s9, $0xF7A;
	s5 =	simm.s32 @!p2 $0x0  }
0x1d: {  	s5 =	simm.s32 @p1 $0x1;
	p0 =	seq.s32 s7, s2  }
0x1e: {  	s7 =	smul.u32 @!p0 $0xF7A, s2;
	p2 =	seq.s32 @!p0 s5, $0x0  }
0x1f: {  	s9 =	smul.u32 $0xF7A, s1;
	s8 =	simm.s32 @!p0 $0x1BF5;
	p2 =	por !p2, p0  }
0x20: {  	[sflag:s8] =	ssyncset.s32 @!p0 $0xFFFFF086;
	s6 =	sadd.s32 @!p0 s3, s7;
	s7 =	simm.s32 @!p0 $0x108  }
0x21: {  	s3 =	sadd.s32 s3, s9;
	s6 =	sadd.s32 @!p0 $0x88, s6;
	s7 =	simm.s32 @p2 $0x1082  }
0x22: {  	[simem:s7], [sflag:s8] =	dma.local @!p0 [hbm:s6], $0xF7A  }
0x23: {  	s9 =	sor.u32 $0xD0000000, s2;
	s6 =	simm.s32 $0x108;
	_ =	swait.ge @!p0 [sflag:s8], $0x0  }
0x24: {  	s3 =	sadd.s32 $0x88, s3;
	s6 =	simm.s32 @!p1 $0x1082;
	[sflag:s4] =	ssyncset.s32 $0xFFFFF086  }
0x25: {  	[simem:s6], [sflag:s4] =	dma.local [hbm:s3], $0xF7A  }
0x26: {  	[smem:$0x3F96] =	sst s1;
	(tag) =	ssettag s2;
	_ =	strace s9  }
0x27: {  	s1 =	sld [smem:$0x3FA6]  }
0x28: {  	s2 =	sld [smem:$0x3FA7]  }
0x29: {  	s4 =	sld [smem:$0x3FA9]  }
0x2a: {  	p0 =	seq.s32 s5, $0x0;
	s5 =	sld [smem:$0x3FAA]  }
0x2b: {  	s6 =	sld [smem:$0x3FAB]  }
0x2c: {  	s7 =	sld [smem:$0x3FAC]  }
0x2d: {  	s3 =	simm.s32 $0x108;
	s8 =	sld [smem:$0x3FAD]  }
0x2e: {  	s3 =	simm.s32 @!p0 $0x1082;
	s9 =	sld [smem:$0x3FAE]  }
0x2f: {  	lr =	sadd.s32 s0, s3;
	s0 =	sld [smem:$0x3FA5]  }
0x30: {  	s3 =	sld [smem:$0x3FA8]  }
0x31: {  	[smem:$0x3FB1] =	sst s10  }
0x32: {  	s10 =	sld [smem:$0x3FAF];
	_ =	sdelay $0x3  }
0x33: {  	p0 =	seq.s32 s10, $0x1;
	s10 =	sld [smem:$0x3FB1];
	_ =	sdelay $0x3  }
0x34: {  	[smem:$0x3FB1] =	sst s10  }
0x35: {  	s10 =	sld [smem:$0x3FB0];
	_ =	sdelay $0x3  }
0x36: {  	p1 =	seq.s32 s10, $0x1;
	s10 =	sld [smem:$0x3FB1];
	_ =	sdelay $0x3  }
0x37: {  	[smem:$0x3FB1] =	sst s10  }
0x38: {  	s10 =	sld [smem:$0x3FB2]  }
0x39: {  	_ = 	snop;
	(pc) =	sbr.ind lr, $3  }
0x3a: {  	_ = 	snop  }
0x3b: {  	_ = 	snop  }
0x3c: {  	p2 =	seq.s32 s10, $0x1;
	s10 =	sld [smem:$0x3FB1]  }
0x3d: {  	_ =	shalt  }
0x3e: {  	_ =	shalt  }
0x3f: {  	_ =	shalt  }
0x40: {  	_ =	shalt  }
0x41: {  	_ =	shalt  }
0x42: {  	_ =	shalt  }
0x43: {  	_ =	shalt  }
0x44: {  	_ =	shalt  }
0x45: {  	_ =	shalt  }
0x46: {  	_ =	shalt  }
0x47: {  	_ =	shalt  }
0x48: {  	_ =	shalt  }
0x49: {  	_ =	shalt  }
0x4a: {  	_ =	shalt  }
0x4b: {  	_ =	shalt  }
0x4c: {  	_ =	shalt  }
0x4d: {  	_ =	shalt  }
0x4e: {  	_ =	shalt  }
0x4f: {  	_ =	shalt  }
0x50: {  	_ =	shalt  }
0x51: {  	_ =	shalt  }
0x52: {  	_ =	shalt  }
0x53: {  	_ =	shalt  }
0x54: {  	_ =	shalt  }
0x55: {  	_ =	shalt  }
0x56: {  	_ =	shalt  }
0x57: {  	_ =	shalt  }
0x58: {  	_ =	shalt  }
0x59: {  	_ =	shalt  }
0x5a: {  	_ =	shalt  }
0x5b: {  	_ =	shalt  }
0x5c: {  	_ =	shalt  }
0x5d: {  	_ =	shalt  }
0x5e: {  	_ =	shalt  }
0x5f: {  	_ =	shalt  }
0x60: {  	_ =	shalt  }
0x61: {  	_ =	shalt  }
0x62: {  	_ =	shalt  }
0x63: {  	_ =	shalt  }
0x64: {  	_ =	shalt  }
0x65: {  	_ =	shalt  }
0x66: {  	_ =	shalt  }
0x67: {  	_ =	shalt  }
0x68: {  	_ =	shalt  }
0x69: {  	_ =	shalt  }
0x6a: {  	_ =	shalt  }
0x6b: {  	_ =	shalt  }
0x6c: {  	_ =	shalt  }
0x6d: {  	_ =	shalt  }
0x6e: {  	_ =	shalt  }
0x6f: {  	_ =	shalt  }
0x70: {  	_ =	shalt  }
0x71: {  	_ =	shalt  }
0x72: {  	_ =	shalt  }
0x73: {  	_ =	shalt  }
0x74: {  	_ =	shalt  }
0x75: {  	_ =	shalt  }
0x76: {  	_ =	shalt  }
0x77: {  	_ =	shalt  }
0x78: {  	_ =	shalt  }
0x79: {  	_ =	shalt  }
0x7a: {  	_ =	shalt  }
0x7b: {  	_ =	shalt  }
0x7c: {  	_ =	shalt  }
0x7d: {  	_ =	shalt  }
0x7e: {  	_ =	shalt  }
0x7f: {  	_ =	shalt  }
0x80: {  	_ =	shalt  }
0x81: {  	_ =	shalt  }
0x82: {  	_ =	shalt  }
0x83: {  	_ =	shalt  }
0x84: {  	_ =	shalt  }
0x85: {  	_ =	shalt  }
0x86: {  	_ =	shalt  }
0x87: {  	_ =	shalt  }
.Lfunc_end0:
.L_simem_size_0:
called_computation.2_lowered:
.L_overlay_start_0:
0x88: {  	s2 =	sld [smem:$0x3FD9]  }
0x89: {  	s3 =	sld [smem:$0x3FFE];
	_ =	sdelay $0x1  }
0x8a: {  	s1 =	srdreg.scid  }
0x8b: {  	s0 =	sand.u32 $0x1, s1  }
0x8c: {  	s17 =	sshll.u32 s0, $0xA;
	s2 =	sadd.s32 s3, s2  }
0x8d: {  	s2 =	sadd.s32 s2, s17  }
0x8e: {  	[smem:$0x3FBD] =	sst s2  }
0x8f: {  	_ = 	snop  }
0x90: {  	(tm) =	ssettm $0x1  }
0x91: {  	s18 =	sld [smem:$0x3FFB];
	_ =	sdelay $0x3  }
0x92: {  	_ =	strace s18  }
0x93: {  	s2 =	sld [smem:$0x3FFC];
	_ =	sdelay $0x3  }
0x94: {  	_ =	strace s2  }
0x95: {  	s2 =	sld [smem:$0x3FFD];
	_ =	sdelay $0x3  }
0x96: {  	_ =	strace s2  }
0x97: {  	_ =	strace $0x8FFFFFFF  }
0x98: {  	s19 =	sld [smem:$0x3FDB];
	_ =	sdelay $0x1  }
0x99: {  	s20 =	simm.s32 $_scs_section_size  }
0x9a: {  	s4 =	simm.s32 $_size__tile_overlayer_lowered;
	s5 =	simm.s32 $_tile_overlayer_lowered  }
0x9b: {  	s6 =	simm.s32 $0x1BFF;
	s21 =	sshll.u32 s5, $0x1;
	s3 =	sadd.s32 s20, s19  }
0x9c: {  	s22 =	simm.s32 $0x0;
	s4 =	sshll.u32 s4, $0x1;
	s5 =	sadd.s32 s21, s3  }
0x9d: {  	[timem:s22], [sflag:s6] =	dma.local [hbm:s5], s4  }
0x9e: {  	_ =	swait.ge [sflag:s6], s4  }
0x9f: {  	s4 =	ssub.s32 $0x0, s4;
	[sflag:s6] =	ssyncset.done $0x0  }
0xa0: {  	[sflag:s6] =	ssyncadd.s32 s4;
	_ =	sdelay $0x1  }
0xa1: {  	s23 =	simm.s32 $0x1B8B  }
0xa2: {  	_ =	swait.ge [sflag:s23], $0x1  }
0xa3: {  	[sflag:s23] =	ssyncset.done $0x0  }
0xa4: {  	[sflag:s23] =	ssyncadd.s32 $0xFFFFFFFF  }
0xa5: {  	s4 =	sld [smem:$0x0]  }
0xa6: {  	s5 =	sand.u32 $0xFFFFFFFE, s1  }
0xa7: {  	p0 =	sne.s32 s1, s5  }
0xa8: {  	s5 =	sshll.u32 @p0 s5, $0xE  }
0xa9: {  	s5 =	sadd.s32 @p0 $0x11B8D, s5;
	s6 =	sshll.u32 @p0 s4, $0x11  }
0xaa: {  	s5 =	sor.u32 @p0 s6, s5  }
0xab: {  	[sflag:s5] =	ssyncadd.remote.s32 @p0 $0x1;
	_ =	sdelay $0x1  }
0xac: {  	s5 =	simm.s32 @p0 $0x1B8D  }
0xad: {  	_ =	swait.eq @p0 [sflag:s5], $0x1  }
0xae: {  	[sflag:s5] =	ssyncadd.s32 @p0 $0xFFFFFFFF  }
0xaf: {  	s6 =	sshll.u32 @!p0 s1, $0xE  }
0xb0: {  	s6 =	sor.u32 @!p0 $0x4000, s6;
	s5 =	simm.s32 @!p0 $0x1B8D  }
0xb1: {  	s4 =	sshll.u32 @!p0 s4, $0x11;
	s6 =	sadd.s32 @!p0 $0x11B8D, s6;
	_ =	swait.eq @!p0 [sflag:s5], $0x1  }
0xb2: {  	s4 =	sor.u32 @!p0 s4, s6;
	[sflag:s5] =	ssyncadd.s32 @!p0 $0xFFFFFFFF  }
0xb3: {  	s25 =	simm.s32 $0x1B8E;
	s24 =	sld [smem:$0x3FFE];
	[sflag:s4] =	ssyncadd.remote.s32 @!p0 $0x1  }
0xb4: {  	s26 =	simm.s32 $execute0_lowered;
	[smem:$0x3FD2] =	sst s25  }
0xb5: {  	s5 =	sshll.u32 s26, $0x1;
	_ =	strace $0x80000049;
	[dreg:$0x1] =	wrdreg $0xFFFFFFFF  }
0xb6: {  	s28 =	simm.s32 $_size_execute0_lowered;
	s3 =	sadd.s32 s3, s5;
	[dreg:$0x0] =	wrdreg $0x0  }
0xb7: {  	s5 =	sshll.u32 s28, $0x1;
	[dreg:$0x2] =	wrdreg s3  }
0xb8: {  	[dreg:$0x3] =	wrdreg s5  }
0xb9: {  	[dreg:$0x4] =	wrdreg $0xC0  }
0xba: {  	_ =	task [dreg:s22], $0x5FFFF  }
0xbb: {  	[dreg:$0x1] =	wrdreg $0xFFFFFFFF  }
0xbc: {  	[dreg:$0x0] =	wrdreg $0x60  }
0xbd: {  	[dreg:$0x2] =	wrdreg s24  }
0xbe: {  	[dreg:$0x3] =	wrdreg $0xA  }
0xbf: {  	_ =	task.clear_ibuf [dreg:s22], $0x4FFFF;
	_ =	strace $0x90000049  }
0xc0: {  	s29 =	simm.s32 $0xA;
	_ =	strace $0x8000004B  }
0xc1: {  	_ =	swait.ge [sflag:s29], $0x1  }
0xc2: {  	[sflag:s29] =	ssyncadd.s32 $0xFFFFFFFF  }
0xc3: {  	_ =	strace $0x9000004B  }
0xc4: {  	_ =	sfence  }
0xc5: {  	s30 =	sld [smem:$0x0];
	_ =	sdelay $0x2  }
0xc6: {  	s31 =	sshll.u32 s1, $0xD;
	s1 =	sshrl.u32 s1, $0x2  }
0xc7: {  	s4 =	sand.u32 $0x4000, s31;
	s1 =	sadd.s32 s1, s30  }
0xc8: {  	s0 =	sor.u32 s4, s0;
	s1 =	sshll.u32 s1, $0x11  }
0xc9: {  	s0 =	sor.u32 s1, s0  }
0xca: {  	s0 =	sadd.s32 $0x8F2B, s0  }
0xcb: {  	[sflag:s0] =	ssyncadd.remote.s32 $0x1  }
0xcc: {  	_ =	sfence.sel $0xFFFF  }
0xcd: {  	[dreg:$0x0] =	wrdreg $0xFFFFFFFF;
	(pc) =	sbr.abs _section_cstart, $3  }
0xce: {  	[dreg:$0x1] =	wrdreg $0xFFFFFFFF  }
0xcf: {  	_ =	task.clear_ibuf [dreg:s22], $0x2FFFF;
	_ =	strace $0x9FFFFFFF  }
0xd0: {  	(tm) =	ssettm $0x7FFFFFFF  }
0xd1: {  	_ =	shalt  }
tec
execute0_lowered:
.L_overlay_start_1:
0x0: {  	(tag) =	ssettag $0x1  }
0x1: {  	s0 =	rddreg [dreg:$0x0];
	s1 =	simm.s32 $0x0;
	s2 =	srdreg.scid  }
0x2: {  	s7 =	stileid.u32;
	s11 =	simm.s32 $0x5;
	s12 =	simm.s32 $0x40  }
0x3: {  	s13 =	simm.s32 $0x80;
	s14 =	simm.s32 $0x2480;
	s15 =	simm.s32 $0x6C80  }
0x4: {  	s16 =	simm.s32 $0x6CC0;
	s17 =	simm.s32 $0x6D00;
	s18 =	simm.s32 $0x9100  }
0x5: {  	s19 =	simm.s32 $0x1;
	s20 =	simm.s32 $0x4880;
	s21 =	simm.s32 $0x6880  }
0x6: {  	s22 =	simm.s32 $0x2;
	s23 =	simm.s32 $0xB500;
	s24 =	simm.s32 $0xD500  }
0x7: {  	[smem:$0x7FF] =	sst s1;
	s3 =	sadd.s32 $0x57800, s0;
	s2 =	sand.u32 $0x1, s2  }
0x8: {  	s4 =	sadd.s32 $0x9600, s0;
	s5 =	sadd.s32 $0x3A600, s0;
	s9 =	ssub.s32 $0x2, s2  }
0x9: {  	s6 =	sadd.s32 $0x35600, s0;
	s8 =	sshll.u32 s7, $0x1;
	s10 =	sshrl.u32 s9, $0x1  }
0xa: {  	s7 =	sadd.s32 $0x3A3800, s0;
	_ =	strace $0x8000004A;
	s31 =	ssub.s32 s9, s10  }
0xb: {  	s2 =	sor.u32 s2, s8;
	s8 =	sadd.s32 $0x353800, s0;
	s0 =	smax.u32 s31, $0x1  }
0xc: {  	s9 =	smul.u32 $0x1400, s2;
	s10 =	simm.s32 $0x0;
	[dreg:$0x2] =	wrdreg s0  }
.LBB2_1:
0xd: {  	[dreg:$0x3] =	wrdreg s10;
	s29 =	simm.s32 $0x0  }
.LBB2_2:
0xe: {  	p0 =	seq.s32 s29, $0x0  }
0xf: {  	s0 =	simm.s32 @!p0 $0x3  }
0x10: {  	_ =	swait.ge @!p0 [sflag:s0], $0x2000  }
0x11: {  	[sflag:s0] =	ssyncset.done @!p0 $0x0  }
0x12: {  	[sflag:s0] =	ssyncadd.s32 @!p0 $0xFFFFE000  }
0x13: {  	_ =	swait.ge @!p0 [sflag:s0], $0x400  }
0x14: {  	[sflag:s0] =	ssyncset.done @!p0 $0x0  }
0x15: {  	[sflag:s0] =	ssyncadd.s32 @!p0 $0xFFFFFC00;
	s0 =	simm.s32 @!p0 $0x4  }
0x16: {  	_ =	swait.ge @!p0 [sflag:s0], $0x2000  }
0x17: {  	[sflag:s0] =	ssyncset.done @!p0 $0x0  }
0x18: {  	s2 =	sshll.u32 s29, $0x7;
	[sflag:s0] =	ssyncadd.s32 @!p0 $0xFFFFE000  }
0x19: {  	s31 =	sadd.s32 s9, s2;
	_ =	swait.ge @!p0 [sflag:s0], $0x400  }
0x1a: {  	s2 =	sshrl.u32 s31, $0x3;
	[sflag:s0] =	ssyncset.done @!p0 $0x0  }
0x1b: {  	s10 =	simm.s32 $0x0;
	s28 =	sadd.s32 s5, s2;
	[sflag:s0] =	ssyncadd.s32 @!p0 $0xFFFFFC00  }
0x1c: {  	[tilespmem:s10], [sflag:$0x5] =	stream.linear.gather [hbm4b:s28+s10], $0x40, $0x38;
	[tilespmem:$0xD900] =	vst v63  }
0x1d: {  	_ =	swait.ge [sflag:s11], $0x40  }
0x1e: {  	[sflag:s11] =	ssyncset.done $0x0  }
0x1f: {  	s25 =	sadd.s32 s6, s2;
	[sflag:s11] =	ssyncadd.s32 $0xFFFFFFC0  }
0x20: {  	[tilespmem:s12], [sflag:$0x5] =	stream.linear.gather [hbm4b:s25+s10], $0x40, $0x38;
	[tilespmem:$0xD900] =	vst v63  }
0x21: {  	_ =	swait.ge [sflag:s11], $0x40  }
0x22: {  	[sflag:s11] =	ssyncset.done $0x0  }
0x23: {  	s30 =	sor.u32 $0x40, s31;
	[sflag:s11] =	ssyncadd.s32 $0xFFFFFFC0  }
0x24: {  	[tilespmem:s13], [sflag:$0x1] =	stream.indirect.gather [hbm4b:s3+s12], $0x90, s10, s12, $0xb8;
	[tilespmem:$0xD900] =	vst v63  }
0x25: {  	s26 =	sshrl.u32 s30, $0x3  }
0x26: {  	[tilespmem:s14], [sflag:$0x1] =	stream.indirect.gather [hbm4b:s4+s12], $0x90, s12, s12, $0xb8;
	[tilespmem:$0xD900] =	vst v63  }
0x27: {  	s28 =	sadd.s32 s5, s26  }
0x28: {  	[tilespmem:s15], [sflag:$0x5] =	stream.linear.gather [hbm4b:s28+s10], $0x40, $0x38;
	[tilespmem:$0xD900] =	vst v63  }
0x29: {  	_ =	swait.ge [sflag:s11], $0x40  }
0x2a: {  	[sflag:s11] =	ssyncset.done $0x0  }
0x2b: {  	s0 =	sadd.s32 s6, s26;
	[sflag:s11] =	ssyncadd.s32 $0xFFFFFFC0  }
0x2c: {  	[tilespmem:s16], [sflag:$0x5] =	stream.linear.gather [hbm4b:s0+s10], $0x40, $0x38;
	[tilespmem:$0xD900] =	vst v63  }
0x2d: {  	_ =	swait.ge [sflag:s11], $0x40  }
0x2e: {  	[sflag:s11] =	ssyncset.done $0x0  }
0x2f: {  	[sflag:s11] =	ssyncadd.s32 $0xFFFFFFC0  }
0x30: {  	[tilespmem:s17], [sflag:$0x2] =	stream.indirect.gather [hbm4b:s3+s12], $0x90, s15, s12, $0xb8;
	[tilespmem:$0xD900] =	vst v63  }
0x31: {  	_ = 	snop  }
0x32: {  	[tilespmem:s18], [sflag:$0x2] =	stream.indirect.gather [hbm4b:s4+s12], $0x90, s16, s12, $0xb8;
	[tilespmem:$0xD900] =	vst v63  }
0x33: {  	_ =	swait.ge [sflag:s19], $0x2400  }
0x34: {  	[sflag:s19] =	ssyncset.done $0x0  }
0x35: {  	[sflag:s19] =	ssyncadd.s32 $0xFFFFDC00  }
0x36: {  	_ =	swait.ge [sflag:s19], $0x2400  }
0x37: {  	[sflag:s19] =	ssyncset.done $0x0  }
0x38: {  	s2 =	simm.s32 $0x0;
	[sflag:s19] =	ssyncadd.s32 $0xFFFFDC00  }
0x39: {  	v0 =	vld [tilespmem:s2+$0x80]  }
0x3a: {  	v1 =	vld [tilespmem:s2+$0x2480];
	_ =	sdelay $0x4  }
0x3b: {  	v0 =	vadd.f32 v1, v0  }
0x3c: {  	s0 =	simm.s32 $0x48C0  }
0x3d: {  	[tilespmem:s0+$0xFFFFFFC0] =	vst v0  }
0x3e: {  	v0 =	vld [tilespmem:s2+$0x90]  }
0x3f: {  	v1 =	vld [tilespmem:s2+$0x2490];
	_ =	sdelay $0x4  }
0x40: {  	v0 =	vadd.f32 v1, v0;
	_ =	sdelay $0x1  }
0x41: {  	[tilespmem:s0+$0xFFFFFFD0] =	vst v0  }
0x42: {  	v0 =	vld [tilespmem:s2+$0xA0]  }
0x43: {  	v1 =	vld [tilespmem:s2+$0x24A0];
	_ =	sdelay $0x4  }
0x44: {  	v0 =	vadd.f32 v1, v0;
	_ =	sdelay $0x1  }
0x45: {  	[tilespmem:s0+$0xFFFFFFE0] =	vst v0  }
0x46: {  	v0 =	vld [tilespmem:s2+$0xB0]  }
0x47: {  	v1 =	vld [tilespmem:s2+$0x24B0];
	_ =	sdelay $0x4  }
0x48: {  	v0 =	vadd.f32 v1, v0;
	_ =	sdelay $0x1  }
0x49: {  	[tilespmem:s0+$0xFFFFFFF0] =	vst v0  }
0x4a: {  	v0 =	vld [tilespmem:s2+$0xC0]  }
0x4b: {  	v1 =	vld [tilespmem:s2+$0x24C0];
	_ =	sdelay $0x4  }
0x4c: {  	v0 =	vadd.f32 v1, v0;
	_ =	sdelay $0x1  }
0x4d: {  	[tilespmem:s0+$0x0] =	vst v0  }
0x4e: {  	v0 =	vld [tilespmem:s2+$0xD0]  }
0x4f: {  	v1 =	vld [tilespmem:s2+$0x24D0];
	_ =	sdelay $0x4  }
0x50: {  	v0 =	vadd.f32 v1, v0;
	_ =	sdelay $0x1  }
0x51: {  	[tilespmem:s0+$0x10] =	vst v0  }
0x52: {  	v0 =	vld [tilespmem:s2+$0xE0]  }
0x53: {  	v1 =	vld [tilespmem:s2+$0x24E0];
	_ =	sdelay $0x4  }
0x54: {  	v0 =	vadd.f32 v1, v0;
	_ =	sdelay $0x1  }
0x55: {  	[tilespmem:s0+$0x20] =	vst v0  }
0x56: {  	v0 =	vld [tilespmem:s2+$0xF0]  }
0x57: {  	v1 =	vld [tilespmem:s2+$0x24F0];
	_ =	sdelay $0x4  }
0x58: {  	s26 =	simm.s32 $0x240;
	s25 =	simm.s32 $0x6880;
	s10 =	simm.s32 $0x6880;
	v0 =	vadd.f32 v1, v0  }
.LBB2_3:
0x59: {  	_ = 	snop  }
0x5a: {  	p0 =	sne.s32 s26, $0x8DC0;
	s25 =	sadd.s32 $0x10, s25;
	[tilespmem:s0+$0x30] =	vst v0;
	s0 =	sadd.s32 $0x80, s0  }
0x5b: {  	s28 =	smov.u32 s26;
	s26 =	sadd.s32 $0x240, s26;
	v0 =	vld [tilespmem:s2+$0x100]  }
0x5c: {  	v1 =	vld [tilespmem:s2+$0x2500];
	_ =	sdelay $0x4  }
0x5d: {  	v0 =	vadd.f32 v1, v0;
	_ =	sdelay $0x1  }
0x5e: {  	s2 =	sshra.s32 s28, $0x2;
	[tilespmem:s10+$0x0] =	vst v0;
	s10 =	smov.u32 s25  }
0x5f: {  	v0 =	vld [tilespmem:s2+$0x80]  }
0x60: {  	v1 =	vld [tilespmem:s2+$0x2480];
	_ =	sdelay $0x4  }
0x61: {  	v0 =	vadd.f32 v1, v0;
	_ =	sdelay $0x1  }
0x62: {  	[tilespmem:s0+$0xFFFFFFC0] =	vst v0  }
0x63: {  	v0 =	vld [tilespmem:s2+$0x90]  }
0x64: {  	v1 =	vld [tilespmem:s2+$0x2490];
	_ =	sdelay $0x4  }
0x65: {  	v0 =	vadd.f32 v1, v0;
	_ =	sdelay $0x1  }
0x66: {  	[tilespmem:s0+$0xFFFFFFD0] =	vst v0  }
0x67: {  	v0 =	vld [tilespmem:s2+$0xA0]  }
0x68: {  	v1 =	vld [tilespmem:s2+$0x24A0];
	_ =	sdelay $0x4  }
0x69: {  	v0 =	vadd.f32 v1, v0;
	_ =	sdelay $0x1  }
0x6a: {  	[tilespmem:s0+$0xFFFFFFE0] =	vst v0  }
0x6b: {  	v0 =	vld [tilespmem:s2+$0xB0]  }
0x6c: {  	v1 =	vld [tilespmem:s2+$0x24B0];
	_ =	sdelay $0x4  }
0x6d: {  	v0 =	vadd.f32 v1, v0;
	_ =	sdelay $0x1  }
0x6e: {  	[tilespmem:s0+$0xFFFFFFF0] =	vst v0  }
0x6f: {  	v0 =	vld [tilespmem:s2+$0xC0]  }
0x70: {  	v1 =	vld [tilespmem:s2+$0x24C0];
	_ =	sdelay $0x4  }
0x71: {  	v0 =	vadd.f32 v1, v0;
	_ =	sdelay $0x1  }
0x72: {  	[tilespmem:s0+$0x0] =	vst v0  }
0x73: {  	v0 =	vld [tilespmem:s2+$0xD0]  }
0x74: {  	v1 =	vld [tilespmem:s2+$0x24D0];
	_ =	sdelay $0x4  }
0x75: {  	v0 =	vadd.f32 v1, v0;
	_ =	sdelay $0x1  }
0x76: {  	[tilespmem:s0+$0x10] =	vst v0  }
0x77: {  	v0 =	vld [tilespmem:s2+$0xE0]  }
0x78: {  	v1 =	vld [tilespmem:s2+$0x24E0];
	_ =	sdelay $0x4  }
0x79: {  	v0 =	vadd.f32 v1, v0;
	_ =	sdelay $0x1  }
0x7a: {  	[tilespmem:s0+$0x20] =	vst v0  }
0x7b: {  	v0 =	vld [tilespmem:s2+$0xF0]  }
0x7c: {  	v1 =	vld [tilespmem:s2+$0x24F0]  }
.Ltmp0:
0x7d: {  	(pc) =	sbr.rel @p0 .LBB2_3-.Ltmp0, $2  }
0x7e: {  	_ =	sdelay $0x2  }
0x7f: {  	v0 =	vadd.f32 v1, v0  }
0x80: {  	_ = 	snop  }
0x81: {  	[tilespmem:s0+$0x30] =	vst v0  }
0x82: {  	v0 =	vld [tilespmem:s2+$0x100]  }
0x83: {  	v1 =	vld [tilespmem:s2+$0x2500];
	_ =	sdelay $0x4  }
0x84: {  	v0 =	vadd.f32 v1, v0  }
0x85: {  	s25 =	sshll.u32 s31, $0x4  }
0x86: {  	s26 =	simm.s32 $0x0;
	s28 =	sshll.u32 s31, $0x1;
	s0 =	sadd.s32 s7, s25;
	[tilespmem:s10+$0x0] =	vst v0  }
0x87: {  	[hbm4b:s0+s26] =	stream.linear.scatter [tilespmem:s20], [sflag:$0x3], $0x2000, $0x38;
	[tilespmem:$0xD900] =	vst v63  }
0x88: {  	s0 =	sadd.s32 s8, s28  }
0x89: {  	[hbm4b:s0+s26] =	stream.linear.scatter [tilespmem:s21], [sflag:$0x3], $0x400, $0x38;
	[tilespmem:$0xD900] =	vst v63  }
0x8a: {  	_ =	swait.ge [sflag:s22], $0x2400  }
0x8b: {  	[sflag:s22] =	ssyncset.done $0x0  }
0x8c: {  	[sflag:s22] =	ssyncadd.s32 $0xFFFFDC00  }
0x8d: {  	_ =	swait.ge [sflag:s22], $0x2400  }
0x8e: {  	[sflag:s22] =	ssyncset.done $0x0  }
0x8f: {  	s2 =	simm.s32 $0x0;
	[sflag:s22] =	ssyncadd.s32 $0xFFFFDC00  }
0x90: {  	v0 =	vld [tilespmem:s2+$0x6D00]  }
0x91: {  	v1 =	vld [tilespmem:s2+$0x9100];
	_ =	sdelay $0x4  }
0x92: {  	v0 =	vadd.f32 v1, v0  }
0x93: {  	s0 =	simm.s32 $0xB540  }
0x94: {  	[tilespmem:s0+$0xFFFFFFC0] =	vst v0  }
0x95: {  	v0 =	vld [tilespmem:s2+$0x6D10]  }
0x96: {  	v1 =	vld [tilespmem:s2+$0x9110];
	_ =	sdelay $0x4  }
0x97: {  	v0 =	vadd.f32 v1, v0;
	_ =	sdelay $0x1  }
0x98: {  	[tilespmem:s0+$0xFFFFFFD0] =	vst v0  }
0x99: {  	v0 =	vld [tilespmem:s2+$0x6D20]  }
0x9a: {  	v1 =	vld [tilespmem:s2+$0x9120];
	_ =	sdelay $0x4  }
0x9b: {  	v0 =	vadd.f32 v1, v0;
	_ =	sdelay $0x1  }
0x9c: {  	[tilespmem:s0+$0xFFFFFFE0] =	vst v0  }
0x9d: {  	v0 =	vld [tilespmem:s2+$0x6D30]  }
0x9e: {  	v1 =	vld [tilespmem:s2+$0x9130];
	_ =	sdelay $0x4  }
0x9f: {  	v0 =	vadd.f32 v1, v0;
	_ =	sdelay $0x1  }
0xa0: {  	[tilespmem:s0+$0xFFFFFFF0] =	vst v0  }
0xa1: {  	v0 =	vld [tilespmem:s2+$0x6D40]  }
0xa2: {  	v1 =	vld [tilespmem:s2+$0x9140];
	_ =	sdelay $0x4  }
0xa3: {  	v0 =	vadd.f32 v1, v0;
	_ =	sdelay $0x1  }
0xa4: {  	[tilespmem:s0+$0x0] =	vst v0  }
0xa5: {  	v0 =	vld [tilespmem:s2+$0x6D50]  }
0xa6: {  	v1 =	vld [tilespmem:s2+$0x9150];
	_ =	sdelay $0x4  }
0xa7: {  	v0 =	vadd.f32 v1, v0;
	_ =	sdelay $0x1  }
0xa8: {  	[tilespmem:s0+$0x10] =	vst v0  }
0xa9: {  	v0 =	vld [tilespmem:s2+$0x6D60]  }
0xaa: {  	v1 =	vld [tilespmem:s2+$0x9160];
	_ =	sdelay $0x4  }
0xab: {  	v0 =	vadd.f32 v1, v0;
	_ =	sdelay $0x1  }
0xac: {  	[tilespmem:s0+$0x20] =	vst v0  }
0xad: {  	v0 =	vld [tilespmem:s2+$0x6D70]  }
0xae: {  	v1 =	vld [tilespmem:s2+$0x9170];
	_ =	sdelay $0x4  }
0xaf: {  	s31 =	simm.s32 $0xD500;
	s25 =	simm.s32 $0x240;
	s10 =	simm.s32 $0xD500;
	v0 =	vadd.f32 v1, v0  }
.LBB2_5:
0xb0: {  	_ = 	snop  }
0xb1: {  	p0 =	sne.s32 s25, $0x8DC0;
	s10 =	sadd.s32 $0x10, s10;
	[tilespmem:s0+$0x30] =	vst v0;
	s0 =	sadd.s32 $0x80, s0  }
0xb2: {  	s26 =	smov.u32 s25;
	s25 =	sadd.s32 $0x240, s25;
	v0 =	vld [tilespmem:s2+$0x6D80]  }
0xb3: {  	v1 =	vld [tilespmem:s2+$0x9180];
	_ =	sdelay $0x4  }
0xb4: {  	v0 =	vadd.f32 v1, v0;
	_ =	sdelay $0x1  }
0xb5: {  	s2 =	sshra.s32 s26, $0x2;
	[tilespmem:s31+$0x0] =	vst v0;
	s31 =	smov.u32 s10  }
0xb6: {  	v0 =	vld [tilespmem:s2+$0x6D00]  }
0xb7: {  	v1 =	vld [tilespmem:s2+$0x9100];
	_ =	sdelay $0x4  }
0xb8: {  	v0 =	vadd.f32 v1, v0;
	_ =	sdelay $0x1  }
0xb9: {  	[tilespmem:s0+$0xFFFFFFC0] =	vst v0  }
0xba: {  	v0 =	vld [tilespmem:s2+$0x6D10]  }
0xbb: {  	v1 =	vld [tilespmem:s2+$0x9110];
	_ =	sdelay $0x4  }
0xbc: {  	v0 =	vadd.f32 v1, v0;
	_ =	sdelay $0x1  }
0xbd: {  	[tilespmem:s0+$0xFFFFFFD0] =	vst v0  }
0xbe: {  	v0 =	vld [tilespmem:s2+$0x6D20]  }
0xbf: {  	v1 =	vld [tilespmem:s2+$0x9120];
	_ =	sdelay $0x4  }
0xc0: {  	v0 =	vadd.f32 v1, v0;
	_ =	sdelay $0x1  }
0xc1: {  	[tilespmem:s0+$0xFFFFFFE0] =	vst v0  }
0xc2: {  	v0 =	vld [tilespmem:s2+$0x6D30]  }
0xc3: {  	v1 =	vld [tilespmem:s2+$0x9130];
	_ =	sdelay $0x4  }
0xc4: {  	v0 =	vadd.f32 v1, v0;
	_ =	sdelay $0x1  }
0xc5: {  	[tilespmem:s0+$0xFFFFFFF0] =	vst v0  }
0xc6: {  	v0 =	vld [tilespmem:s2+$0x6D40]  }
0xc7: {  	v1 =	vld [tilespmem:s2+$0x9140];
	_ =	sdelay $0x4  }
0xc8: {  	v0 =	vadd.f32 v1, v0;
	_ =	sdelay $0x1  }
0xc9: {  	[tilespmem:s0+$0x0] =	vst v0  }
0xca: {  	v0 =	vld [tilespmem:s2+$0x6D50]  }
0xcb: {  	v1 =	vld [tilespmem:s2+$0x9150];
	_ =	sdelay $0x4  }
0xcc: {  	v0 =	vadd.f32 v1, v0;
	_ =	sdelay $0x1  }
0xcd: {  	[tilespmem:s0+$0x10] =	vst v0  }
0xce: {  	v0 =	vld [tilespmem:s2+$0x6D60]  }
0xcf: {  	v1 =	vld [tilespmem:s2+$0x9160];
	_ =	sdelay $0x4  }
0xd0: {  	v0 =	vadd.f32 v1, v0;
	_ =	sdelay $0x1  }
0xd1: {  	[tilespmem:s0+$0x20] =	vst v0  }
0xd2: {  	v0 =	vld [tilespmem:s2+$0x6D70]  }
0xd3: {  	v1 =	vld [tilespmem:s2+$0x9170]  }
.Ltmp1:
0xd4: {  	(pc) =	sbr.rel @p0 .LBB2_5-.Ltmp1, $2  }
0xd5: {  	_ =	sdelay $0x2  }
0xd6: {  	v0 =	vadd.f32 v1, v0  }
0xd7: {  	_ = 	snop  }
0xd8: {  	[tilespmem:s0+$0x30] =	vst v0  }
0xd9: {  	v0 =	vld [tilespmem:s2+$0x6D80]  }
0xda: {  	v1 =	vld [tilespmem:s2+$0x9180];
	_ =	sdelay $0x4  }
0xdb: {  	s28 =	sshll.u32 s30, $0x4;
	s29 =	sadd.s32 $0x1, s29;
	v0 =	vadd.f32 v1, v0  }
0xdc: {  	s0 =	sand.u32 $0x1FFFFC00, s28;
	p0 =	sne.s32 s29, $0x28  }
.Ltmp2:
0xdd: {  	s0 =	sadd.s32 s7, s0;
	[tilespmem:s31+$0x0] =	vst v0;
	s31 =	sshll.u32 s30, $0x1;
	(pc) =	sbr.rel @p0 .LBB2_2-.Ltmp2, $4  }
0xde: {  	[hbm4b:s0+s1] =	stream.linear.scatter [tilespmem:s23], [sflag:$0x4], $0x2000, $0x38;
	[tilespmem:$0xD900] =	vst v63  }
0xdf: {  	s0 =	sand.u32 $0x1FFFFF80, s31  }
0xe0: {  	s0 =	sadd.s32 s8, s0  }
0xe1: {  	[hbm4b:s0+s1] =	stream.linear.scatter [tilespmem:s24], [sflag:$0x4], $0x400, $0x38;
	[tilespmem:$0xD900] =	vst v63  }
0xe2: {  	s0 =	simm.s32 $0x3  }
0xe3: {  	_ =	swait.ge [sflag:s0], $0x2000  }
0xe4: {  	[sflag:s0] =	ssyncset.done $0x0  }
0xe5: {  	[sflag:s0] =	ssyncadd.s32 $0xFFFFE000  }
0xe6: {  	_ =	swait.ge [sflag:s0], $0x400  }
0xe7: {  	[sflag:s0] =	ssyncset.done $0x0  }
0xe8: {  	s2 =	simm.s32 $0x4;
	[sflag:s0] =	ssyncadd.s32 $0xFFFFFC00  }
0xe9: {  	_ =	swait.ge [sflag:s2], $0x2000  }
0xea: {  	[sflag:s2] =	ssyncset.done $0x0  }
0xeb: {  	[sflag:s2] =	ssyncadd.s32 $0xFFFFE000  }
0xec: {  	_ =	swait.ge [sflag:s2], $0x400  }
0xed: {  	s10 =	rddreg [dreg:$0x3]  }
0xee: {  	s31 =	rddreg [dreg:$0x2];
	s10 =	sadd.s32 $0x1, s10  }
0xef: {  	p0 =	sne.s32 s10, s31  }
.Ltmp3:
0xf0: {  	_ = 	snop;
	(pc) =	sbr.rel @p0 .LBB2_1-.Ltmp3, $3  }
0xf1: {  	_ =	sdelay $0x1  }
0xf2: {  	[sflag:s2] =	ssyncset.done $0x0  }
0xf3: {  	[sflag:s2] =	ssyncadd.s32 $0xFFFFFC00  }
0xf4: {  	_ =	sfence.sel $0x180000  }
0xf5: {  	[bflag:$0x0] =	sbarrier.arrive $0xFFFF  }
0xf6: {  	_ =	strace $0x9000004A  }
0xf7: {  	s0 =	stileid.u32;
	[bflag:$0x2] =	sbarrier.arrive $0xFFFF  }
0xf8: {  	p0 =	sne.s32 s0, $0x0;
	s0 =	rddreg [dreg:$0x1]  }
0xf9: {  	s0 =	sadd.s32 @!p0 $0x100000, s0  }
0xfa: {  	[sflag:s0] =	ssyncadd.tile.s32 @!p0 $0x1;
	_ =	shalt  }
.Lfunc_end2:
_tile_overlayer_lowered:
.L_overlay_start_2:
0xfb: {  	(tag) =	ssettag $0x2  }
0xfc: {  	s0 =	rddreg [dreg:$0x0];
	s2 =	stileid.u32  }
0xfd: {  	s1 =	rddreg [dreg:$0x1];
	p0 =	sne.s32 s2, $0x0  }
0xfe: {  	s3 =	rddreg [dreg:$0x2];
	[bflag:$0x3] =	sbarrier.arrive $0xFFFF;
	s2 =	simm.s32 @!p0 $0x1C05  }
0xff: {  	[timem:s3], [sflag:s2] =	dma.local @!p0 [hbm:s0], s1  }
0x100: {  	s0 =	simm.s32 @!p0 $0x5  }
0x101: {  	_ =	swait.ge @!p0 [sflag:s0], s1  }
0x102: {  	s1 =	ssub.s32 @!p0 $0x0, s1;
	[sflag:s0] =	ssyncset.done @!p0 $0x0  }
0x103: {  	[sflag:s0] =	ssyncadd.s32 @!p0 s1  }
0x104: {  	[bflag:$0x3] =	sbarrier.arrive $0xFFFF  }
0x105: {  	_ =	shalt  }

// kernel: kernel.19.cloned.1.call-start
scs
__scs_entry_jumppad:
0x0: {  	(pc) =	sbr.rel $0x88, $3  }
0x1: {  	(tag) =	ssettag $0x0;
	lr =	simm.s32 $0x1  }
0x2: {  	[smem:$0x3F96] =	sst lr;
	_ =	strace $0xD0000000  }
0x3: {  	_ = 	snop  }
0x4: {  	_ = 	snop  }
0x5: {  	_ = 	snop  }
0x6: {  	_ = 	snop  }
0x7: {  	_ = 	snop  }
__scs_overlays_trampoline_lowered:
0x8: {  	[smem:$0x3FA5] =	sst s0  }
0x9: {  	[smem:$0x3FA6] =	sst s1  }
0xa: {  	[smem:$0x3FA7] =	sst s2  }
0xb: {  	[smem:$0x3FA8] =	sst s3  }
0xc: {  	[smem:$0x3FA9] =	sst s4  }
0xd: {  	[smem:$0x3FAA] =	sst s5  }
0xe: {  	[smem:$0x3FAB] =	sst s6  }
0xf: {  	[smem:$0x3FAC] =	sst s7  }
0x10: {  	[smem:$0x3FAD] =	sst s8  }
0x11: {  	[smem:$0x3FAE] =	sst s9;
	s0 =	simm.s32 @!p0 $0x0  }
0x12: {  	s1 =	sld [smem:$0x3F94];
	s0 =	simm.s32 @p0 $0x1  }
0x13: {  	[smem:$0x3FAF] =	sst s0;
	s0 =	simm.s32 @!p1 $0x0  }
0x14: {  	s2 =	sld [smem:$0x3F93];
	s0 =	simm.s32 @p1 $0x1  }
0x15: {  	[smem:$0x3FB0] =	sst s0;
	s0 =	simm.s32 @!p2 $0x0  }
0x16: {  	s3 =	sld [smem:$0x3FDB];
	s0 =	simm.s32 @p2 $0x1  }
0x17: {  	s4 =	simm.s32 $0x1BF5;
	[smem:$0x3FB2] =	sst s0  }
0x18: {  	s0 =	sld [smem:$0x3F95];
	_ =	swait.ge [sflag:s4], $0x0  }
0x19: {  	s7 =	sld [smem:$0x3F96]  }
0x1a: {  	s8 =	sadd.s32 $0xFFFFE003, lr  }
0x1b: {  	s9 =	sadd.s32 $0xFFFFFEF7, lr;
	s5 =	simm.s32 $0xFFFFFFFF;
	p2 =	slt.u32 s8, $0xFFFFF086  }
0x1c: {  	p1 =	slt.u32 s9, $0xF7A;
	s5 =	simm.s32 @!p2 $0x0  }
0x1d: {  	s5 =	simm.s32 @p1 $0x1;
	p0 =	seq.s32 s7, s2  }
0x1e: {  	s7 =	smul.u32 @!p0 $0xF7A, s2;
	p2 =	seq.s32 @!p0 s5, $0x0  }
0x1f: {  	s9 =	smul.u32 $0xF7A, s1;
	s8 =	simm.s32 @!p0 $0x1BF5;
	p2 =	por !p2, p0  }
0x20: {  	[sflag:s8] =	ssyncset.s32 @!p0 $0xFFFFF086;
	s6 =	sadd.s32 @!p0 s3, s7;
	s7 =	simm.s32 @!p0 $0x108  }
0x21: {  	s3 =	sadd.s32 s3, s9;
	s6 =	sadd.s32 @!p0 $0x88, s6;
	s7 =	simm.s32 @p2 $0x1082  }
0x22: {  	[simem:s7], [sflag:s8] =	dma.local @!p0 [hbm:s6], $0xF7A  }
0x23: {  	s9 =	sor.u32 $0xD0000000, s2;
	s6 =	simm.s32 $0x108;
	_ =	swait.ge @!p0 [sflag:s8], $0x0  }
0x24: {  	s3 =	sadd.s32 $0x88, s3;
	s6 =	simm.s32 @!p1 $0x1082;
	[sflag:s4] =	ssyncset.s32 $0xFFFFF086  }
0x25: {  	[simem:s6], [sflag:s4] =	dma.local [hbm:s3], $0xF7A  }
0x26: {  	[smem:$0x3F96] =	sst s1;
	(tag) =	ssettag s2;
	_ =	strace s9  }
0x27: {  	s1 =	sld [smem:$0x3FA6]  }
0x28: {  	s2 =	sld [smem:$0x3FA7]  }
0x29: {  	s4 =	sld [smem:$0x3FA9]  }
0x2a: {  	p0 =	seq.s32 s5, $0x0;
	s5 =	sld [smem:$0x3FAA]  }
0x2b: {  	s6 =	sld [smem:$0x3FAB]  }
0x2c: {  	s7 =	sld [smem:$0x3FAC]  }
0x2d: {  	s3 =	simm.s32 $0x108;
	s8 =	sld [smem:$0x3FAD]  }
0x2e: {  	s3 =	simm.s32 @!p0 $0x1082;
	s9 =	sld [smem:$0x3FAE]  }
0x2f: {  	lr =	sadd.s32 s0, s3;
	s0 =	sld [smem:$0x3FA5]  }
0x30: {  	s3 =	sld [smem:$0x3FA8]  }
0x31: {  	[smem:$0x3FB1] =	sst s10  }
0x32: {  	s10 =	sld [smem:$0x3FAF];
	_ =	sdelay $0x3  }
0x33: {  	p0 =	seq.s32 s10, $0x1;
	s10 =	sld [smem:$0x3FB1];
	_ =	sdelay $0x3  }
0x34: {  	[smem:$0x3FB1] =	sst s10  }
0x35: {  	s10 =	sld [smem:$0x3FB0];
	_ =	sdelay $0x3  }
0x36: {  	p1 =	seq.s32 s10, $0x1;
	s10 =	sld [smem:$0x3FB1];
	_ =	sdelay $0x3  }
0x37: {  	[smem:$0x3FB1] =	sst s10  }
0x38: {  	s10 =	sld [smem:$0x3FB2]  }
0x39: {  	_ = 	snop;
	(pc) =	sbr.ind lr, $3  }
0x3a: {  	_ = 	snop  }
0x3b: {  	_ = 	snop  }
0x3c: {  	p2 =	seq.s32 s10, $0x1;
	s10 =	sld [smem:$0x3FB1]  }
0x3d: {  	_ =	shalt  }
0x3e: {  	_ =	shalt  }
0x3f: {  	_ =	shalt  }
0x40: {  	_ =	shalt  }
0x41: {  	_ =	shalt  }
0x42: {  	_ =	shalt  }
0x43: {  	_ =	shalt  }
0x44: {  	_ =	shalt  }
0x45: {  	_ =	shalt  }
0x46: {  	_ =	shalt  }
0x47: {  	_ =	shalt  }
0x48: {  	_ =	shalt  }
0x49: {  	_ =	shalt  }
0x4a: {  	_ =	shalt  }
0x4b: {  	_ =	shalt  }
0x4c: {  	_ =	shalt  }
0x4d: {  	_ =	shalt  }
0x4e: {  	_ =	shalt  }
0x4f: {  	_ =	shalt  }
0x50: {  	_ =	shalt  }
0x51: {  	_ =	shalt  }
0x52: {  	_ =	shalt  }
0x53: {  	_ =	shalt  }
0x54: {  	_ =	shalt  }
0x55: {  	_ =	shalt  }
0x56: {  	_ =	shalt  }
0x57: {  	_ =	shalt  }
0x58: {  	_ =	shalt  }
0x59: {  	_ =	shalt  }
0x5a: {  	_ =	shalt  }
0x5b: {  	_ =	shalt  }
0x5c: {  	_ =	shalt  }
0x5d: {  	_ =	shalt  }
0x5e: {  	_ =	shalt  }
0x5f: {  	_ =	shalt  }
0x60: {  	_ =	shalt  }
0x61: {  	_ =	shalt  }
0x62: {  	_ =	shalt  }
0x63: {  	_ =	shalt  }
0x64: {  	_ =	shalt  }
0x65: {  	_ =	shalt  }
0x66: {  	_ =	shalt  }
0x67: {  	_ =	shalt  }
0x68: {  	_ =	shalt  }
0x69: {  	_ =	shalt  }
0x6a: {  	_ =	shalt  }
0x6b: {  	_ =	shalt  }
0x6c: {  	_ =	shalt  }
0x6d: {  	_ =	shalt  }
0x6e: {  	_ =	shalt  }
0x6f: {  	_ =	shalt  }
0x70: {  	_ =	shalt  }
0x71: {  	_ =	shalt  }
0x72: {  	_ =	shalt  }
0x73: {  	_ =	shalt  }
0x74: {  	_ =	shalt  }
0x75: {  	_ =	shalt  }
0x76: {  	_ =	shalt  }
0x77: {  	_ =	shalt  }
0x78: {  	_ =	shalt  }
0x79: {  	_ =	shalt  }
0x7a: {  	_ =	shalt  }
0x7b: {  	_ =	shalt  }
0x7c: {  	_ =	shalt  }
0x7d: {  	_ =	shalt  }
0x7e: {  	_ =	shalt  }
0x7f: {  	_ =	shalt  }
0x80: {  	_ =	shalt  }
0x81: {  	_ =	shalt  }
0x82: {  	_ =	shalt  }
0x83: {  	_ =	shalt  }
0x84: {  	_ =	shalt  }
0x85: {  	_ =	shalt  }
0x86: {  	_ =	shalt  }
0x87: {  	_ =	shalt  }
.Lfunc_end0:
.L_simem_size_0:
called_computation.3_lowered:
.L_overlay_start_0:
0x88: {  	s2 =	sld [smem:$0x3FD9]  }
0x89: {  	s3 =	sld [smem:$0x3FFE];
	_ =	sdelay $0x1  }
0x8a: {  	s1 =	srdreg.scid  }
0x8b: {  	s0 =	sand.u32 $0x1, s1  }
0x8c: {  	s17 =	sshll.u32 s0, $0xA;
	s2 =	sadd.s32 s3, s2  }
0x8d: {  	s2 =	sadd.s32 s2, s17  }
0x8e: {  	[smem:$0x3FBD] =	sst s2  }
0x8f: {  	_ = 	snop  }
0x90: {  	(tm) =	ssettm $0x1  }
0x91: {  	s18 =	sld [smem:$0x3FFB];
	_ =	sdelay $0x3  }
0x92: {  	_ =	strace s18  }
0x93: {  	s2 =	sld [smem:$0x3FFC];
	_ =	sdelay $0x3  }
0x94: {  	_ =	strace s2  }
0x95: {  	s2 =	sld [smem:$0x3FFD];
	_ =	sdelay $0x3  }
0x96: {  	_ =	strace s2  }
0x97: {  	_ =	strace $0x8FFFFFFF  }
0x98: {  	s19 =	sld [smem:$0x3FDB];
	_ =	sdelay $0x1  }
0x99: {  	s20 =	simm.s32 $_scs_section_size  }
0x9a: {  	s4 =	simm.s32 $_size__tile_overlayer_lowered;
	s5 =	simm.s32 $_tile_overlayer_lowered  }
0x9b: {  	s6 =	simm.s32 $0x1BFF;
	s21 =	sshll.u32 s5, $0x1;
	s3 =	sadd.s32 s20, s19  }
0x9c: {  	s22 =	simm.s32 $0x0;
	s4 =	sshll.u32 s4, $0x1;
	s5 =	sadd.s32 s21, s3  }
0x9d: {  	[timem:s22], [sflag:s6] =	dma.local [hbm:s5], s4  }
0x9e: {  	_ =	swait.ge [sflag:s6], s4  }
0x9f: {  	s4 =	ssub.s32 $0x0, s4;
	[sflag:s6] =	ssyncset.done $0x0  }
0xa0: {  	[sflag:s6] =	ssyncadd.s32 s4;
	_ =	sdelay $0x1  }
0xa1: {  	s23 =	simm.s32 $0x1B8B  }
0xa2: {  	_ =	swait.ge [sflag:s23], $0x1  }
0xa3: {  	[sflag:s23] =	ssyncset.done $0x0  }
0xa4: {  	[sflag:s23] =	ssyncadd.s32 $0xFFFFFFFF  }
0xa5: {  	s4 =	sld [smem:$0x0]  }
0xa6: {  	s5 =	sand.u32 $0xFFFFFFFE, s1  }
0xa7: {  	p0 =	sne.s32 s1, s5  }
0xa8: {  	s5 =	sshll.u32 @p0 s5, $0xE  }
0xa9: {  	s5 =	sadd.s32 @p0 $0x11B8D, s5;
	s6 =	sshll.u32 @p0 s4, $0x11  }
0xaa: {  	s5 =	sor.u32 @p0 s6, s5  }
0xab: {  	[sflag:s5] =	ssyncadd.remote.s32 @p0 $0x1;
	_ =	sdelay $0x1  }
0xac: {  	s5 =	simm.s32 @p0 $0x1B8D  }
0xad: {  	_ =	swait.eq @p0 [sflag:s5], $0x1  }
0xae: {  	[sflag:s5] =	ssyncadd.s32 @p0 $0xFFFFFFFF  }
0xaf: {  	s6 =	sshll.u32 @!p0 s1, $0xE  }
0xb0: {  	s6 =	sor.u32 @!p0 $0x4000, s6;
	s5 =	simm.s32 @!p0 $0x1B8D  }
0xb1: {  	s4 =	sshll.u32 @!p0 s4, $0x11;
	s6 =	sadd.s32 @!p0 $0x11B8D, s6;
	_ =	swait.eq @!p0 [sflag:s5], $0x1  }
0xb2: {  	s4 =	sor.u32 @!p0 s4, s6;
	[sflag:s5] =	ssyncadd.s32 @!p0 $0xFFFFFFFF  }
0xb3: {  	s25 =	simm.s32 $0x1B8E;
	s24 =	sld [smem:$0x3FFE];
	[sflag:s4] =	ssyncadd.remote.s32 @!p0 $0x1  }
0xb4: {  	s26 =	simm.s32 $execute0_lowered;
	[smem:$0x3FD2] =	sst s25  }
0xb5: {  	s5 =	sshll.u32 s26, $0x1;
	_ =	strace $0x8000004F;
	[dreg:$0x1] =	wrdreg $0xFFFFFFFF  }
0xb6: {  	s28 =	simm.s32 $_size_execute0_lowered;
	s3 =	sadd.s32 s3, s5;
	[dreg:$0x0] =	wrdreg $0x0  }
0xb7: {  	s5 =	sshll.u32 s28, $0x1;
	[dreg:$0x2] =	wrdreg s3  }
0xb8: {  	[dreg:$0x3] =	wrdreg s5  }
0xb9: {  	[dreg:$0x4] =	wrdreg $0xC0  }
0xba: {  	_ =	task [dreg:s22], $0x5FFFF  }
0xbb: {  	[dreg:$0x1] =	wrdreg $0xFFFFFFFF  }
0xbc: {  	[dreg:$0x0] =	wrdreg $0x60  }
0xbd: {  	[dreg:$0x2] =	wrdreg s24  }
0xbe: {  	[dreg:$0x3] =	wrdreg $0x81000  }
0xbf: {  	[dreg:$0x4] =	wrdreg $0xA  }
0xc0: {  	_ =	task.clear_ibuf [dreg:s22], $0x5FFFF;
	_ =	strace $0x9000004F  }
0xc1: {  	s29 =	simm.s32 $0xA;
	_ =	strace $0x80000051  }
0xc2: {  	_ =	swait.ge [sflag:s29], $0x1  }
0xc3: {  	[sflag:s29] =	ssyncadd.s32 $0xFFFFFFFF  }
0xc4: {  	_ =	strace $0x90000051  }
0xc5: {  	_ =	sfence  }
0xc6: {  	s30 =	sld [smem:$0x0];
	_ =	sdelay $0x2  }
0xc7: {  	s31 =	sshll.u32 s1, $0xD;
	s1 =	sshrl.u32 s1, $0x2  }
0xc8: {  	s4 =	sand.u32 $0x4000, s31;
	s1 =	sadd.s32 s1, s30  }
0xc9: {  	s0 =	sor.u32 s4, s0;
	s1 =	sshll.u32 s1, $0x11  }
0xca: {  	s0 =	sor.u32 s1, s0  }
0xcb: {  	s0 =	sadd.s32 $0x8F2B, s0  }
0xcc: {  	[sflag:s0] =	ssyncadd.remote.s32 $0x1  }
0xcd: {  	_ =	sfence.sel $0xFFFF  }
0xce: {  	[dreg:$0x0] =	wrdreg $0xFFFFFFFF;
	(pc) =	sbr.abs _section_cstart, $3  }
0xcf: {  	[dreg:$0x1] =	wrdreg $0xFFFFFFFF  }
0xd0: {  	_ =	task.clear_ibuf [dreg:s22], $0x2FFFF;
	_ =	strace $0x9FFFFFFF  }
0xd1: {  	(tm) =	ssettm $0x7FFFFFFF  }
tec
execute0_lowered:
.L_overlay_start_1:
0x0: {  	(tag) =	ssettag $0x1  }
0x1: {  	s0 =	rddreg [dreg:$0x0]  }
0x2: {  	s2 =	rddreg [dreg:$0x1]  }
0x3: {  	s3 =	simm.s32 $0x0;
	s1 =	srdreg.scid;
	s12 =	stileid.u32  }
0x4: {  	s28 =	simm.s32 $0x5;
	s29 =	simm.s32 $0x4080;
	s30 =	simm.s32 $0x4100  }
0x5: {  	s31 =	simm.s32 $0x1;
	[smem:$0x7FF] =	sst s3;
	s4 =	smul.u32 $0x50000, s12  }
0x6: {  	s1 =	sand.u32 $0x1, s1;
	s7 =	sadd.s32 $0x3F600, s0;
	s11 =	smul.u32 $0x14000, s12  }
0x7: {  	s14 =	sadd.s32 $0xD3800, s0;
	s0 =	sadd.s32 $0x353800, s0;
	s16 =	smul.u32 $0x28000, s12  }
0x8: {  	s20 =	sshll.u32 s12, $0x1;
	s18 =	smul.u32 $0x2800, s12;
	s5 =	ssub.s32 $0x2, s1  }
0x9: {  	_ =	strace $0x80000050;
	s6 =	smul.u32 $0x140000, s1;
	s8 =	sshrl.u32 s5, $0x1  }
0xa: {  	s4 =	sshrl.u32 s4, $0x2;
	s26 =	sadd.s32 $0xC000, s11;
	s19 =	sadd.s32 s16, s14  }
0xb: {  	s5 =	ssub.s32 s5, s8;
	s9 =	sadd.s32 s6, s11;
	s8 =	sor.u32 s1, s20  }
0xc: {  	s4 =	sadd.s32 s4, s2;
	s9 =	sshrl.u32 s9, $0x3;
	s15 =	smul.u32 $0x1400, s8  }
0xd: {  	s5 =	smax.u32 s5, $0x1;
	s21 =	sadd.s32 $0x4000, s4;
	s22 =	smul.u32 $0x14000, s8  }
0xe: {  	s8 =	sadd.s32 $0x4000, s11;
	s9 =	sadd.s32 s0, s9;
	[dreg:$0x4] =	wrdreg s5  }
0xf: {  	[dreg:$0x5] =	wrdreg s21;
	s23 =	sadd.s32 s6, s8;
	s21 =	sadd.s32 $0x8000, s11  }
0x10: {  	[dreg:$0x3] =	wrdreg s9;
	s17 =	sor.u32 $0x80, s15;
	s5 =	sadd.s32 s14, s22  }
0x11: {  	s24 =	sshrl.u32 s23, $0x3;
	s10 =	sadd.s32 s6, s21;
	s22 =	sadd.s32 $0x10000, s11  }
0x12: {  	s9 =	sadd.s32 s6, s26;
	s20 =	sshrl.u32 s15, $0x3;
	s15 =	sadd.s32 $0xC000, s4  }
0x13: {  	[dreg:$0x6] =	wrdreg s5;
	s13 =	sshll.u32 s17, $0x4;
	s5 =	sadd.s32 s0, s24  }
0x14: {  	s25 =	sshrl.u32 s10, $0x3;
	s6 =	sadd.s32 s6, s22;
	s10 =	smul.u32 $0x1400, s1  }
0x15: {  	s11 =	sshrl.u32 s9, $0x3;
	s1 =	smul.u32 $0x14000, s1;
	s16 =	sadd.s32 s7, s20  }
0x16: {  	s17 =	sshrl.u32 s17, $0x3;
	s20 =	sadd.s32 $0x10000, s4;
	s24 =	sadd.s32 s8, s2  }
0x17: {  	[dreg:$0x7] =	wrdreg s5;
	s5 =	sadd.s32 s0, s25;
	s6 =	sshrl.u32 s6, $0x3  }
0x18: {  	s11 =	sadd.s32 s0, s11;
	s13 =	sadd.s32 s14, s13;
	s14 =	sadd.s32 $0x8000, s4  }
0x19: {  	s17 =	sadd.s32 s7, s17;
	s25 =	sadd.s32 s21, s2;
	[dreg:$0x8] =	wrdreg s5  }
0x1a: {  	s12 =	sadd.s32 s0, s6;
	s0 =	sadd.s32 s10, s18;
	s1 =	sadd.s32 s1, s19  }
0x1b: {  	s5 =	sadd.s32 s26, s2;
	s26 =	sadd.s32 s22, s2;
	s22 =	sshrl.u32 s24, $0x3  }
0x1c: {  	s23 =	sor.u32 $0x100, s0;
	s0 =	sor.u32 $0x180, s0;
	s21 =	sadd.s32 $0x1000, s1  }
0x1d: {  	s24 =	sshrl.u32 s5, $0x3;
	s1 =	simm.s32 $0x3;
	s5 =	simm.s32 $0x4  }
0x1e: {  	s6 =	sshrl.u32 s23, $0x3;
	s0 =	sshrl.u32 s0, $0x3;
	s23 =	sshrl.u32 s25, $0x3  }
0x1f: {  	s25 =	sshrl.u32 s26, $0x3;
	s26 =	simm.s32 $0x80;
	s18 =	sadd.s32 s6, s7  }
0x20: {  	v0 =	vimm.f32 $0.0e+00;
	s19 =	sadd.s32 s0, s7;
	s0 =	simm.s32 $0x2;
	s6 =	simm.s32 $0x0  }
.LBB2_1:
0x21: {  	s7 =	simm.s32 $0x0;
	s8 =	simm.s32 $0x200  }
.LBB2_2:
0x22: {  	p0 =	sne.s32 s8, $0xFE00;
	[tilespmem:s7+$0xF0] =	vst v0  }
0x23: {  	[tilespmem:s7+$0x80] =	vst v0  }
0x24: {  	[tilespmem:s7+$0x90] =	vst v0  }
.Ltmp0:
0x25: {  	[tilespmem:s7+$0xA0] =	vst v0;
	(pc) =	sbr.rel @p0 .LBB2_2-.Ltmp0, $4  }
0x26: {  	[tilespmem:s7+$0xB0] =	vst v0  }
0x27: {  	[tilespmem:s7+$0xC0] =	vst v0  }
0x28: {  	[tilespmem:s7+$0xD0] =	vst v0  }
0x29: {  	[tilespmem:s7+$0xE0] =	vst v0;
	s7 =	sshra.s32 s8, $0x2;
	s8 =	sadd.s32 $0x200, s8  }
0x2a: {  	[tilespmem:s7+$0xF0] =	vst v0  }
0x2b: {  	[tilespmem:s7+$0x80] =	vst v0  }
0x2c: {  	[tilespmem:s7+$0x90] =	vst v0  }
0x2d: {  	[tilespmem:s7+$0xA0] =	vst v0  }
0x2e: {  	[tilespmem:s7+$0xB0] =	vst v0  }
0x2f: {  	[tilespmem:s7+$0xC0] =	vst v0  }
0x30: {  	[tilespmem:s7+$0xD0] =	vst v0  }
0x31: {  	[tilespmem:s7+$0xE0] =	vst v0  }
0x32: {  	[spmem:s4] =	stream.linear.scatter [tilespmem:s26], [sflag:$0x5], $0x4000, $0x38;
	[tilespmem:$0x1C100] =	vst v63  }
0x33: {  	_ =	swait.ge [sflag:s28], $0x4000  }
0x34: {  	[sflag:s28] =	ssyncset.done $0x0  }
0x35: {  	s9 =	rddreg [dreg:$0x5];
	[sflag:s28] =	ssyncadd.s32 $0xFFFFC000  }
0x36: {  	[spmem:s9] =	stream.linear.scatter [tilespmem:s26], [sflag:$0x5], $0x4000, $0x38;
	[tilespmem:$0x1C100] =	vst v63  }
0x37: {  	_ =	swait.ge [sflag:s28], $0x4000  }
0x38: {  	[sflag:s28] =	ssyncset.done $0x0  }
0x39: {  	[sflag:s28] =	ssyncadd.s32 $0xFFFFC000  }
0x3a: {  	[spmem:s14] =	stream.linear.scatter [tilespmem:s26], [sflag:$0x5], $0x4000, $0x38;
	[tilespmem:$0x1C100] =	vst v63  }
0x3b: {  	_ =	swait.ge [sflag:s28], $0x4000  }
0x3c: {  	[sflag:s28] =	ssyncset.done $0x0  }
0x3d: {  	[sflag:s28] =	ssyncadd.s32 $0xFFFFC000  }
0x3e: {  	[spmem:s15] =	stream.linear.scatter [tilespmem:s26], [sflag:$0x5], $0x4000, $0x38;
	[tilespmem:$0x1C100] =	vst v63  }
0x3f: {  	_ =	swait.ge [sflag:s28], $0x4000  }
0x40: {  	[sflag:s28] =	ssyncset.done $0x0  }
0x41: {  	[sflag:s28] =	ssyncadd.s32 $0xFFFFC000  }
0x42: {  	[spmem:s20] =	stream.linear.scatter [tilespmem:s26], [sflag:$0x5], $0x4000, $0x38;
	[tilespmem:$0x1C100] =	vst v63  }
0x43: {  	_ =	swait.ge [sflag:s28], $0x4000  }
0x44: {  	[sflag:s28] =	ssyncset.done $0x0  }
0x45: {  	[sflag:s28] =	ssyncadd.s32 $0xFFFFC000  }
0x46: {  	s10 =	simm.s32 $0x0;
	[bflag:$0x0] =	sbarrier.arrive $0xFFFF  }
0x47: {  	[tilespmem:s10], [sflag:$0x5] =	stream.linear.gather [hbm4b:s16+s10], $0x80, $0x38;
	[tilespmem:$0x1C100] =	vst v63  }
0x48: {  	_ =	swait.ge [sflag:s28], $0x80  }
0x49: {  	[sflag:s28] =	ssyncset.done $0x0  }
0x4a: {  	s8 =	rddreg [dreg:$0x6];
	[sflag:s28] =	ssyncadd.s32 $0xFFFFFF80  }
0x4b: {  	[tilespmem:s26], [sflag:$0x1] =	stream.linear.gather [hbm4b:s8+s10], $0x4000, $0x38;
	[tilespmem:$0x1C100] =	vst v63  }
0x4c: {  	_ = 	snop  }
0x4d: {  	[tilespmem:s29], [sflag:$0x5] =	stream.linear.gather [hbm4b:s17+s10], $0x80, $0x38;
	[tilespmem:$0x1C100] =	vst v63  }
0x4e: {  	_ =	swait.ge [sflag:s28], $0x80  }
0x4f: {  	[sflag:s28] =	ssyncset.done $0x0  }
0x50: {  	[sflag:s28] =	ssyncadd.s32 $0xFFFFFF80  }
0x51: {  	[tilespmem:s30], [sflag:$0x2] =	stream.linear.gather [hbm4b:s13+s10], $0x4000, $0x38;
	[tilespmem:$0x1C100] =	vst v63  }
0x52: {  	_ =	swait.ge [sflag:s31], $0x4000  }
0x53: {  	[sflag:s31] =	ssyncset.done $0x0  }
0x54: {  	[sflag:s31] =	ssyncadd.s32 $0xFFFFC000  }
0x55: {  	[spmem:s2] =	stream.indirect.scatter.add.f32 [tilespmem:s26], [sflag:$0x3], $0x80, s10, s26, $0xb8;
	[tilespmem:$0x1C100] =	vst v63  }
0x56: {  	_ =	swait.ge [sflag:s0], $0x4000  }
0x57: {  	[sflag:s0] =	ssyncset.done $0x0  }
0x58: {  	[sflag:s0] =	ssyncadd.s32 $0xFFFFC000  }
0x59: {  	[spmem:s2] =	stream.indirect.scatter.add.f32 [tilespmem:s30], [sflag:$0x4], $0x80, s29, s26, $0xb8;
	[tilespmem:$0x1C100] =	vst v63  }
0x5a: {  	_ =	swait.ge [sflag:s1], $0x4000  }
0x5b: {  	[sflag:s1] =	ssyncset.done $0x0  }
0x5c: {  	[sflag:s1] =	ssyncadd.s32 $0xFFFFC000  }
0x5d: {  	_ =	swait.ge [sflag:s5], $0x4000  }
0x5e: {  	[sflag:s5] =	ssyncset.done $0x0  }
0x5f: {  	s8 =	sadd.s32 $0x0, s18;
	[sflag:s5] =	ssyncadd.s32 $0xFFFFC000  }
0x60: {  	[tilespmem:s3], [sflag:$0x5] =	stream.linear.gather [hbm4b:s8+s3], $0x80, $0x38;
	[tilespmem:$0x1C100] =	vst v63  }
0x61: {  	_ =	swait.ge [sflag:s28], $0x80  }
0x62: {  	[sflag:s28] =	ssyncset.done $0x0  }
0x63: {  	[sflag:s28] =	ssyncadd.s32 $0xFFFFFF80  }
0x64: {  	[tilespmem:s26], [sflag:$0x1] =	stream.linear.gather [hbm4b:s21+s3], $0x4000, $0x38;
	[tilespmem:$0x1C100] =	vst v63  }
0x65: {  	s9 =	sadd.s32 $0x0, s19  }
0x66: {  	[tilespmem:s29], [sflag:$0x5] =	stream.linear.gather [hbm4b:s9+s3], $0x80, $0x38;
	[tilespmem:$0x1C100] =	vst v63  }
0x67: {  	_ =	swait.ge [sflag:s28], $0x80  }
0x68: {  	[sflag:s28] =	ssyncset.done $0x0  }
0x69: {  	s10 =	sadd.s32 $0x800, s21;
	[sflag:s28] =	ssyncadd.s32 $0xFFFFFF80  }
0x6a: {  	[tilespmem:s30], [sflag:$0x2] =	stream.linear.gather [hbm4b:s10+s3], $0x4000, $0x38;
	[tilespmem:$0x1C100] =	vst v63  }
0x6b: {  	_ =	swait.ge [sflag:s31], $0x4000  }
0x6c: {  	[sflag:s31] =	ssyncset.done $0x0  }
0x6d: {  	[sflag:s31] =	ssyncadd.s32 $0xFFFFC000  }
0x6e: {  	[spmem:s2] =	stream.indirect.scatter.add.f32 [tilespmem:s26], [sflag:$0x3], $0x80, s3, s26, $0xb8;
	[tilespmem:$0x1C100] =	vst v63  }
0x6f: {  	_ =	swait.ge [sflag:s0], $0x4000  }
0x70: {  	[sflag:s0] =	ssyncset.done $0x0  }
0x71: {  	s7 =	simm.s32 $0x20;
	s8 =	sadd.s32 $0x1000, s21;
	[sflag:s0] =	ssyncadd.s32 $0xFFFFC000  }
.LBB2_4:
0x72: {  	[spmem:s2] =	stream.indirect.scatter.add.f32 [tilespmem:s30], [sflag:$0x4], $0x80, s29, s26, $0xb8;
	[tilespmem:$0x1C100] =	vst v63  }
0x73: {  	s9 =	smov.u32 s7  }
0x74: {  	p0 =	sne.s32 s7, $0x240;
	s7 =	sadd.s32 $0x20, s7;
	_ =	swait.ge [sflag:s1], $0x4000  }
0x75: {  	[sflag:s1] =	ssyncset.done $0x0  }
0x76: {  	[sflag:s1] =	ssyncadd.s32 $0xFFFFC000  }
0x77: {  	_ =	swait.ge [sflag:s5], $0x4000  }
0x78: {  	[sflag:s5] =	ssyncset.done $0x0  }
0x79: {  	s10 =	sadd.s32 s9, s18;
	[sflag:s5] =	ssyncadd.s32 $0xFFFFC000  }
0x7a: {  	[tilespmem:s3], [sflag:$0x5] =	stream.linear.gather [hbm4b:s10+s3], $0x80, $0x38;
	[tilespmem:$0x1C100] =	vst v63  }
0x7b: {  	_ =	swait.ge [sflag:s28], $0x80  }
0x7c: {  	[sflag:s28] =	ssyncset.done $0x0  }
0x7d: {  	[sflag:s28] =	ssyncadd.s32 $0xFFFFFF80  }
0x7e: {  	[tilespmem:s26], [sflag:$0x1] =	stream.linear.gather [hbm4b:s8+s3], $0x4000, $0x38;
	[tilespmem:$0x1C100] =	vst v63  }
0x7f: {  	s9 =	sadd.s32 s9, s19  }
0x80: {  	[tilespmem:s29], [sflag:$0x5] =	stream.linear.gather [hbm4b:s9+s3], $0x80, $0x38;
	[tilespmem:$0x1C100] =	vst v63  }
0x81: {  	_ =	swait.ge [sflag:s28], $0x80  }
0x82: {  	[sflag:s28] =	ssyncset.done $0x0  }
0x83: {  	s9 =	sadd.s32 $0x800, s8;
	[sflag:s28] =	ssyncadd.s32 $0xFFFFFF80  }
0x84: {  	[tilespmem:s30], [sflag:$0x2] =	stream.linear.gather [hbm4b:s9+s3], $0x4000, $0x38;
	[tilespmem:$0x1C100] =	vst v63  }
0x85: {  	_ =	swait.ge [sflag:s31], $0x4000  }
0x86: {  	[sflag:s31] =	ssyncset.done $0x0  }
.Ltmp1:
0x87: {  	[sflag:s31] =	ssyncadd.s32 $0xFFFFC000;
	(pc) =	sbr.rel @p0 .LBB2_4-.Ltmp1, $4  }
0x88: {  	[spmem:s2] =	stream.indirect.scatter.add.f32 [tilespmem:s26], [sflag:$0x3], $0x80, s3, s26, $0xb8;
	[tilespmem:$0x1C100] =	vst v63  }
0x89: {  	_ =	swait.ge [sflag:s0], $0x4000  }
0x8a: {  	[sflag:s0] =	ssyncset.done $0x0  }
0x8b: {  	s8 =	sadd.s32 $0x1000, s8;
	[sflag:s0] =	ssyncadd.s32 $0xFFFFC000  }
0x8c: {  	[spmem:s2] =	stream.indirect.scatter.add.f32 [tilespmem:s30], [sflag:$0x4], $0x80, s29, s26, $0xb8;
	[tilespmem:$0x1C100] =	vst v63  }
0x8d: {  	_ =	swait.ge [sflag:s1], $0x4000  }
0x8e: {  	[sflag:s1] =	ssyncset.done $0x0  }
0x8f: {  	[sflag:s1] =	ssyncadd.s32 $0xFFFFC000  }
0x90: {  	_ =	swait.ge [sflag:s5], $0x4000  }
0x91: {  	[sflag:s5] =	ssyncset.done $0x0  }
0x92: {  	s7 =	stileid.u32;
	[sflag:s5] =	ssyncadd.s32 $0xFFFFC000  }
0x93: {  	s7 =	sshll.u32 s7, $0x6;
	[bflag:$0x0] =	sbarrier.arrive $0xFFFF  }
0x94: {  	s8 =	sshrl.u32 s4, $0x3;
	s7 =	sor.u32 $0x1C05, s7;
	s9 =	rddreg [dreg:$0x3]  }
0x95: {  	[hbm:s9], [sflag:s7] =	dma.local [spmem:s8], $0x800  }
0x96: {  	_ =	swait.ge [sflag:s28], $0x800  }
0x97: {  	[sflag:s28] =	ssyncset.done $0x0  }
0x98: {  	s10 =	rddreg [dreg:$0x7];
	[sflag:s28] =	ssyncadd.s32 $0xFFFFF800  }
0x99: {  	[hbm:s10], [sflag:s7] =	dma.local [spmem:s22], $0x800  }
0x9a: {  	_ =	swait.ge [sflag:s28], $0x800  }
0x9b: {  	[sflag:s28] =	ssyncset.done $0x0  }
0x9c: {  	s9 =	rddreg [dreg:$0x8];
	[sflag:s28] =	ssyncadd.s32 $0xFFFFF800  }
0x9d: {  	[hbm:s9], [sflag:s7] =	dma.local [spmem:s23], $0x800  }
0x9e: {  	_ =	swait.ge [sflag:s28], $0x800  }
0x9f: {  	[sflag:s28] =	ssyncset.done $0x0  }
0xa0: {  	[sflag:s28] =	ssyncadd.s32 $0xFFFFF800  }
0xa1: {  	[hbm:s11], [sflag:s7] =	dma.local [spmem:s24], $0x800  }
0xa2: {  	_ =	swait.ge [sflag:s28], $0x800  }
0xa3: {  	[sflag:s28] =	ssyncset.done $0x0  }
0xa4: {  	[sflag:s28] =	ssyncadd.s32 $0xFFFFF800  }
0xa5: {  	[hbm:s12], [sflag:s7] =	dma.local [spmem:s25], $0x800  }
0xa6: {  	_ =	swait.ge [sflag:s28], $0x800  }
0xa7: {  	s6 =	sadd.s32 $0x1, s6;
	s10 =	rddreg [dreg:$0x4]  }
0xa8: {  	p0 =	sne.s32 s6, s10  }
.Ltmp2:
0xa9: {  	_ = 	snop;
	(pc) =	sbr.rel @p0 .LBB2_1-.Ltmp2, $3  }
0xaa: {  	_ =	sdelay $0x1  }
0xab: {  	[sflag:s28] =	ssyncset.done $0x0  }
0xac: {  	[sflag:s28] =	ssyncadd.s32 $0xFFFFF800  }
0xad: {  	_ =	sfence.sel $0x180000  }
0xae: {  	[bflag:$0x0] =	sbarrier.arrive $0xFFFF  }
0xaf: {  	_ =	strace $0x90000050  }
0xb0: {  	s0 =	stileid.u32;
	[bflag:$0x2] =	sbarrier.arrive $0xFFFF  }
0xb1: {  	p0 =	sne.s32 s0, $0x0;
	s0 =	rddreg [dreg:$0x2]  }
0xb2: {  	s0 =	sadd.s32 @!p0 $0x100000, s0  }
0xb3: {  	[sflag:s0] =	ssyncadd.tile.s32 @!p0 $0x1;
	_ =	shalt  }
.Lfunc_end2:
_tile_overlayer_lowered:
.L_overlay_start_2:
0xb4: {  	(tag) =	ssettag $0x2  }
0xb5: {  	s0 =	rddreg [dreg:$0x0];
	s2 =	stileid.u32  }
0xb6: {  	s1 =	rddreg [dreg:$0x1];
	p0 =	sne.s32 s2, $0x0  }
0xb7: {  	s3 =	rddreg [dreg:$0x2];
	[bflag:$0x3] =	sbarrier.arrive $0xFFFF;
	s2 =	simm.s32 @!p0 $0x1C05  }
0xb8: {  	[timem:s3], [sflag:s2] =	dma.local @!p0 [hbm:s0], s1  }
0xb9: {  	s0 =	simm.s32 @!p0 $0x5  }
0xba: {  	_ =	swait.ge @!p0 [sflag:s0], s1  }
0xbb: {  	s1 =	ssub.s32 @!p0 $0x0, s1;
	[sflag:s0] =	ssyncset.done @!p0 $0x0  }
0xbc: {  	[sflag:s0] =	ssyncadd.s32 @!p0 s1  }
0xbd: {  	[bflag:$0x3] =	sbarrier.arrive $0xFFFF  }
0xbe: {  	_ =	shalt  }

</sc_bundles>
